<compile_context>
chip_gen: v7x
topology: tpu7x:2x2x1
jax: 0.10.2.dev20260603
libtpu: 0.0.44.dev20260713+nightly
codegen_flags: <defaults>
</compile_context>

<pallas_src>
import functools

import jax
import jax.numpy as jnp
from jax import lax
from jax.experimental import pallas as pl
from jax.experimental.pallas import tpu as pltpu
from jax.experimental.pallas import tpu_sc as plsc

NC = 2
NS = 16
NW = NC * NS
L = 16

B = 16384
D = 64
BPW = B // NW
CH = 128
NCH = BPW // CH
GRP = BPW // L


def _sc_body(hidx, ridx, tidx, rel_hbm, ent_hbm, out_hbm,
             idx_h, idx_r, idx_t, rows_h, rows_r, rows_t, tpose, out_v, sem):
    c = lax.axis_index("c")
    s = lax.axis_index("s")
    w = s * NC + c

    pltpu.sync_copy(hidx.at[w], idx_h)
    pltpu.sync_copy(ridx.at[w], idx_r)
    pltpu.sync_copy(tidx.at[w], idx_t)

    copies = []
    for j in range(NCH):
        copies.append(pltpu.async_copy(
            ent_hbm.at[idx_h.at[j]], rows_h.at[pl.ds(j * CH, CH)], sem))
        copies.append(pltpu.async_copy(
            rel_hbm.at[idx_r.at[j]], rows_r.at[pl.ds(j * CH, CH)], sem))
        copies.append(pltpu.async_copy(
            ent_hbm.at[idx_t.at[j]], rows_t.at[pl.ds(j * CH, CH)], sem))
    for cp in copies:
        cp.wait()

    lanes = lax.iota(jnp.int32, L)

    def group(g, carry):
        score = jnp.zeros((L,), jnp.float32)
        for s16 in range(L):
            row = g * L + s16
            acc = None
            for k in range(D // L):
                h = rows_h[row, pl.ds(k * L, L)]
                r = rows_r[row, pl.ds(k * L, L)]
                t = rows_t[row, pl.ds(k * L, L)]
                p = h * r * t
                acc = p if acc is None else acc + p
            score = jnp.where(lanes == s16, jnp.sum(acc), score)
        out_v[pl.ds(g * L, L)] = score
        return carry

    lax.fori_loop(0, GRP, group, 0)

    pltpu.sync_copy(out_v, out_hbm.at[pl.ds(w * BPW, BPW)])


@functools.partial(jax.jit, static_argnames=())
def _sc_call(hidx, ridx, tidx, rel, ent):
    mesh = plsc.VectorSubcoreMesh(core_axis_name="c", subcore_axis_name="s")
    f = functools.partial(
        pl.kernel,
        out_type=jax.ShapeDtypeStruct((B,), jnp.float32),
        mesh=mesh,
        compiler_params=pltpu.CompilerParams(
            needs_layout_passes=False, use_tc_tiling_on_sc=False),
        scratch_types=[
            pltpu.VMEM((NCH, CH), jnp.int32),
            pltpu.VMEM((NCH, CH), jnp.int32),
            pltpu.VMEM((NCH, CH), jnp.int32),
            pltpu.VMEM((BPW, D), jnp.float32),
            pltpu.VMEM((BPW, D), jnp.float32),
            pltpu.VMEM((BPW, D), jnp.float32),
            pltpu.VMEM((L, L), jnp.float32),
            pltpu.VMEM((BPW,), jnp.float32),
            pltpu.SemaphoreType.DMA,
        ],
    )(_sc_body)
    return f(hidx, ridx, tidx, rel, ent)


def kernel(sample, relation_embedding, entity_embedding, neg):
    sample = sample.astype(jnp.int32)
    hidx = sample[:, 0].reshape(NW, NCH, CH)
    ridx = sample[:, 1].reshape(NW, NCH, CH)
    tidx = sample[:, 2].reshape(NW, NCH, CH)
    out = _sc_call(hidx, ridx, tidx, relation_embedding, entity_embedding)
    return out.reshape(B, 1)

# --- scband reference (transcript-rebuilt; emitter-appended) ---
"""Pipeline reference for scband-dist-mult-9646496547694 (READ-ONLY COPY).

The authoritative reference and input builder live on the scoring server;
editing this copy changes nothing except your own understanding.
"""

import jax, jax.numpy as jnp
import numpy as np


def setup_inputs(seed: int = 0) -> dict:
    key = jax.random.key(seed)
    k1, k2, k3 = jax.random.split(key, 3)
    sample = jax.random.randint(k1, (16384, 3), 0, 1000)
    relation_embedding = jax.random.normal(k2, (1000, 64), dtype=jnp.float32)
    entity_embedding = jax.random.normal(k3, (1000000, 64), dtype=jnp.float32)
    return {
        "sample": sample,
        "relation_embedding": relation_embedding,
        "entity_embedding": entity_embedding,
        "neg": False,
    }


def reference(sample, relation_embedding, entity_embedding, neg):
    # DistMult with neg=False (positive-triple scoring path)
    head = jnp.take(entity_embedding, sample[:, 0], axis=0)[:, None, :]
    relation = jnp.take(relation_embedding, sample[:, 1], axis=0)[:, None, :]
    tail = jnp.take(entity_embedding, sample[:, 2], axis=0)[:, None, :]
    score = (head * relation * tail).sum(axis=2)
    return score

if __name__ == "__main__":
    import jax
    _d = setup_inputs()
    print(jax.jit(kernel)(*tuple(_d.values())))

</pallas_src>

<mosaic_0001>
#map = affine_map<(d0, d1) -> (0, 0, 0)>
#map1 = affine_map<(d0, d1) -> (0, 0)>
#map2 = affine_map<(d0, d1) -> (0)>
module attributes {stable_mosaic.version = 14 : i64} {
  func.func @_sc_body(%arg0: i32, %arg1: i32, %arg2: memref<32x4x128xi32, #tpu.memory_space<hbm>>, %arg3: memref<32x4x128xi32, #tpu.memory_space<hbm>>, %arg4: memref<32x4x128xi32, #tpu.memory_space<hbm>>, %arg5: memref<1000x64xf32, #tpu.memory_space<hbm>>, %arg6: memref<1000000x64xf32, #tpu.memory_space<hbm>>, %arg7: memref<16384xf32, #tpu.memory_space<hbm>>, %arg8: memref<4x128xi32, #tpu.memory_space<vmem>>, %arg9: memref<4x128xi32, #tpu.memory_space<vmem>>, %arg10: memref<4x128xi32, #tpu.memory_space<vmem>>, %arg11: memref<512x64xf32, #tpu.memory_space<vmem>>, %arg12: memref<512x64xf32, #tpu.memory_space<vmem>>, %arg13: memref<512x64xf32, #tpu.memory_space<vmem>>, %arg14: memref<16x16xf32, #tpu.memory_space<vmem>>, %arg15: memref<512xf32, #tpu.memory_space<vmem>>, %arg16: memref<!tpu.dma_semaphore, #tpu.memory_space<semaphore_mem>>) attributes {dimension_semantics = [#tpu.dimension_semantics<core_parallel>, #tpu.dimension_semantics<subcore_parallel>], iteration_bounds = array<i64: 2, 16>, scalar_prefetch = 0 : i64, scratch_operands = 9 : i64, tpu.core_type = #tpu.core_type<sc_vector_subcore>, window_params = [{transform_indices = #map}, {transform_indices = #map}, {transform_indices = #map}, {transform_indices = #map1}, {transform_indices = #map1}, {transform_indices = #map2}]} {
    %mul3A = arith.constant 2 : i32
    %mul3A_0 = arith.muli %arg1, %mul3A : i32
    %add3A = arith.addi %mul3A_0, %arg0 : i32
    "tpu.region"() ({
      %run_scoped3A = tpu.sem_alloc : memref<!tpu.dma_semaphore, #tpu.memory_space<semaphore_mem>>
      %dma_start3A_246 = arith.constant 0 : i32
      %dma_start3A_247 = arith.constant 0 : i32
      %dma_start3A_248 = tpu.memref_slice %arg2[%add3A, %dma_start3A_246, %dma_start3A_247] : memref<32x4x128xi32, #tpu.memory_space<hbm>> -> memref<1x4x128xi32, #tpu.memory_space<hbm>>
      %dma_start3A_249 = tpu.memref_squeeze %dma_start3A_248 : memref<1x4x128xi32, #tpu.memory_space<hbm>> -> memref<4x128xi32, #tpu.memory_space<hbm>>
      %dma_start3A_250 = arith.constant 0 : i32
      %dma_start3A_251 = arith.constant 0 : i32
      %dma_start3A_252 = tpu.memref_slice %arg2[%add3A, %dma_start3A_250, %dma_start3A_251] : memref<32x4x128xi32, #tpu.memory_space<hbm>> -> memref<1x4x128xi32, #tpu.memory_space<hbm>>
      %dma_start3A_253 = tpu.memref_squeeze %dma_start3A_252 : memref<1x4x128xi32, #tpu.memory_space<hbm>> -> memref<4x128xi32, #tpu.memory_space<hbm>>
      tpu.enqueue_dma source(%dma_start3A_253 : memref<4x128xi32, #tpu.memory_space<hbm>>) target(%arg8 : memref<4x128xi32, #tpu.memory_space<vmem>>) target_semaphore(%run_scoped3A : memref<!tpu.dma_semaphore, #tpu.memory_space<semaphore_mem>>)
      %dma_wait3A_254 = arith.constant 0 : i32
      %dma_wait3A_255 = arith.constant 0 : i32
      %dma_wait3A_256 = tpu.memref_slice %arg2[%add3A, %dma_wait3A_254, %dma_wait3A_255] : memref<32x4x128xi32, #tpu.memory_space<hbm>> -> memref<1x4x128xi32, #tpu.memory_space<hbm>>
      %dma_wait3A_257 = tpu.memref_squeeze %dma_wait3A_256 : memref<1x4x128xi32, #tpu.memory_space<hbm>> -> memref<4x128xi32, #tpu.memory_space<hbm>>
      %dma_wait3A_258 = arith.constant 0 : i32
      %dma_wait3A_259 = arith.constant 0 : i32
      %dma_wait3A_260 = tpu.memref_slice %arg2[%add3A, %dma_wait3A_258, %dma_wait3A_259] : memref<32x4x128xi32, #tpu.memory_space<hbm>> -> memref<1x4x128xi32, #tpu.memory_space<hbm>>
      %dma_wait3A_261 = tpu.memref_squeeze %dma_wait3A_260 : memref<1x4x128xi32, #tpu.memory_space<hbm>> -> memref<4x128xi32, #tpu.memory_space<hbm>>
      tpu.wait_dma2 semaphore(%run_scoped3A : memref<!tpu.dma_semaphore, #tpu.memory_space<semaphore_mem>>) src(%dma_wait3A_261 : memref<4x128xi32, #tpu.memory_space<hbm>>) dst(%arg8 : memref<4x128xi32, #tpu.memory_space<vmem>>)
      tpu.yield
    }) : () -> ()
    "tpu.region"() ({
      %run_scoped3A = tpu.sem_alloc : memref<!tpu.dma_semaphore, #tpu.memory_space<semaphore_mem>>
      %dma_start3A_246 = arith.constant 0 : i32
      %dma_start3A_247 = arith.constant 0 : i32
      %dma_start3A_248 = tpu.memref_slice %arg3[%add3A, %dma_start3A_246, %dma_start3A_247] : memref<32x4x128xi32, #tpu.memory_space<hbm>> -> memref<1x4x128xi32, #tpu.memory_space<hbm>>
      %dma_start3A_249 = tpu.memref_squeeze %dma_start3A_248 : memref<1x4x128xi32, #tpu.memory_space<hbm>> -> memref<4x128xi32, #tpu.memory_space<hbm>>
      %dma_start3A_250 = arith.constant 0 : i32
      %dma_start3A_251 = arith.constant 0 : i32
      %dma_start3A_252 = tpu.memref_slice %arg3[%add3A, %dma_start3A_250, %dma_start3A_251] : memref<32x4x128xi32, #tpu.memory_space<hbm>> -> memref<1x4x128xi32, #tpu.memory_space<hbm>>
      %dma_start3A_253 = tpu.memref_squeeze %dma_start3A_252 : memref<1x4x128xi32, #tpu.memory_space<hbm>> -> memref<4x128xi32, #tpu.memory_space<hbm>>
      tpu.enqueue_dma source(%dma_start3A_253 : memref<4x128xi32, #tpu.memory_space<hbm>>) target(%arg9 : memref<4x128xi32, #tpu.memory_space<vmem>>) target_semaphore(%run_scoped3A : memref<!tpu.dma_semaphore, #tpu.memory_space<semaphore_mem>>)
      %dma_wait3A_254 = arith.constant 0 : i32
      %dma_wait3A_255 = arith.constant 0 : i32
      %dma_wait3A_256 = tpu.memref_slice %arg3[%add3A, %dma_wait3A_254, %dma_wait3A_255] : memref<32x4x128xi32, #tpu.memory_space<hbm>> -> memref<1x4x128xi32, #tpu.memory_space<hbm>>
      %dma_wait3A_257 = tpu.memref_squeeze %dma_wait3A_256 : memref<1x4x128xi32, #tpu.memory_space<hbm>> -> memref<4x128xi32, #tpu.memory_space<hbm>>
      %dma_wait3A_258 = arith.constant 0 : i32
      %dma_wait3A_259 = arith.constant 0 : i32
      %dma_wait3A_260 = tpu.memref_slice %arg3[%add3A, %dma_wait3A_258, %dma_wait3A_259] : memref<32x4x128xi32, #tpu.memory_space<hbm>> -> memref<1x4x128xi32, #tpu.memory_space<hbm>>
      %dma_wait3A_261 = tpu.memref_squeeze %dma_wait3A_260 : memref<1x4x128xi32, #tpu.memory_space<hbm>> -> memref<4x128xi32, #tpu.memory_space<hbm>>
      tpu.wait_dma2 semaphore(%run_scoped3A : memref<!tpu.dma_semaphore, #tpu.memory_space<semaphore_mem>>) src(%dma_wait3A_261 : memref<4x128xi32, #tpu.memory_space<hbm>>) dst(%arg9 : memref<4x128xi32, #tpu.memory_space<vmem>>)
      tpu.yield
    }) : () -> ()
    "tpu.region"() ({
      %run_scoped3A = tpu.sem_alloc : memref<!tpu.dma_semaphore, #tpu.memory_space<semaphore_mem>>
      %dma_start3A_246 = arith.constant 0 : i32
      %dma_start3A_247 = arith.constant 0 : i32
      %dma_start3A_248 = tpu.memref_slice %arg4[%add3A, %dma_start3A_246, %dma_start3A_247] : memref<32x4x128xi32, #tpu.memory_space<hbm>> -> memref<1x4x128xi32, #tpu.memory_space<hbm>>
      %dma_start3A_249 = tpu.memref_squeeze %dma_start3A_248 : memref<1x4x128xi32, #tpu.memory_space<hbm>> -> memref<4x128xi32, #tpu.memory_space<hbm>>
      %dma_start3A_250 = arith.constant 0 : i32
      %dma_start3A_251 = arith.constant 0 : i32
      %dma_start3A_252 = tpu.memref_slice %arg4[%add3A, %dma_start3A_250, %dma_start3A_251] : memref<32x4x128xi32, #tpu.memory_space<hbm>> -> memref<1x4x128xi32, #tpu.memory_space<hbm>>
      %dma_start3A_253 = tpu.memref_squeeze %dma_start3A_252 : memref<1x4x128xi32, #tpu.memory_space<hbm>> -> memref<4x128xi32, #tpu.memory_space<hbm>>
      tpu.enqueue_dma source(%dma_start3A_253 : memref<4x128xi32, #tpu.memory_space<hbm>>) target(%arg10 : memref<4x128xi32, #tpu.memory_space<vmem>>) target_semaphore(%run_scoped3A : memref<!tpu.dma_semaphore, #tpu.memory_space<semaphore_mem>>)
      %dma_wait3A_254 = arith.constant 0 : i32
      %dma_wait3A_255 = arith.constant 0 : i32
      %dma_wait3A_256 = tpu.memref_slice %arg4[%add3A, %dma_wait3A_254, %dma_wait3A_255] : memref<32x4x128xi32, #tpu.memory_space<hbm>> -> memref<1x4x128xi32, #tpu.memory_space<hbm>>
      %dma_wait3A_257 = tpu.memref_squeeze %dma_wait3A_256 : memref<1x4x128xi32, #tpu.memory_space<hbm>> -> memref<4x128xi32, #tpu.memory_space<hbm>>
      %dma_wait3A_258 = arith.constant 0 : i32
      %dma_wait3A_259 = arith.constant 0 : i32
      %dma_wait3A_260 = tpu.memref_slice %arg4[%add3A, %dma_wait3A_258, %dma_wait3A_259] : memref<32x4x128xi32, #tpu.memory_space<hbm>> -> memref<1x4x128xi32, #tpu.memory_space<hbm>>
      %dma_wait3A_261 = tpu.memref_squeeze %dma_wait3A_260 : memref<1x4x128xi32, #tpu.memory_space<hbm>> -> memref<4x128xi32, #tpu.memory_space<hbm>>
      tpu.wait_dma2 semaphore(%run_scoped3A : memref<!tpu.dma_semaphore, #tpu.memory_space<semaphore_mem>>) src(%dma_wait3A_261 : memref<4x128xi32, #tpu.memory_space<hbm>>) dst(%arg10 : memref<4x128xi32, #tpu.memory_space<vmem>>)
      tpu.yield
    }) : () -> ()
    %dma_start3A = arith.constant 0 : i32
    %dma_start3A_1 = arith.constant 0 : i32
    %dma_start3A_2 = arith.constant 0 : i32
    %dma_start3A_3 = tpu.memref_slice %arg11[%dma_start3A_1, %dma_start3A_2] : memref<512x64xf32, #tpu.memory_space<vmem>> -> memref<128x64xf32, #tpu.memory_space<vmem>>
    %dma_start3A_4 = arith.constant 0 : i32
    %dma_start3A_5 = tpu.memref_slice %arg8[%dma_start3A, %dma_start3A_4] : memref<4x128xi32, #tpu.memory_space<vmem>> -> memref<1x128xi32, #tpu.memory_space<vmem>>
    %dma_start3A_6 = tpu.memref_squeeze %dma_start3A_5 : memref<1x128xi32, #tpu.memory_space<vmem>> -> memref<128xi32, #tpu.memory_space<vmem>>
    %dma_start3A_7 = arith.constant 0 : i32
    %dma_start3A_8 = arith.constant 0 : i32
    %dma_start3A_9 = tpu.memref_slice %arg6[%dma_start3A_7, %dma_start3A_8] : memref<1000000x64xf32, #tpu.memory_space<hbm>> -> memref<1000000x64xf32, #tpu.memory_space<hbm>>
    tpu.enqueue_indirect_dma source(%dma_start3A_9 : memref<1000000x64xf32, #tpu.memory_space<hbm>>) target(%dma_start3A_3 : memref<128x64xf32, #tpu.memory_space<vmem>>) offsets(%dma_start3A_6 : memref<128xi32, #tpu.memory_space<vmem>>) semaphore(%arg16 : memref<!tpu.dma_semaphore, #tpu.memory_space<semaphore_mem>>)
    %dma_start3A_10 = arith.constant 0 : i32
    %dma_start3A_11 = arith.constant 0 : i32
    %dma_start3A_12 = arith.constant 0 : i32
    %dma_start3A_13 = tpu.memref_slice %arg12[%dma_start3A_11, %dma_start3A_12] : memref<512x64xf32, #tpu.memory_space<vmem>> -> memref<128x64xf32, #tpu.memory_space<vmem>>
    %dma_start3A_14 = arith.constant 0 : i32
    %dma_start3A_15 = tpu.memref_slice %arg9[%dma_start3A_10, %dma_start3A_14] : memref<4x128xi32, #tpu.memory_space<vmem>> -> memref<1x128xi32, #tpu.memory_space<vmem>>
    %dma_start3A_16 = tpu.memref_squeeze %dma_start3A_15 : memref<1x128xi32, #tpu.memory_space<vmem>> -> memref<128xi32, #tpu.memory_space<vmem>>
    %dma_start3A_17 = arith.constant 0 : i32
    %dma_start3A_18 = arith.constant 0 : i32
    %dma_start3A_19 = tpu.memref_slice %arg5[%dma_start3A_17, %dma_start3A_18] : memref<1000x64xf32, #tpu.memory_space<hbm>> -> memref<1000x64xf32, #tpu.memory_space<hbm>>
    tpu.enqueue_indirect_dma source(%dma_start3A_19 : memref<1000x64xf32, #tpu.memory_space<hbm>>) target(%dma_start3A_13 : memref<128x64xf32, #tpu.memory_space<vmem>>) offsets(%dma_start3A_16 : memref<128xi32, #tpu.memory_space<vmem>>) semaphore(%arg16 : memref<!tpu.dma_semaphore, #tpu.memory_space<semaphore_mem>>)
    %dma_start3A_20 = arith.constant 0 : i32
    %dma_start3A_21 = arith.constant 0 : i32
    %dma_start3A_22 = arith.constant 0 : i32
    %dma_start3A_23 = tpu.memref_slice %arg13[%dma_start3A_21, %dma_start3A_22] : memref<512x64xf32, #tpu.memory_space<vmem>> -> memref<128x64xf32, #tpu.memory_space<vmem>>
    %dma_start3A_24 = arith.constant 0 : i32
    %dma_start3A_25 = tpu.memref_slice %arg10[%dma_start3A_20, %dma_start3A_24] : memref<4x128xi32, #tpu.memory_space<vmem>> -> memref<1x128xi32, #tpu.memory_space<vmem>>
    %dma_start3A_26 = tpu.memref_squeeze %dma_start3A_25 : memref<1x128xi32, #tpu.memory_space<vmem>> -> memref<128xi32, #tpu.memory_space<vmem>>
    %dma_start3A_27 = arith.constant 0 : i32
    %dma_start3A_28 = arith.constant 0 : i32
    %dma_start3A_29 = tpu.memref_slice %arg6[%dma_start3A_27, %dma_start3A_28] : memref<1000000x64xf32, #tpu.memory_space<hbm>> -> memref<1000000x64xf32, #tpu.memory_space<hbm>>
    tpu.enqueue_indirect_dma source(%dma_start3A_29 : memref<1000000x64xf32, #tpu.memory_space<hbm>>) target(%dma_start3A_23 : memref<128x64xf32, #tpu.memory_space<vmem>>) offsets(%dma_start3A_26 : memref<128xi32, #tpu.memory_space<vmem>>) semaphore(%arg16 : memref<!tpu.dma_semaphore, #tpu.memory_space<semaphore_mem>>)
    %dma_start3A_30 = arith.constant 1 : i32
    %dma_start3A_31 = arith.constant 128 : i32
    %dma_start3A_32 = arith.constant 0 : i32
    %dma_start3A_33 = tpu.memref_slice %arg11[%dma_start3A_31, %dma_start3A_32] : memref<512x64xf32, #tpu.memory_space<vmem>> -> memref<128x64xf32, #tpu.memory_space<vmem>>
    %dma_start3A_34 = arith.constant 0 : i32
    %dma_start3A_35 = tpu.memref_slice %arg8[%dma_start3A_30, %dma_start3A_34] : memref<4x128xi32, #tpu.memory_space<vmem>> -> memref<1x128xi32, #tpu.memory_space<vmem>>
    %dma_start3A_36 = tpu.memref_squeeze %dma_start3A_35 : memref<1x128xi32, #tpu.memory_space<vmem>> -> memref<128xi32, #tpu.memory_space<vmem>>
    %dma_start3A_37 = arith.constant 0 : i32
    %dma_start3A_38 = arith.constant 0 : i32
    %dma_start3A_39 = tpu.memref_slice %arg6[%dma_start3A_37, %dma_start3A_38] : memref<1000000x64xf32, #tpu.memory_space<hbm>> -> memref<1000000x64xf32, #tpu.memory_space<hbm>>
    tpu.enqueue_indirect_dma source(%dma_start3A_39 : memref<1000000x64xf32, #tpu.memory_space<hbm>>) target(%dma_start3A_33 : memref<128x64xf32, #tpu.memory_space<vmem>>) offsets(%dma_start3A_36 : memref<128xi32, #tpu.memory_space<vmem>>) semaphore(%arg16 : memref<!tpu.dma_semaphore, #tpu.memory_space<semaphore_mem>>)
    %dma_start3A_40 = arith.constant 1 : i32
    %dma_start3A_41 = arith.constant 128 : i32
    %dma_start3A_42 = arith.constant 0 : i32
    %dma_start3A_43 = tpu.memref_slice %arg12[%dma_start3A_41, %dma_start3A_42] : memref<512x64xf32, #tpu.memory_space<vmem>> -> memref<128x64xf32, #tpu.memory_space<vmem>>
    %dma_start3A_44 = arith.constant 0 : i32
    %dma_start3A_45 = tpu.memref_slice %arg9[%dma_start3A_40, %dma_start3A_44] : memref<4x128xi32, #tpu.memory_space<vmem>> -> memref<1x128xi32, #tpu.memory_space<vmem>>
    %dma_start3A_46 = tpu.memref_squeeze %dma_start3A_45 : memref<1x128xi32, #tpu.memory_space<vmem>> -> memref<128xi32, #tpu.memory_space<vmem>>
    %dma_start3A_47 = arith.constant 0 : i32
    %dma_start3A_48 = arith.constant 0 : i32
    %dma_start3A_49 = tpu.memref_slice %arg5[%dma_start3A_47, %dma_start3A_48] : memref<1000x64xf32, #tpu.memory_space<hbm>> -> memref<1000x64xf32, #tpu.memory_space<hbm>>
    tpu.enqueue_indirect_dma source(%dma_start3A_49 : memref<1000x64xf32, #tpu.memory_space<hbm>>) target(%dma_start3A_43 : memref<128x64xf32, #tpu.memory_space<vmem>>) offsets(%dma_start3A_46 : memref<128xi32, #tpu.memory_space<vmem>>) semaphore(%arg16 : memref<!tpu.dma_semaphore, #tpu.memory_space<semaphore_mem>>)
    %dma_start3A_50 = arith.constant 1 : i32
    %dma_start3A_51 = arith.constant 128 : i32
    %dma_start3A_52 = arith.constant 0 : i32
    %dma_start3A_53 = tpu.memref_slice %arg13[%dma_start3A_51, %dma_start3A_52] : memref<512x64xf32, #tpu.memory_space<vmem>> -> memref<128x64xf32, #tpu.memory_space<vmem>>
    %dma_start3A_54 = arith.constant 0 : i32
    %dma_start3A_55 = tpu.memref_slice %arg10[%dma_start3A_50, %dma_start3A_54] : memref<4x128xi32, #tpu.memory_space<vmem>> -> memref<1x128xi32, #tpu.memory_space<vmem>>
    %dma_start3A_56 = tpu.memref_squeeze %dma_start3A_55 : memref<1x128xi32, #tpu.memory_space<vmem>> -> memref<128xi32, #tpu.memory_space<vmem>>
    %dma_start3A_57 = arith.constant 0 : i32
    %dma_start3A_58 = arith.constant 0 : i32
    %dma_start3A_59 = tpu.memref_slice %arg6[%dma_start3A_57, %dma_start3A_58] : memref<1000000x64xf32, #tpu.memory_space<hbm>> -> memref<1000000x64xf32, #tpu.memory_space<hbm>>
    tpu.enqueue_indirect_dma source(%dma_start3A_59 : memref<1000000x64xf32, #tpu.memory_space<hbm>>) target(%dma_start3A_53 : memref<128x64xf32, #tpu.memory_space<vmem>>) offsets(%dma_start3A_56 : memref<128xi32, #tpu.memory_space<vmem>>) semaphore(%arg16 : memref<!tpu.dma_semaphore, #tpu.memory_space<semaphore_mem>>)
    %dma_start3A_60 = arith.constant 2 : i32
    %dma_start3A_61 = arith.constant 256 : i32
    %dma_start3A_62 = arith.constant 0 : i32
    %dma_start3A_63 = tpu.memref_slice %arg11[%dma_start3A_61, %dma_start3A_62] : memref<512x64xf32, #tpu.memory_space<vmem>> -> memref<128x64xf32, #tpu.memory_space<vmem>>
    %dma_start3A_64 = arith.constant 0 : i32
    %dma_start3A_65 = tpu.memref_slice %arg8[%dma_start3A_60, %dma_start3A_64] : memref<4x128xi32, #tpu.memory_space<vmem>> -> memref<1x128xi32, #tpu.memory_space<vmem>>
    %dma_start3A_66 = tpu.memref_squeeze %dma_start3A_65 : memref<1x128xi32, #tpu.memory_space<vmem>> -> memref<128xi32, #tpu.memory_space<vmem>>
    %dma_start3A_67 = arith.constant 0 : i32
    %dma_start3A_68 = arith.constant 0 : i32
    %dma_start3A_69 = tpu.memref_slice %arg6[%dma_start3A_67, %dma_start3A_68] : memref<1000000x64xf32, #tpu.memory_space<hbm>> -> memref<1000000x64xf32, #tpu.memory_space<hbm>>
    tpu.enqueue_indirect_dma source(%dma_start3A_69 : memref<1000000x64xf32, #tpu.memory_space<hbm>>) target(%dma_start3A_63 : memref<128x64xf32, #tpu.memory_space<vmem>>) offsets(%dma_start3A_66 : memref<128xi32, #tpu.memory_space<vmem>>) semaphore(%arg16 : memref<!tpu.dma_semaphore, #tpu.memory_space<semaphore_mem>>)
    %dma_start3A_70 = arith.constant 2 : i32
    %dma_start3A_71 = arith.constant 256 : i32
    %dma_start3A_72 = arith.constant 0 : i32
    %dma_start3A_73 = tpu.memref_slice %arg12[%dma_start3A_71, %dma_start3A_72] : memref<512x64xf32, #tpu.memory_space<vmem>> -> memref<128x64xf32, #tpu.memory_space<vmem>>
    %dma_start3A_74 = arith.constant 0 : i32
    %dma_start3A_75 = tpu.memref_slice %arg9[%dma_start3A_70, %dma_start3A_74] : memref<4x128xi32, #tpu.memory_space<vmem>> -> memref<1x128xi32, #tpu.memory_space<vmem>>
    %dma_start3A_76 = tpu.memref_squeeze %dma_start3A_75 : memref<1x128xi32, #tpu.memory_space<vmem>> -> memref<128xi32, #tpu.memory_space<vmem>>
    %dma_start3A_77 = arith.constant 0 : i32
    %dma_start3A_78 = arith.constant 0 : i32
    %dma_start3A_79 = tpu.memref_slice %arg5[%dma_start3A_77, %dma_start3A_78] : memref<1000x64xf32, #tpu.memory_space<hbm>> -> memref<1000x64xf32, #tpu.memory_space<hbm>>
    tpu.enqueue_indirect_dma source(%dma_start3A_79 : memref<1000x64xf32, #tpu.memory_space<hbm>>) target(%dma_start3A_73 : memref<128x64xf32, #tpu.memory_space<vmem>>) offsets(%dma_start3A_76 : memref<128xi32, #tpu.memory_space<vmem>>) semaphore(%arg16 : memref<!tpu.dma_semaphore, #tpu.memory_space<semaphore_mem>>)
    %dma_start3A_80 = arith.constant 2 : i32
    %dma_start3A_81 = arith.constant 256 : i32
    %dma_start3A_82 = arith.constant 0 : i32
    %dma_start3A_83 = tpu.memref_slice %arg13[%dma_start3A_81, %dma_start3A_82] : memref<512x64xf32, #tpu.memory_space<vmem>> -> memref<128x64xf32, #tpu.memory_space<vmem>>
    %dma_start3A_84 = arith.constant 0 : i32
    %dma_start3A_85 = tpu.memref_slice %arg10[%dma_start3A_80, %dma_start3A_84] : memref<4x128xi32, #tpu.memory_space<vmem>> -> memref<1x128xi32, #tpu.memory_space<vmem>>
    %dma_start3A_86 = tpu.memref_squeeze %dma_start3A_85 : memref<1x128xi32, #tpu.memory_space<vmem>> -> memref<128xi32, #tpu.memory_space<vmem>>
    %dma_start3A_87 = arith.constant 0 : i32
    %dma_start3A_88 = arith.constant 0 : i32
    %dma_start3A_89 = tpu.memref_slice %arg6[%dma_start3A_87, %dma_start3A_88] : memref<1000000x64xf32, #tpu.memory_space<hbm>> -> memref<1000000x64xf32, #tpu.memory_space<hbm>>
    tpu.enqueue_indirect_dma source(%dma_start3A_89 : memref<1000000x64xf32, #tpu.memory_space<hbm>>) target(%dma_start3A_83 : memref<128x64xf32, #tpu.memory_space<vmem>>) offsets(%dma_start3A_86 : memref<128xi32, #tpu.memory_space<vmem>>) semaphore(%arg16 : memref<!tpu.dma_semaphore, #tpu.memory_space<semaphore_mem>>)
    %dma_start3A_90 = arith.constant 3 : i32
    %dma_start3A_91 = arith.constant 384 : i32
    %dma_start3A_92 = arith.constant 0 : i32
    %dma_start3A_93 = tpu.memref_slice %arg11[%dma_start3A_91, %dma_start3A_92] : memref<512x64xf32, #tpu.memory_space<vmem>> -> memref<128x64xf32, #tpu.memory_space<vmem>>
    %dma_start3A_94 = arith.constant 0 : i32
    %dma_start3A_95 = tpu.memref_slice %arg8[%dma_start3A_90, %dma_start3A_94] : memref<4x128xi32, #tpu.memory_space<vmem>> -> memref<1x128xi32, #tpu.memory_space<vmem>>
    %dma_start3A_96 = tpu.memref_squeeze %dma_start3A_95 : memref<1x128xi32, #tpu.memory_space<vmem>> -> memref<128xi32, #tpu.memory_space<vmem>>
    %dma_start3A_97 = arith.constant 0 : i32
    %dma_start3A_98 = arith.constant 0 : i32
    %dma_start3A_99 = tpu.memref_slice %arg6[%dma_start3A_97, %dma_start3A_98] : memref<1000000x64xf32, #tpu.memory_space<hbm>> -> memref<1000000x64xf32, #tpu.memory_space<hbm>>
    tpu.enqueue_indirect_dma source(%dma_start3A_99 : memref<1000000x64xf32, #tpu.memory_space<hbm>>) target(%dma_start3A_93 : memref<128x64xf32, #tpu.memory_space<vmem>>) offsets(%dma_start3A_96 : memref<128xi32, #tpu.memory_space<vmem>>) semaphore(%arg16 : memref<!tpu.dma_semaphore, #tpu.memory_space<semaphore_mem>>)
    %dma_start3A_100 = arith.constant 3 : i32
    %dma_start3A_101 = arith.constant 384 : i32
    %dma_start3A_102 = arith.constant 0 : i32
    %dma_start3A_103 = tpu.memref_slice %arg12[%dma_start3A_101, %dma_start3A_102] : memref<512x64xf32, #tpu.memory_space<vmem>> -> memref<128x64xf32, #tpu.memory_space<vmem>>
    %dma_start3A_104 = arith.constant 0 : i32
    %dma_start3A_105 = tpu.memref_slice %arg9[%dma_start3A_100, %dma_start3A_104] : memref<4x128xi32, #tpu.memory_space<vmem>> -> memref<1x128xi32, #tpu.memory_space<vmem>>
    %dma_start3A_106 = tpu.memref_squeeze %dma_start3A_105 : memref<1x128xi32, #tpu.memory_space<vmem>> -> memref<128xi32, #tpu.memory_space<vmem>>
    %dma_start3A_107 = arith.constant 0 : i32
    %dma_start3A_108 = arith.constant 0 : i32
    %dma_start3A_109 = tpu.memref_slice %arg5[%dma_start3A_107, %dma_start3A_108] : memref<1000x64xf32, #tpu.memory_space<hbm>> -> memref<1000x64xf32, #tpu.memory_space<hbm>>
    tpu.enqueue_indirect_dma source(%dma_start3A_109 : memref<1000x64xf32, #tpu.memory_space<hbm>>) target(%dma_start3A_103 : memref<128x64xf32, #tpu.memory_space<vmem>>) offsets(%dma_start3A_106 : memref<128xi32, #tpu.memory_space<vmem>>) semaphore(%arg16 : memref<!tpu.dma_semaphore, #tpu.memory_space<semaphore_mem>>)
    %dma_start3A_110 = arith.constant 3 : i32
    %dma_start3A_111 = arith.constant 384 : i32
    %dma_start3A_112 = arith.constant 0 : i32
    %dma_start3A_113 = tpu.memref_slice %arg13[%dma_start3A_111, %dma_start3A_112] : memref<512x64xf32, #tpu.memory_space<vmem>> -> memref<128x64xf32, #tpu.memory_space<vmem>>
    %dma_start3A_114 = arith.constant 0 : i32
    %dma_start3A_115 = tpu.memref_slice %arg10[%dma_start3A_110, %dma_start3A_114] : memref<4x128xi32, #tpu.memory_space<vmem>> -> memref<1x128xi32, #tpu.memory_space<vmem>>
    %dma_start3A_116 = tpu.memref_squeeze %dma_start3A_115 : memref<1x128xi32, #tpu.memory_space<vmem>> -> memref<128xi32, #tpu.memory_space<vmem>>
    %dma_start3A_117 = arith.constant 0 : i32
    %dma_start3A_118 = arith.constant 0 : i32
    %dma_start3A_119 = tpu.memref_slice %arg6[%dma_start3A_117, %dma_start3A_118] : memref<1000000x64xf32, #tpu.memory_space<hbm>> -> memref<1000000x64xf32, #tpu.memory_space<hbm>>
    tpu.enqueue_indirect_dma source(%dma_start3A_119 : memref<1000000x64xf32, #tpu.memory_space<hbm>>) target(%dma_start3A_113 : memref<128x64xf32, #tpu.memory_space<vmem>>) offsets(%dma_start3A_116 : memref<128xi32, #tpu.memory_space<vmem>>) semaphore(%arg16 : memref<!tpu.dma_semaphore, #tpu.memory_space<semaphore_mem>>)
    %dma_wait3A = arith.constant 0 : i32
    %dma_wait3A_120 = arith.constant 0 : i32
    %dma_wait3A_121 = arith.constant 0 : i32
    %dma_wait3A_122 = tpu.memref_slice %arg11[%dma_wait3A_120, %dma_wait3A_121] : memref<512x64xf32, #tpu.memory_space<vmem>> -> memref<128x64xf32, #tpu.memory_space<vmem>>
    %dma_wait3A_123 = arith.constant 0 : i32
    %dma_wait3A_124 = tpu.memref_slice %arg8[%dma_wait3A, %dma_wait3A_123] : memref<4x128xi32, #tpu.memory_space<vmem>> -> memref<1x128xi32, #tpu.memory_space<vmem>>
    %dma_wait3A_125 = tpu.memref_squeeze %dma_wait3A_124 : memref<1x128xi32, #tpu.memory_space<vmem>> -> memref<128xi32, #tpu.memory_space<vmem>>
    %dma_wait3A_126 = arith.constant 0 : i32
    %dma_wait3A_127 = arith.constant 0 : i32
    %dma_wait3A_128 = tpu.memref_slice %arg6[%dma_wait3A_126, %dma_wait3A_127] : memref<1000000x64xf32, #tpu.memory_space<hbm>> -> memref<1000000x64xf32, #tpu.memory_space<hbm>>
    tpu.wait_indirect_dma semaphore(%arg16 : memref<!tpu.dma_semaphore, #tpu.memory_space<semaphore_mem>>) src(%dma_wait3A_128 : memref<1000000x64xf32, #tpu.memory_space<hbm>>) dst(%dma_wait3A_122 : memref<128x64xf32, #tpu.memory_space<vmem>>)
    %dma_wait3A_129 = arith.constant 0 : i32
    %dma_wait3A_130 = arith.constant 0 : i32
    %dma_wait3A_131 = arith.constant 0 : i32
    %dma_wait3A_132 = tpu.memref_slice %arg12[%dma_wait3A_130, %dma_wait3A_131] : memref<512x64xf32, #tpu.memory_space<vmem>> -> memref<128x64xf32, #tpu.memory_space<vmem>>
    %dma_wait3A_133 = arith.constant 0 : i32
    %dma_wait3A_134 = tpu.memref_slice %arg9[%dma_wait3A_129, %dma_wait3A_133] : memref<4x128xi32, #tpu.memory_space<vmem>> -> memref<1x128xi32, #tpu.memory_space<vmem>>
    %dma_wait3A_135 = tpu.memref_squeeze %dma_wait3A_134 : memref<1x128xi32, #tpu.memory_space<vmem>> -> memref<128xi32, #tpu.memory_space<vmem>>
    %dma_wait3A_136 = arith.constant 0 : i32
    %dma_wait3A_137 = arith.constant 0 : i32
    %dma_wait3A_138 = tpu.memref_slice %arg5[%dma_wait3A_136, %dma_wait3A_137] : memref<1000x64xf32, #tpu.memory_space<hbm>> -> memref<1000x64xf32, #tpu.memory_space<hbm>>
    tpu.wait_indirect_dma semaphore(%arg16 : memref<!tpu.dma_semaphore, #tpu.memory_space<semaphore_mem>>) src(%dma_wait3A_138 : memref<1000x64xf32, #tpu.memory_space<hbm>>) dst(%dma_wait3A_132 : memref<128x64xf32, #tpu.memory_space<vmem>>)
    %dma_wait3A_139 = arith.constant 0 : i32
    %dma_wait3A_140 = arith.constant 0 : i32
    %dma_wait3A_141 = arith.constant 0 : i32
    %dma_wait3A_142 = tpu.memref_slice %arg13[%dma_wait3A_140, %dma_wait3A_141] : memref<512x64xf32, #tpu.memory_space<vmem>> -> memref<128x64xf32, #tpu.memory_space<vmem>>
    %dma_wait3A_143 = arith.constant 0 : i32
    %dma_wait3A_144 = tpu.memref_slice %arg10[%dma_wait3A_139, %dma_wait3A_143] : memref<4x128xi32, #tpu.memory_space<vmem>> -> memref<1x128xi32, #tpu.memory_space<vmem>>
    %dma_wait3A_145 = tpu.memref_squeeze %dma_wait3A_144 : memref<1x128xi32, #tpu.memory_space<vmem>> -> memref<128xi32, #tpu.memory_space<vmem>>
    %dma_wait3A_146 = arith.constant 0 : i32
    %dma_wait3A_147 = arith.constant 0 : i32
    %dma_wait3A_148 = tpu.memref_slice %arg6[%dma_wait3A_146, %dma_wait3A_147] : memref<1000000x64xf32, #tpu.memory_space<hbm>> -> memref<1000000x64xf32, #tpu.memory_space<hbm>>
    tpu.wait_indirect_dma semaphore(%arg16 : memref<!tpu.dma_semaphore, #tpu.memory_space<semaphore_mem>>) src(%dma_wait3A_148 : memref<1000000x64xf32, #tpu.memory_space<hbm>>) dst(%dma_wait3A_142 : memref<128x64xf32, #tpu.memory_space<vmem>>)
    %dma_wait3A_149 = arith.constant 1 : i32
    %dma_wait3A_150 = arith.constant 128 : i32
    %dma_wait3A_151 = arith.constant 0 : i32
    %dma_wait3A_152 = tpu.memref_slice %arg11[%dma_wait3A_150, %dma_wait3A_151] : memref<512x64xf32, #tpu.memory_space<vmem>> -> memref<128x64xf32, #tpu.memory_space<vmem>>
    %dma_wait3A_153 = arith.constant 0 : i32
    %dma_wait3A_154 = tpu.memref_slice %arg8[%dma_wait3A_149, %dma_wait3A_153] : memref<4x128xi32, #tpu.memory_space<vmem>> -> memref<1x128xi32, #tpu.memory_space<vmem>>
    %dma_wait3A_155 = tpu.memref_squeeze %dma_wait3A_154 : memref<1x128xi32, #tpu.memory_space<vmem>> -> memref<128xi32, #tpu.memory_space<vmem>>
    %dma_wait3A_156 = arith.constant 0 : i32
    %dma_wait3A_157 = arith.constant 0 : i32
    %dma_wait3A_158 = tpu.memref_slice %arg6[%dma_wait3A_156, %dma_wait3A_157] : memref<1000000x64xf32, #tpu.memory_space<hbm>> -> memref<1000000x64xf32, #tpu.memory_space<hbm>>
    tpu.wait_indirect_dma semaphore(%arg16 : memref<!tpu.dma_semaphore, #tpu.memory_space<semaphore_mem>>) src(%dma_wait3A_158 : memref<1000000x64xf32, #tpu.memory_space<hbm>>) dst(%dma_wait3A_152 : memref<128x64xf32, #tpu.memory_space<vmem>>)
    %dma_wait3A_159 = arith.constant 1 : i32
    %dma_wait3A_160 = arith.constant 128 : i32
    %dma_wait3A_161 = arith.constant 0 : i32
    %dma_wait3A_162 = tpu.memref_slice %arg12[%dma_wait3A_160, %dma_wait3A_161] : memref<512x64xf32, #tpu.memory_space<vmem>> -> memref<128x64xf32, #tpu.memory_space<vmem>>
    %dma_wait3A_163 = arith.constant 0 : i32
    %dma_wait3A_164 = tpu.memref_slice %arg9[%dma_wait3A_159, %dma_wait3A_163] : memref<4x128xi32, #tpu.memory_space<vmem>> -> memref<1x128xi32, #tpu.memory_space<vmem>>
    %dma_wait3A_165 = tpu.memref_squeeze %dma_wait3A_164 : memref<1x128xi32, #tpu.memory_space<vmem>> -> memref<128xi32, #tpu.memory_space<vmem>>
    %dma_wait3A_166 = arith.constant 0 : i32
    %dma_wait3A_167 = arith.constant 0 : i32
    %dma_wait3A_168 = tpu.memref_slice %arg5[%dma_wait3A_166, %dma_wait3A_167] : memref<1000x64xf32, #tpu.memory_space<hbm>> -> memref<1000x64xf32, #tpu.memory_space<hbm>>
    tpu.wait_indirect_dma semaphore(%arg16 : memref<!tpu.dma_semaphore, #tpu.memory_space<semaphore_mem>>) src(%dma_wait3A_168 : memref<1000x64xf32, #tpu.memory_space<hbm>>) dst(%dma_wait3A_162 : memref<128x64xf32, #tpu.memory_space<vmem>>)
    %dma_wait3A_169 = arith.constant 1 : i32
    %dma_wait3A_170 = arith.constant 128 : i32
    %dma_wait3A_171 = arith.constant 0 : i32
    %dma_wait3A_172 = tpu.memref_slice %arg13[%dma_wait3A_170, %dma_wait3A_171] : memref<512x64xf32, #tpu.memory_space<vmem>> -> memref<128x64xf32, #tpu.memory_space<vmem>>
    %dma_wait3A_173 = arith.constant 0 : i32
    %dma_wait3A_174 = tpu.memref_slice %arg10[%dma_wait3A_169, %dma_wait3A_173] : memref<4x128xi32, #tpu.memory_space<vmem>> -> memref<1x128xi32, #tpu.memory_space<vmem>>
    %dma_wait3A_175 = tpu.memref_squeeze %dma_wait3A_174 : memref<1x128xi32, #tpu.memory_space<vmem>> -> memref<128xi32, #tpu.memory_space<vmem>>
    %dma_wait3A_176 = arith.constant 0 : i32
    %dma_wait3A_177 = arith.constant 0 : i32
    %dma_wait3A_178 = tpu.memref_slice %arg6[%dma_wait3A_176, %dma_wait3A_177] : memref<1000000x64xf32, #tpu.memory_space<hbm>> -> memref<1000000x64xf32, #tpu.memory_space<hbm>>
    tpu.wait_indirect_dma semaphore(%arg16 : memref<!tpu.dma_semaphore, #tpu.memory_space<semaphore_mem>>) src(%dma_wait3A_178 : memref<1000000x64xf32, #tpu.memory_space<hbm>>) dst(%dma_wait3A_172 : memref<128x64xf32, #tpu.memory_space<vmem>>)
    %dma_wait3A_179 = arith.constant 2 : i32
    %dma_wait3A_180 = arith.constant 256 : i32
    %dma_wait3A_181 = arith.constant 0 : i32
    %dma_wait3A_182 = tpu.memref_slice %arg11[%dma_wait3A_180, %dma_wait3A_181] : memref<512x64xf32, #tpu.memory_space<vmem>> -> memref<128x64xf32, #tpu.memory_space<vmem>>
    %dma_wait3A_183 = arith.constant 0 : i32
    %dma_wait3A_184 = tpu.memref_slice %arg8[%dma_wait3A_179, %dma_wait3A_183] : memref<4x128xi32, #tpu.memory_space<vmem>> -> memref<1x128xi32, #tpu.memory_space<vmem>>
    %dma_wait3A_185 = tpu.memref_squeeze %dma_wait3A_184 : memref<1x128xi32, #tpu.memory_space<vmem>> -> memref<128xi32, #tpu.memory_space<vmem>>
    %dma_wait3A_186 = arith.constant 0 : i32
    %dma_wait3A_187 = arith.constant 0 : i32
    %dma_wait3A_188 = tpu.memref_slice %arg6[%dma_wait3A_186, %dma_wait3A_187] : memref<1000000x64xf32, #tpu.memory_space<hbm>> -> memref<1000000x64xf32, #tpu.memory_space<hbm>>
    tpu.wait_indirect_dma semaphore(%arg16 : memref<!tpu.dma_semaphore, #tpu.memory_space<semaphore_mem>>) src(%dma_wait3A_188 : memref<1000000x64xf32, #tpu.memory_space<hbm>>) dst(%dma_wait3A_182 : memref<128x64xf32, #tpu.memory_space<vmem>>)
    %dma_wait3A_189 = arith.constant 2 : i32
    %dma_wait3A_190 = arith.constant 256 : i32
    %dma_wait3A_191 = arith.constant 0 : i32
    %dma_wait3A_192 = tpu.memref_slice %arg12[%dma_wait3A_190, %dma_wait3A_191] : memref<512x64xf32, #tpu.memory_space<vmem>> -> memref<128x64xf32, #tpu.memory_space<vmem>>
    %dma_wait3A_193 = arith.constant 0 : i32
    %dma_wait3A_194 = tpu.memref_slice %arg9[%dma_wait3A_189, %dma_wait3A_193] : memref<4x128xi32, #tpu.memory_space<vmem>> -> memref<1x128xi32, #tpu.memory_space<vmem>>
    %dma_wait3A_195 = tpu.memref_squeeze %dma_wait3A_194 : memref<1x128xi32, #tpu.memory_space<vmem>> -> memref<128xi32, #tpu.memory_space<vmem>>
    %dma_wait3A_196 = arith.constant 0 : i32
    %dma_wait3A_197 = arith.constant 0 : i32
    %dma_wait3A_198 = tpu.memref_slice %arg5[%dma_wait3A_196, %dma_wait3A_197] : memref<1000x64xf32, #tpu.memory_space<hbm>> -> memref<1000x64xf32, #tpu.memory_space<hbm>>
    tpu.wait_indirect_dma semaphore(%arg16 : memref<!tpu.dma_semaphore, #tpu.memory_space<semaphore_mem>>) src(%dma_wait3A_198 : memref<1000x64xf32, #tpu.memory_space<hbm>>) dst(%dma_wait3A_192 : memref<128x64xf32, #tpu.memory_space<vmem>>)
    %dma_wait3A_199 = arith.constant 2 : i32
    %dma_wait3A_200 = arith.constant 256 : i32
    %dma_wait3A_201 = arith.constant 0 : i32
    %dma_wait3A_202 = tpu.memref_slice %arg13[%dma_wait3A_200, %dma_wait3A_201] : memref<512x64xf32, #tpu.memory_space<vmem>> -> memref<128x64xf32, #tpu.memory_space<vmem>>
    %dma_wait3A_203 = arith.constant 0 : i32
    %dma_wait3A_204 = tpu.memref_slice %arg10[%dma_wait3A_199, %dma_wait3A_203] : memref<4x128xi32, #tpu.memory_space<vmem>> -> memref<1x128xi32, #tpu.memory_space<vmem>>
    %dma_wait3A_205 = tpu.memref_squeeze %dma_wait3A_204 : memref<1x128xi32, #tpu.memory_space<vmem>> -> memref<128xi32, #tpu.memory_space<vmem>>
    %dma_wait3A_206 = arith.constant 0 : i32
    %dma_wait3A_207 = arith.constant 0 : i32
    %dma_wait3A_208 = tpu.memref_slice %arg6[%dma_wait3A_206, %dma_wait3A_207] : memref<1000000x64xf32, #tpu.memory_space<hbm>> -> memref<1000000x64xf32, #tpu.memory_space<hbm>>
    tpu.wait_indirect_dma semaphore(%arg16 : memref<!tpu.dma_semaphore, #tpu.memory_space<semaphore_mem>>) src(%dma_wait3A_208 : memref<1000000x64xf32, #tpu.memory_space<hbm>>) dst(%dma_wait3A_202 : memref<128x64xf32, #tpu.memory_space<vmem>>)
    %dma_wait3A_209 = arith.constant 3 : i32
    %dma_wait3A_210 = arith.constant 384 : i32
    %dma_wait3A_211 = arith.constant 0 : i32
    %dma_wait3A_212 = tpu.memref_slice %arg11[%dma_wait3A_210, %dma_wait3A_211] : memref<512x64xf32, #tpu.memory_space<vmem>> -> memref<128x64xf32, #tpu.memory_space<vmem>>
    %dma_wait3A_213 = arith.constant 0 : i32
    %dma_wait3A_214 = tpu.memref_slice %arg8[%dma_wait3A_209, %dma_wait3A_213] : memref<4x128xi32, #tpu.memory_space<vmem>> -> memref<1x128xi32, #tpu.memory_space<vmem>>
    %dma_wait3A_215 = tpu.memref_squeeze %dma_wait3A_214 : memref<1x128xi32, #tpu.memory_space<vmem>> -> memref<128xi32, #tpu.memory_space<vmem>>
    %dma_wait3A_216 = arith.constant 0 : i32
    %dma_wait3A_217 = arith.constant 0 : i32
    %dma_wait3A_218 = tpu.memref_slice %arg6[%dma_wait3A_216, %dma_wait3A_217] : memref<1000000x64xf32, #tpu.memory_space<hbm>> -> memref<1000000x64xf32, #tpu.memory_space<hbm>>
    tpu.wait_indirect_dma semaphore(%arg16 : memref<!tpu.dma_semaphore, #tpu.memory_space<semaphore_mem>>) src(%dma_wait3A_218 : memref<1000000x64xf32, #tpu.memory_space<hbm>>) dst(%dma_wait3A_212 : memref<128x64xf32, #tpu.memory_space<vmem>>)
    %dma_wait3A_219 = arith.constant 3 : i32
    %dma_wait3A_220 = arith.constant 384 : i32
    %dma_wait3A_221 = arith.constant 0 : i32
    %dma_wait3A_222 = tpu.memref_slice %arg12[%dma_wait3A_220, %dma_wait3A_221] : memref<512x64xf32, #tpu.memory_space<vmem>> -> memref<128x64xf32, #tpu.memory_space<vmem>>
    %dma_wait3A_223 = arith.constant 0 : i32
    %dma_wait3A_224 = tpu.memref_slice %arg9[%dma_wait3A_219, %dma_wait3A_223] : memref<4x128xi32, #tpu.memory_space<vmem>> -> memref<1x128xi32, #tpu.memory_space<vmem>>
    %dma_wait3A_225 = tpu.memref_squeeze %dma_wait3A_224 : memref<1x128xi32, #tpu.memory_space<vmem>> -> memref<128xi32, #tpu.memory_space<vmem>>
    %dma_wait3A_226 = arith.constant 0 : i32
    %dma_wait3A_227 = arith.constant 0 : i32
    %dma_wait3A_228 = tpu.memref_slice %arg5[%dma_wait3A_226, %dma_wait3A_227] : memref<1000x64xf32, #tpu.memory_space<hbm>> -> memref<1000x64xf32, #tpu.memory_space<hbm>>
    tpu.wait_indirect_dma semaphore(%arg16 : memref<!tpu.dma_semaphore, #tpu.memory_space<semaphore_mem>>) src(%dma_wait3A_228 : memref<1000x64xf32, #tpu.memory_space<hbm>>) dst(%dma_wait3A_222 : memref<128x64xf32, #tpu.memory_space<vmem>>)
    %dma_wait3A_229 = arith.constant 3 : i32
    %dma_wait3A_230 = arith.constant 384 : i32
    %dma_wait3A_231 = arith.constant 0 : i32
    %dma_wait3A_232 = tpu.memref_slice %arg13[%dma_wait3A_230, %dma_wait3A_231] : memref<512x64xf32, #tpu.memory_space<vmem>> -> memref<128x64xf32, #tpu.memory_space<vmem>>
    %dma_wait3A_233 = arith.constant 0 : i32
    %dma_wait3A_234 = tpu.memref_slice %arg10[%dma_wait3A_229, %dma_wait3A_233] : memref<4x128xi32, #tpu.memory_space<vmem>> -> memref<1x128xi32, #tpu.memory_space<vmem>>
    %dma_wait3A_235 = tpu.memref_squeeze %dma_wait3A_234 : memref<1x128xi32, #tpu.memory_space<vmem>> -> memref<128xi32, #tpu.memory_space<vmem>>
    %dma_wait3A_236 = arith.constant 0 : i32
    %dma_wait3A_237 = arith.constant 0 : i32
    %dma_wait3A_238 = tpu.memref_slice %arg6[%dma_wait3A_236, %dma_wait3A_237] : memref<1000000x64xf32, #tpu.memory_space<hbm>> -> memref<1000000x64xf32, #tpu.memory_space<hbm>>
    tpu.wait_indirect_dma semaphore(%arg16 : memref<!tpu.dma_semaphore, #tpu.memory_space<semaphore_mem>>) src(%dma_wait3A_238 : memref<1000000x64xf32, #tpu.memory_space<hbm>>) dst(%dma_wait3A_232 : memref<128x64xf32, #tpu.memory_space<vmem>>)
    %iota3A = tpu.iota {dimensions = array<i32: 0>} : vector<16xi32>
    %scan3A = arith.constant 0 : i32
    %scan3A_239 = arith.constant 0 : i32
    %scan3A_240 = arith.constant 32 : i32
    %scan3A_241 = arith.addi %scan3A_239, %scan3A_240 : i32
    %scan3A_242 = arith.constant 1 : i32
    scf.for %scan3A_246 = %scan3A_239 to %scan3A_241 step %scan3A_242  : i32 {
      %broadcast_in_dim3A = arith.constant 0.000000e+00 : f32
      %broadcast_in_dim3A_247 = vector.broadcast %broadcast_in_dim3A : f32 to vector<16xf32>
      %mul3A_248 = arith.constant 16 : i32
      %mul3A_249 = arith.muli %scan3A_246, %mul3A_248 : i32
      %add3A_250 = arith.constant 0 : i32
      %add3A_251 = arith.addi %mul3A_249, %add3A_250 : i32
      %get3A = arith.index_cast %add3A_251 : i32 to index
      %get3A_252 = arith.constant 0 : index
      %get3A_253 = tpu.vector_load %arg11[%get3A, %get3A_252] {strides = array<i32>} : memref<512x64xf32, #tpu.memory_space<vmem>>, vector<16xf32>,
      %get3A_254 = arith.index_cast %add3A_251 : i32 to index
      %get3A_255 = arith.constant 0 : index
      %get3A_256 = tpu.vector_load %arg12[%get3A_254, %get3A_255] {strides = array<i32>} : memref<512x64xf32, #tpu.memory_space<vmem>>, vector<16xf32>,
      %get3A_257 = arith.index_cast %add3A_251 : i32 to index
      %get3A_258 = arith.constant 0 : index
      %get3A_259 = tpu.vector_load %arg13[%get3A_257, %get3A_258] {strides = array<i32>} : memref<512x64xf32, #tpu.memory_space<vmem>>, vector<16xf32>,
      %mul3A_260 = arith.mulf %get3A_253, %get3A_256 : vector<16xf32>
      %mul3A_261 = arith.mulf %mul3A_260, %get3A_259 : vector<16xf32>
      %get3A_262 = arith.index_cast %add3A_251 : i32 to index
      %get3A_263 = arith.constant 16 : index
      %get3A_264 = tpu.vector_load %arg11[%get3A_262, %get3A_263] {strides = array<i32>} : memref<512x64xf32, #tpu.memory_space<vmem>>, vector<16xf32>,
      %get3A_265 = arith.index_cast %add3A_251 : i32 to index
      %get3A_266 = arith.constant 16 : index
      %get3A_267 = tpu.vector_load %arg12[%get3A_265, %get3A_266] {strides = array<i32>} : memref<512x64xf32, #tpu.memory_space<vmem>>, vector<16xf32>,
      %get3A_268 = arith.index_cast %add3A_251 : i32 to index
      %get3A_269 = arith.constant 16 : index
      %get3A_270 = tpu.vector_load %arg13[%get3A_268, %get3A_269] {strides = array<i32>} : memref<512x64xf32, #tpu.memory_space<vmem>>, vector<16xf32>,
      %mul3A_271 = arith.mulf %get3A_264, %get3A_267 : vector<16xf32>
      %mul3A_272 = arith.mulf %mul3A_271, %get3A_270 : vector<16xf32>
      %add3A_273 = arith.addf %mul3A_261, %mul3A_272 : vector<16xf32>
      %get3A_274 = arith.index_cast %add3A_251 : i32 to index
      %get3A_275 = arith.constant 32 : index
      %get3A_276 = tpu.vector_load %arg11[%get3A_274, %get3A_275] {strides = array<i32>} : memref<512x64xf32, #tpu.memory_space<vmem>>, vector<16xf32>,
      %get3A_277 = arith.index_cast %add3A_251 : i32 to index
      %get3A_278 = arith.constant 32 : index
      %get3A_279 = tpu.vector_load %arg12[%get3A_277, %get3A_278] {strides = array<i32>} : memref<512x64xf32, #tpu.memory_space<vmem>>, vector<16xf32>,
      %get3A_280 = arith.index_cast %add3A_251 : i32 to index
      %get3A_281 = arith.constant 32 : index
      %get3A_282 = tpu.vector_load %arg13[%get3A_280, %get3A_281] {strides = array<i32>} : memref<512x64xf32, #tpu.memory_space<vmem>>, vector<16xf32>,
      %mul3A_283 = arith.mulf %get3A_276, %get3A_279 : vector<16xf32>
      %mul3A_284 = arith.mulf %mul3A_283, %get3A_282 : vector<16xf32>
      %add3A_285 = arith.addf %add3A_273, %mul3A_284 : vector<16xf32>
      %get3A_286 = arith.index_cast %add3A_251 : i32 to index
      %get3A_287 = arith.constant 48 : index
      %get3A_288 = tpu.vector_load %arg11[%get3A_286, %get3A_287] {strides = array<i32>} : memref<512x64xf32, #tpu.memory_space<vmem>>, vector<16xf32>,
      %get3A_289 = arith.index_cast %add3A_251 : i32 to index
      %get3A_290 = arith.constant 48 : index
      %get3A_291 = tpu.vector_load %arg12[%get3A_289, %get3A_290] {strides = array<i32>} : memref<512x64xf32, #tpu.memory_space<vmem>>, vector<16xf32>,
      %get3A_292 = arith.index_cast %add3A_251 : i32 to index
      %get3A_293 = arith.constant 48 : index
      %get3A_294 = tpu.vector_load %arg13[%get3A_292, %get3A_293] {strides = array<i32>} : memref<512x64xf32, #tpu.memory_space<vmem>>, vector<16xf32>,
      %mul3A_295 = arith.mulf %get3A_288, %get3A_291 : vector<16xf32>
      %mul3A_296 = arith.mulf %mul3A_295, %get3A_294 : vector<16xf32>
      %add3A_297 = arith.addf %add3A_285, %mul3A_296 : vector<16xf32>
      %eq3A = arith.constant 0 : i32
      %eq3A_298 = vector.broadcast %eq3A : i32 to vector<16xi32>
      %eq3A_299 = arith.cmpi eq, %iota3A, %eq3A_298 : vector<16xi32>
      %reduce_sum3A = arith.constant true
      %reduce_sum3A_300 = vector.broadcast %reduce_sum3A : i1 to vector<16xi1>
      %reduce_sum3A_301 = tpu.scan <sum>, %add3A_297 masked %reduce_sum3A_300 : vector<16xf32>, vector<16xi1> -> vector<16xf32>
      %reduce_sum3A_302 = vector.extract %reduce_sum3A_301[15] : f32 from vector<16xf32>
      %broadcast_in_dim3A_303 = vector.broadcast %reduce_sum3A_302 : f32 to vector<16xf32>
      %select_n3A = arith.select %eq3A_299, %broadcast_in_dim3A_303, %broadcast_in_dim3A_247 : vector<16xi1>, vector<16xf32>
      %mul3A_304 = arith.constant 16 : i32
      %mul3A_305 = arith.muli %scan3A_246, %mul3A_304 : i32
      %add3A_306 = arith.constant 1 : i32
      %add3A_307 = arith.addi %mul3A_305, %add3A_306 : i32
      %get3A_308 = arith.index_cast %add3A_307 : i32 to index
      %get3A_309 = arith.constant 0 : index
      %get3A_310 = tpu.vector_load %arg11[%get3A_308, %get3A_309] {strides = array<i32>} : memref<512x64xf32, #tpu.memory_space<vmem>>, vector<16xf32>,
      %get3A_311 = arith.index_cast %add3A_307 : i32 to index
      %get3A_312 = arith.constant 0 : index
      %get3A_313 = tpu.vector_load %arg12[%get3A_311, %get3A_312] {strides = array<i32>} : memref<512x64xf32, #tpu.memory_space<vmem>>, vector<16xf32>,
      %get3A_314 = arith.index_cast %add3A_307 : i32 to index
      %get3A_315 = arith.constant 0 : index
      %get3A_316 = tpu.vector_load %arg13[%get3A_314, %get3A_315] {strides = array<i32>} : memref<512x64xf32, #tpu.memory_space<vmem>>, vector<16xf32>,
      %mul3A_317 = arith.mulf %get3A_310, %get3A_313 : vector<16xf32>
      %mul3A_318 = arith.mulf %mul3A_317, %get3A_316 : vector<16xf32>
      %get3A_319 = arith.index_cast %add3A_307 : i32 to index
      %get3A_320 = arith.constant 16 : index
      %get3A_321 = tpu.vector_load %arg11[%get3A_319, %get3A_320] {strides = array<i32>} : memref<512x64xf32, #tpu.memory_space<vmem>>, vector<16xf32>,
      %get3A_322 = arith.index_cast %add3A_307 : i32 to index
      %get3A_323 = arith.constant 16 : index
      %get3A_324 = tpu.vector_load %arg12[%get3A_322, %get3A_323] {strides = array<i32>} : memref<512x64xf32, #tpu.memory_space<vmem>>, vector<16xf32>,
      %get3A_325 = arith.index_cast %add3A_307 : i32 to index
      %get3A_326 = arith.constant 16 : index
      %get3A_327 = tpu.vector_load %arg13[%get3A_325, %get3A_326] {strides = array<i32>} : memref<512x64xf32, #tpu.memory_space<vmem>>, vector<16xf32>,
      %mul3A_328 = arith.mulf %get3A_321, %get3A_324 : vector<16xf32>
      %mul3A_329 = arith.mulf %mul3A_328, %get3A_327 : vector<16xf32>
      %add3A_330 = arith.addf %mul3A_318, %mul3A_329 : vector<16xf32>
      %get3A_331 = arith.index_cast %add3A_307 : i32 to index
      %get3A_332 = arith.constant 32 : index
      %get3A_333 = tpu.vector_load %arg11[%get3A_331, %get3A_332] {strides = array<i32>} : memref<512x64xf32, #tpu.memory_space<vmem>>, vector<16xf32>,
      %get3A_334 = arith.index_cast %add3A_307 : i32 to index
      %get3A_335 = arith.constant 32 : index
      %get3A_336 = tpu.vector_load %arg12[%get3A_334, %get3A_335] {strides = array<i32>} : memref<512x64xf32, #tpu.memory_space<vmem>>, vector<16xf32>,
      %get3A_337 = arith.index_cast %add3A_307 : i32 to index
      %get3A_338 = arith.constant 32 : index
      %get3A_339 = tpu.vector_load %arg13[%get3A_337, %get3A_338] {strides = array<i32>} : memref<512x64xf32, #tpu.memory_space<vmem>>, vector<16xf32>,
      %mul3A_340 = arith.mulf %get3A_333, %get3A_336 : vector<16xf32>
      %mul3A_341 = arith.mulf %mul3A_340, %get3A_339 : vector<16xf32>
      %add3A_342 = arith.addf %add3A_330, %mul3A_341 : vector<16xf32>
      %get3A_343 = arith.index_cast %add3A_307 : i32 to index
      %get3A_344 = arith.constant 48 : index
      %get3A_345 = tpu.vector_load %arg11[%get3A_343, %get3A_344] {strides = array<i32>} : memref<512x64xf32, #tpu.memory_space<vmem>>, vector<16xf32>,
      %get3A_346 = arith.index_cast %add3A_307 : i32 to index
      %get3A_347 = arith.constant 48 : index
      %get3A_348 = tpu.vector_load %arg12[%get3A_346, %get3A_347] {strides = array<i32>} : memref<512x64xf32, #tpu.memory_space<vmem>>, vector<16xf32>,
      %get3A_349 = arith.index_cast %add3A_307 : i32 to index
      %get3A_350 = arith.constant 48 : index
      %get3A_351 = tpu.vector_load %arg13[%get3A_349, %get3A_350] {strides = array<i32>} : memref<512x64xf32, #tpu.memory_space<vmem>>, vector<16xf32>,
      %mul3A_352 = arith.mulf %get3A_345, %get3A_348 : vector<16xf32>
      %mul3A_353 = arith.mulf %mul3A_352, %get3A_351 : vector<16xf32>
      %add3A_354 = arith.addf %add3A_342, %mul3A_353 : vector<16xf32>
      %eq3A_355 = arith.constant 1 : i32
      %eq3A_356 = vector.broadcast %eq3A_355 : i32 to vector<16xi32>
      %eq3A_357 = arith.cmpi eq, %iota3A, %eq3A_356 : vector<16xi32>
      %reduce_sum3A_358 = arith.constant true
      %reduce_sum3A_359 = vector.broadcast %reduce_sum3A_358 : i1 to vector<16xi1>
      %reduce_sum3A_360 = tpu.scan <sum>, %add3A_354 masked %reduce_sum3A_359 : vector<16xf32>, vector<16xi1> -> vector<16xf32>
      %reduce_sum3A_361 = vector.extract %reduce_sum3A_360[15] : f32 from vector<16xf32>
      %broadcast_in_dim3A_362 = vector.broadcast %reduce_sum3A_361 : f32 to vector<16xf32>
      %select_n3A_363 = arith.select %eq3A_357, %broadcast_in_dim3A_362, %select_n3A : vector<16xi1>, vector<16xf32>
      %mul3A_364 = arith.constant 16 : i32
      %mul3A_365 = arith.muli %scan3A_246, %mul3A_364 : i32
      %add3A_366 = arith.constant 2 : i32
      %add3A_367 = arith.addi %mul3A_365, %add3A_366 : i32
      %get3A_368 = arith.index_cast %add3A_367 : i32 to index
      %get3A_369 = arith.constant 0 : index
      %get3A_370 = tpu.vector_load %arg11[%get3A_368, %get3A_369] {strides = array<i32>} : memref<512x64xf32, #tpu.memory_space<vmem>>, vector<16xf32>,
      %get3A_371 = arith.index_cast %add3A_367 : i32 to index
      %get3A_372 = arith.constant 0 : index
      %get3A_373 = tpu.vector_load %arg12[%get3A_371, %get3A_372] {strides = array<i32>} : memref<512x64xf32, #tpu.memory_space<vmem>>, vector<16xf32>,
      %get3A_374 = arith.index_cast %add3A_367 : i32 to index
      %get3A_375 = arith.constant 0 : index
      %get3A_376 = tpu.vector_load %arg13[%get3A_374, %get3A_375] {strides = array<i32>} : memref<512x64xf32, #tpu.memory_space<vmem>>, vector<16xf32>,
      %mul3A_377 = arith.mulf %get3A_370, %get3A_373 : vector<16xf32>
      %mul3A_378 = arith.mulf %mul3A_377, %get3A_376 : vector<16xf32>
      %get3A_379 = arith.index_cast %add3A_367 : i32 to index
      %get3A_380 = arith.constant 16 : index
      %get3A_381 = tpu.vector_load %arg11[%get3A_379, %get3A_380] {strides = array<i32>} : memref<512x64xf32, #tpu.memory_space<vmem>>, vector<16xf32>,
      %get3A_382 = arith.index_cast %add3A_367 : i32 to index
      %get3A_383 = arith.constant 16 : index
      %get3A_384 = tpu.vector_load %arg12[%get3A_382, %get3A_383] {strides = array<i32>} : memref<512x64xf32, #tpu.memory_space<vmem>>, vector<16xf32>,
      %get3A_385 = arith.index_cast %add3A_367 : i32 to index
      %get3A_386 = arith.constant 16 : index
      %get3A_387 = tpu.vector_load %arg13[%get3A_385, %get3A_386] {strides = array<i32>} : memref<512x64xf32, #tpu.memory_space<vmem>>, vector<16xf32>,
      %mul3A_388 = arith.mulf %get3A_381, %get3A_384 : vector<16xf32>
      %mul3A_389 = arith.mulf %mul3A_388, %get3A_387 : vector<16xf32>
      %add3A_390 = arith.addf %mul3A_378, %mul3A_389 : vector<16xf32>
      %get3A_391 = arith.index_cast %add3A_367 : i32 to index
      %get3A_392 = arith.constant 32 : index
      %get3A_393 = tpu.vector_load %arg11[%get3A_391, %get3A_392] {strides = array<i32>} : memref<512x64xf32, #tpu.memory_space<vmem>>, vector<16xf32>,
      %get3A_394 = arith.index_cast %add3A_367 : i32 to index
      %get3A_395 = arith.constant 32 : index
      %get3A_396 = tpu.vector_load %arg12[%get3A_394, %get3A_395] {strides = array<i32>} : memref<512x64xf32, #tpu.memory_space<vmem>>, vector<16xf32>,
      %get3A_397 = arith.index_cast %add3A_367 : i32 to index
      %get3A_398 = arith.constant 32 : index
      %get3A_399 = tpu.vector_load %arg13[%get3A_397, %get3A_398] {strides = array<i32>} : memref<512x64xf32, #tpu.memory_space<vmem>>, vector<16xf32>,
      %mul3A_400 = arith.mulf %get3A_393, %get3A_396 : vector<16xf32>
      %mul3A_401 = arith.mulf %mul3A_400, %get3A_399 : vector<16xf32>
      %add3A_402 = arith.addf %add3A_390, %mul3A_401 : vector<16xf32>
      %get3A_403 = arith.index_cast %add3A_367 : i32 to index
      %get3A_404 = arith.constant 48 : index
      %get3A_405 = tpu.vector_load %arg11[%get3A_403, %get3A_404] {strides = array<i32>} : memref<512x64xf32, #tpu.memory_space<vmem>>, vector<16xf32>,
      %get3A_406 = arith.index_cast %add3A_367 : i32 to index
      %get3A_407 = arith.constant 48 : index
      %get3A_408 = tpu.vector_load %arg12[%get3A_406, %get3A_407] {strides = array<i32>} : memref<512x64xf32, #tpu.memory_space<vmem>>, vector<16xf32>,
      %get3A_409 = arith.index_cast %add3A_367 : i32 to index
      %get3A_410 = arith.constant 48 : index
      %get3A_411 = tpu.vector_load %arg13[%get3A_409, %get3A_410] {strides = array<i32>} : memref<512x64xf32, #tpu.memory_space<vmem>>, vector<16xf32>,
      %mul3A_412 = arith.mulf %get3A_405, %get3A_408 : vector<16xf32>
      %mul3A_413 = arith.mulf %mul3A_412, %get3A_411 : vector<16xf32>
      %add3A_414 = arith.addf %add3A_402, %mul3A_413 : vector<16xf32>
      %eq3A_415 = arith.constant 2 : i32
      %eq3A_416 = vector.broadcast %eq3A_415 : i32 to vector<16xi32>
      %eq3A_417 = arith.cmpi eq, %iota3A, %eq3A_416 : vector<16xi32>
      %reduce_sum3A_418 = arith.constant true
      %reduce_sum3A_419 = vector.broadcast %reduce_sum3A_418 : i1 to vector<16xi1>
      %reduce_sum3A_420 = tpu.scan <sum>, %add3A_414 masked %reduce_sum3A_419 : vector<16xf32>, vector<16xi1> -> vector<16xf32>
      %reduce_sum3A_421 = vector.extract %reduce_sum3A_420[15] : f32 from vector<16xf32>
      %broadcast_in_dim3A_422 = vector.broadcast %reduce_sum3A_421 : f32 to vector<16xf32>
      %select_n3A_423 = arith.select %eq3A_417, %broadcast_in_dim3A_422, %select_n3A_363 : vector<16xi1>, vector<16xf32>
      %mul3A_424 = arith.constant 16 : i32
      %mul3A_425 = arith.muli %scan3A_246, %mul3A_424 : i32
      %add3A_426 = arith.constant 3 : i32
      %add3A_427 = arith.addi %mul3A_425, %add3A_426 : i32
      %get3A_428 = arith.index_cast %add3A_427 : i32 to index
      %get3A_429 = arith.constant 0 : index
      %get3A_430 = tpu.vector_load %arg11[%get3A_428, %get3A_429] {strides = array<i32>} : memref<512x64xf32, #tpu.memory_space<vmem>>, vector<16xf32>,
      %get3A_431 = arith.index_cast %add3A_427 : i32 to index
      %get3A_432 = arith.constant 0 : index
      %get3A_433 = tpu.vector_load %arg12[%get3A_431, %get3A_432] {strides = array<i32>} : memref<512x64xf32, #tpu.memory_space<vmem>>, vector<16xf32>,
      %get3A_434 = arith.index_cast %add3A_427 : i32 to index
      %get3A_435 = arith.constant 0 : index
      %get3A_436 = tpu.vector_load %arg13[%get3A_434, %get3A_435] {strides = array<i32>} : memref<512x64xf32, #tpu.memory_space<vmem>>, vector<16xf32>,
      %mul3A_437 = arith.mulf %get3A_430, %get3A_433 : vector<16xf32>
      %mul3A_438 = arith.mulf %mul3A_437, %get3A_436 : vector<16xf32>
      %get3A_439 = arith.index_cast %add3A_427 : i32 to index
      %get3A_440 = arith.constant 16 : index
      %get3A_441 = tpu.vector_load %arg11[%get3A_439, %get3A_440] {strides = array<i32>} : memref<512x64xf32, #tpu.memory_space<vmem>>, vector<16xf32>,
      %get3A_442 = arith.index_cast %add3A_427 : i32 to index
      %get3A_443 = arith.constant 16 : index
      %get3A_444 = tpu.vector_load %arg12[%get3A_442, %get3A_443] {strides = array<i32>} : memref<512x64xf32, #tpu.memory_space<vmem>>, vector<16xf32>,
      %get3A_445 = arith.index_cast %add3A_427 : i32 to index
      %get3A_446 = arith.constant 16 : index
      %get3A_447 = tpu.vector_load %arg13[%get3A_445, %get3A_446] {strides = array<i32>} : memref<512x64xf32, #tpu.memory_space<vmem>>, vector<16xf32>,
      %mul3A_448 = arith.mulf %get3A_441, %get3A_444 : vector<16xf32>
      %mul3A_449 = arith.mulf %mul3A_448, %get3A_447 : vector<16xf32>
      %add3A_450 = arith.addf %mul3A_438, %mul3A_449 : vector<16xf32>
      %get3A_451 = arith.index_cast %add3A_427 : i32 to index
      %get3A_452 = arith.constant 32 : index
      %get3A_453 = tpu.vector_load %arg11[%get3A_451, %get3A_452] {strides = array<i32>} : memref<512x64xf32, #tpu.memory_space<vmem>>, vector<16xf32>,
      %get3A_454 = arith.index_cast %add3A_427 : i32 to index
      %get3A_455 = arith.constant 32 : index
      %get3A_456 = tpu.vector_load %arg12[%get3A_454, %get3A_455] {strides = array<i32>} : memref<512x64xf32, #tpu.memory_space<vmem>>, vector<16xf32>,
      %get3A_457 = arith.index_cast %add3A_427 : i32 to index
      %get3A_458 = arith.constant 32 : index
      %get3A_459 = tpu.vector_load %arg13[%get3A_457, %get3A_458] {strides = array<i32>} : memref<512x64xf32, #tpu.memory_space<vmem>>, vector<16xf32>,
      %mul3A_460 = arith.mulf %get3A_453, %get3A_456 : vector<16xf32>
      %mul3A_461 = arith.mulf %mul3A_460, %get3A_459 : vector<16xf32>
      %add3A_462 = arith.addf %add3A_450, %mul3A_461 : vector<16xf32>
      %get3A_463 = arith.index_cast %add3A_427 : i32 to index
      %get3A_464 = arith.constant 48 : index
      %get3A_465 = tpu.vector_load %arg11[%get3A_463, %get3A_464] {strides = array<i32>} : memref<512x64xf32, #tpu.memory_space<vmem>>, vector<16xf32>,
      %get3A_466 = arith.index_cast %add3A_427 : i32 to index
      %get3A_467 = arith.constant 48 : index
      %get3A_468 = tpu.vector_load %arg12[%get3A_466, %get3A_467] {strides = array<i32>} : memref<512x64xf32, #tpu.memory_space<vmem>>, vector<16xf32>,
      %get3A_469 = arith.index_cast %add3A_427 : i32 to index
      %get3A_470 = arith.constant 48 : index
      %get3A_471 = tpu.vector_load %arg13[%get3A_469, %get3A_470] {strides = array<i32>} : memref<512x64xf32, #tpu.memory_space<vmem>>, vector<16xf32>,
      %mul3A_472 = arith.mulf %get3A_465, %get3A_468 : vector<16xf32>
      %mul3A_473 = arith.mulf %mul3A_472, %get3A_471 : vector<16xf32>
      %add3A_474 = arith.addf %add3A_462, %mul3A_473 : vector<16xf32>
      %eq3A_475 = arith.constant 3 : i32
      %eq3A_476 = vector.broadcast %eq3A_475 : i32 to vector<16xi32>
      %eq3A_477 = arith.cmpi eq, %iota3A, %eq3A_476 : vector<16xi32>
      %reduce_sum3A_478 = arith.constant true
      %reduce_sum3A_479 = vector.broadcast %reduce_sum3A_478 : i1 to vector<16xi1>
      %reduce_sum3A_480 = tpu.scan <sum>, %add3A_474 masked %reduce_sum3A_479 : vector<16xf32>, vector<16xi1> -> vector<16xf32>
      %reduce_sum3A_481 = vector.extract %reduce_sum3A_480[15] : f32 from vector<16xf32>
      %broadcast_in_dim3A_482 = vector.broadcast %reduce_sum3A_481 : f32 to vector<16xf32>
      %select_n3A_483 = arith.select %eq3A_477, %broadcast_in_dim3A_482, %select_n3A_423 : vector<16xi1>, vector<16xf32>
      %mul3A_484 = arith.constant 16 : i32
      %mul3A_485 = arith.muli %scan3A_246, %mul3A_484 : i32
      %add3A_486 = arith.constant 4 : i32
      %add3A_487 = arith.addi %mul3A_485, %add3A_486 : i32
      %get3A_488 = arith.index_cast %add3A_487 : i32 to index
      %get3A_489 = arith.constant 0 : index
      %get3A_490 = tpu.vector_load %arg11[%get3A_488, %get3A_489] {strides = array<i32>} : memref<512x64xf32, #tpu.memory_space<vmem>>, vector<16xf32>,
      %get3A_491 = arith.index_cast %add3A_487 : i32 to index
      %get3A_492 = arith.constant 0 : index
      %get3A_493 = tpu.vector_load %arg12[%get3A_491, %get3A_492] {strides = array<i32>} : memref<512x64xf32, #tpu.memory_space<vmem>>, vector<16xf32>,
      %get3A_494 = arith.index_cast %add3A_487 : i32 to index
      %get3A_495 = arith.constant 0 : index
      %get3A_496 = tpu.vector_load %arg13[%get3A_494, %get3A_495] {strides = array<i32>} : memref<512x64xf32, #tpu.memory_space<vmem>>, vector<16xf32>,
      %mul3A_497 = arith.mulf %get3A_490, %get3A_493 : vector<16xf32>
      %mul3A_498 = arith.mulf %mul3A_497, %get3A_496 : vector<16xf32>
      %get3A_499 = arith.index_cast %add3A_487 : i32 to index
      %get3A_500 = arith.constant 16 : index
      %get3A_501 = tpu.vector_load %arg11[%get3A_499, %get3A_500] {strides = array<i32>} : memref<512x64xf32, #tpu.memory_space<vmem>>, vector<16xf32>,
      %get3A_502 = arith.index_cast %add3A_487 : i32 to index
      %get3A_503 = arith.constant 16 : index
      %get3A_504 = tpu.vector_load %arg12[%get3A_502, %get3A_503] {strides = array<i32>} : memref<512x64xf32, #tpu.memory_space<vmem>>, vector<16xf32>,
      %get3A_505 = arith.index_cast %add3A_487 : i32 to index
      %get3A_506 = arith.constant 16 : index
      %get3A_507 = tpu.vector_load %arg13[%get3A_505, %get3A_506] {strides = array<i32>} : memref<512x64xf32, #tpu.memory_space<vmem>>, vector<16xf32>,
      %mul3A_508 = arith.mulf %get3A_501, %get3A_504 : vector<16xf32>
      %mul3A_509 = arith.mulf %mul3A_508, %get3A_507 : vector<16xf32>
      %add3A_510 = arith.addf %mul3A_498, %mul3A_509 : vector<16xf32>
      %get3A_511 = arith.index_cast %add3A_487 : i32 to index
      %get3A_512 = arith.constant 32 : index
      %get3A_513 = tpu.vector_load %arg11[%get3A_511, %get3A_512] {strides = array<i32>} : memref<512x64xf32, #tpu.memory_space<vmem>>, vector<16xf32>,
      %get3A_514 = arith.index_cast %add3A_487 : i32 to index
      %get3A_515 = arith.constant 32 : index
      %get3A_516 = tpu.vector_load %arg12[%get3A_514, %get3A_515] {strides = array<i32>} : memref<512x64xf32, #tpu.memory_space<vmem>>, vector<16xf32>,
      %get3A_517 = arith.index_cast %add3A_487 : i32 to index
      %get3A_518 = arith.constant 32 : index
      %get3A_519 = tpu.vector_load %arg13[%get3A_517, %get3A_518] {strides = array<i32>} : memref<512x64xf32, #tpu.memory_space<vmem>>, vector<16xf32>,
      %mul3A_520 = arith.mulf %get3A_513, %get3A_516 : vector<16xf32>
      %mul3A_521 = arith.mulf %mul3A_520, %get3A_519 : vector<16xf32>
      %add3A_522 = arith.addf %add3A_510, %mul3A_521 : vector<16xf32>
      %get3A_523 = arith.index_cast %add3A_487 : i32 to index
      %get3A_524 = arith.constant 48 : index
      %get3A_525 = tpu.vector_load %arg11[%get3A_523, %get3A_524] {strides = array<i32>} : memref<512x64xf32, #tpu.memory_space<vmem>>, vector<16xf32>,
      %get3A_526 = arith.index_cast %add3A_487 : i32 to index
      %get3A_527 = arith.constant 48 : index
      %get3A_528 = tpu.vector_load %arg12[%get3A_526, %get3A_527] {strides = array<i32>} : memref<512x64xf32, #tpu.memory_space<vmem>>, vector<16xf32>,
      %get3A_529 = arith.index_cast %add3A_487 : i32 to index
      %get3A_530 = arith.constant 48 : index
      %get3A_531 = tpu.vector_load %arg13[%get3A_529, %get3A_530] {strides = array<i32>} : memref<512x64xf32, #tpu.memory_space<vmem>>, vector<16xf32>,
      %mul3A_532 = arith.mulf %get3A_525, %get3A_528 : vector<16xf32>
      %mul3A_533 = arith.mulf %mul3A_532, %get3A_531 : vector<16xf32>
      %add3A_534 = arith.addf %add3A_522, %mul3A_533 : vector<16xf32>
      %eq3A_535 = arith.constant 4 : i32
      %eq3A_536 = vector.broadcast %eq3A_535 : i32 to vector<16xi32>
      %eq3A_537 = arith.cmpi eq, %iota3A, %eq3A_536 : vector<16xi32>
      %reduce_sum3A_538 = arith.constant true
      %reduce_sum3A_539 = vector.broadcast %reduce_sum3A_538 : i1 to vector<16xi1>
      %reduce_sum3A_540 = tpu.scan <sum>, %add3A_534 masked %reduce_sum3A_539 : vector<16xf32>, vector<16xi1> -> vector<16xf32>
      %reduce_sum3A_541 = vector.extract %reduce_sum3A_540[15] : f32 from vector<16xf32>
      %broadcast_in_dim3A_542 = vector.broadcast %reduce_sum3A_541 : f32 to vector<16xf32>
      %select_n3A_543 = arith.select %eq3A_537, %broadcast_in_dim3A_542, %select_n3A_483 : vector<16xi1>, vector<16xf32>
      %mul3A_544 = arith.constant 16 : i32
      %mul3A_545 = arith.muli %scan3A_246, %mul3A_544 : i32
      %add3A_546 = arith.constant 5 : i32
      %add3A_547 = arith.addi %mul3A_545, %add3A_546 : i32
      %get3A_548 = arith.index_cast %add3A_547 : i32 to index
      %get3A_549 = arith.constant 0 : index
      %get3A_550 = tpu.vector_load %arg11[%get3A_548, %get3A_549] {strides = array<i32>} : memref<512x64xf32, #tpu.memory_space<vmem>>, vector<16xf32>,
      %get3A_551 = arith.index_cast %add3A_547 : i32 to index
      %get3A_552 = arith.constant 0 : index
      %get3A_553 = tpu.vector_load %arg12[%get3A_551, %get3A_552] {strides = array<i32>} : memref<512x64xf32, #tpu.memory_space<vmem>>, vector<16xf32>,
      %get3A_554 = arith.index_cast %add3A_547 : i32 to index
      %get3A_555 = arith.constant 0 : index
      %get3A_556 = tpu.vector_load %arg13[%get3A_554, %get3A_555] {strides = array<i32>} : memref<512x64xf32, #tpu.memory_space<vmem>>, vector<16xf32>,
      %mul3A_557 = arith.mulf %get3A_550, %get3A_553 : vector<16xf32>
      %mul3A_558 = arith.mulf %mul3A_557, %get3A_556 : vector<16xf32>
      %get3A_559 = arith.index_cast %add3A_547 : i32 to index
      %get3A_560 = arith.constant 16 : index
      %get3A_561 = tpu.vector_load %arg11[%get3A_559, %get3A_560] {strides = array<i32>} : memref<512x64xf32, #tpu.memory_space<vmem>>, vector<16xf32>,
      %get3A_562 = arith.index_cast %add3A_547 : i32 to index
      %get3A_563 = arith.constant 16 : index
      %get3A_564 = tpu.vector_load %arg12[%get3A_562, %get3A_563] {strides = array<i32>} : memref<512x64xf32, #tpu.memory_space<vmem>>, vector<16xf32>,
      %get3A_565 = arith.index_cast %add3A_547 : i32 to index
      %get3A_566 = arith.constant 16 : index
      %get3A_567 = tpu.vector_load %arg13[%get3A_565, %get3A_566] {strides = array<i32>} : memref<512x64xf32, #tpu.memory_space<vmem>>, vector<16xf32>,
      %mul3A_568 = arith.mulf %get3A_561, %get3A_564 : vector<16xf32>
      %mul3A_569 = arith.mulf %mul3A_568, %get3A_567 : vector<16xf32>
      %add3A_570 = arith.addf %mul3A_558, %mul3A_569 : vector<16xf32>
      %get3A_571 = arith.index_cast %add3A_547 : i32 to index
      %get3A_572 = arith.constant 32 : index
      %get3A_573 = tpu.vector_load %arg11[%get3A_571, %get3A_572] {strides = array<i32>} : memref<512x64xf32, #tpu.memory_space<vmem>>, vector<16xf32>,
      %get3A_574 = arith.index_cast %add3A_547 : i32 to index
      %get3A_575 = arith.constant 32 : index
      %get3A_576 = tpu.vector_load %arg12[%get3A_574, %get3A_575] {strides = array<i32>} : memref<512x64xf32, #tpu.memory_space<vmem>>, vector<16xf32>,
      %get3A_577 = arith.index_cast %add3A_547 : i32 to index
      %get3A_578 = arith.constant 32 : index
      %get3A_579 = tpu.vector_load %arg13[%get3A_577, %get3A_578] {strides = array<i32>} : memref<512x64xf32, #tpu.memory_space<vmem>>, vector<16xf32>,
      %mul3A_580 = arith.mulf %get3A_573, %get3A_576 : vector<16xf32>
      %mul3A_581 = arith.mulf %mul3A_580, %get3A_579 : vector<16xf32>
      %add3A_582 = arith.addf %add3A_570, %mul3A_581 : vector<16xf32>
      %get3A_583 = arith.index_cast %add3A_547 : i32 to index
      %get3A_584 = arith.constant 48 : index
      %get3A_585 = tpu.vector_load %arg11[%get3A_583, %get3A_584] {strides = array<i32>} : memref<512x64xf32, #tpu.memory_space<vmem>>, vector<16xf32>,
      %get3A_586 = arith.index_cast %add3A_547 : i32 to index
      %get3A_587 = arith.constant 48 : index
      %get3A_588 = tpu.vector_load %arg12[%get3A_586, %get3A_587] {strides = array<i32>} : memref<512x64xf32, #tpu.memory_space<vmem>>, vector<16xf32>,
      %get3A_589 = arith.index_cast %add3A_547 : i32 to index
      %get3A_590 = arith.constant 48 : index
      %get3A_591 = tpu.vector_load %arg13[%get3A_589, %get3A_590] {strides = array<i32>} : memref<512x64xf32, #tpu.memory_space<vmem>>, vector<16xf32>,
      %mul3A_592 = arith.mulf %get3A_585, %get3A_588 : vector<16xf32>
      %mul3A_593 = arith.mulf %mul3A_592, %get3A_591 : vector<16xf32>
      %add3A_594 = arith.addf %add3A_582, %mul3A_593 : vector<16xf32>
      %eq3A_595 = arith.constant 5 : i32
      %eq3A_596 = vector.broadcast %eq3A_595 : i32 to vector<16xi32>
      %eq3A_597 = arith.cmpi eq, %iota3A, %eq3A_596 : vector<16xi32>
      %reduce_sum3A_598 = arith.constant true
      %reduce_sum3A_599 = vector.broadcast %reduce_sum3A_598 : i1 to vector<16xi1>
      %reduce_sum3A_600 = tpu.scan <sum>, %add3A_594 masked %reduce_sum3A_599 : vector<16xf32>, vector<16xi1> -> vector<16xf32>
      %reduce_sum3A_601 = vector.extract %reduce_sum3A_600[15] : f32 from vector<16xf32>
      %broadcast_in_dim3A_602 = vector.broadcast %reduce_sum3A_601 : f32 to vector<16xf32>
      %select_n3A_603 = arith.select %eq3A_597, %broadcast_in_dim3A_602, %select_n3A_543 : vector<16xi1>, vector<16xf32>
      %mul3A_604 = arith.constant 16 : i32
      %mul3A_605 = arith.muli %scan3A_246, %mul3A_604 : i32
      %add3A_606 = arith.constant 6 : i32
      %add3A_607 = arith.addi %mul3A_605, %add3A_606 : i32
      %get3A_608 = arith.index_cast %add3A_607 : i32 to index
      %get3A_609 = arith.constant 0 : index
      %get3A_610 = tpu.vector_load %arg11[%get3A_608, %get3A_609] {strides = array<i32>} : memref<512x64xf32, #tpu.memory_space<vmem>>, vector<16xf32>,
      %get3A_611 = arith.index_cast %add3A_607 : i32 to index
      %get3A_612 = arith.constant 0 : index
      %get3A_613 = tpu.vector_load %arg12[%get3A_611, %get3A_612] {strides = array<i32>} : memref<512x64xf32, #tpu.memory_space<vmem>>, vector<16xf32>,
      %get3A_614 = arith.index_cast %add3A_607 : i32 to index
      %get3A_615 = arith.constant 0 : index
      %get3A_616 = tpu.vector_load %arg13[%get3A_614, %get3A_615] {strides = array<i32>} : memref<512x64xf32, #tpu.memory_space<vmem>>, vector<16xf32>,
      %mul3A_617 = arith.mulf %get3A_610, %get3A_613 : vector<16xf32>
      %mul3A_618 = arith.mulf %mul3A_617, %get3A_616 : vector<16xf32>
      %get3A_619 = arith.index_cast %add3A_607 : i32 to index
      %get3A_620 = arith.constant 16 : index
      %get3A_621 = tpu.vector_load %arg11[%get3A_619, %get3A_620] {strides = array<i32>} : memref<512x64xf32, #tpu.memory_space<vmem>>, vector<16xf32>,
      %get3A_622 = arith.index_cast %add3A_607 : i32 to index
      %get3A_623 = arith.constant 16 : index
      %get3A_624 = tpu.vector_load %arg12[%get3A_622, %get3A_623] {strides = array<i32>} : memref<512x64xf32, #tpu.memory_space<vmem>>, vector<16xf32>,
      %get3A_625 = arith.index_cast %add3A_607 : i32 to index
      %get3A_626 = arith.constant 16 : index
      %get3A_627 = tpu.vector_load %arg13[%get3A_625, %get3A_626] {strides = array<i32>} : memref<512x64xf32, #tpu.memory_space<vmem>>, vector<16xf32>,
      %mul3A_628 = arith.mulf %get3A_621, %get3A_624 : vector<16xf32>
      %mul3A_629 = arith.mulf %mul3A_628, %get3A_627 : vector<16xf32>
      %add3A_630 = arith.addf %mul3A_618, %mul3A_629 : vector<16xf32>
      %get3A_631 = arith.index_cast %add3A_607 : i32 to index
      %get3A_632 = arith.constant 32 : index
      %get3A_633 = tpu.vector_load %arg11[%get3A_631, %get3A_632] {strides = array<i32>} : memref<512x64xf32, #tpu.memory_space<vmem>>, vector<16xf32>,
      %get3A_634 = arith.index_cast %add3A_607 : i32 to index
      %get3A_635 = arith.constant 32 : index
      %get3A_636 = tpu.vector_load %arg12[%get3A_634, %get3A_635] {strides = array<i32>} : memref<512x64xf32, #tpu.memory_space<vmem>>, vector<16xf32>,
      %get3A_637 = arith.index_cast %add3A_607 : i32 to index
      %get3A_638 = arith.constant 32 : index
      %get3A_639 = tpu.vector_load %arg13[%get3A_637, %get3A_638] {strides = array<i32>} : memref<512x64xf32, #tpu.memory_space<vmem>>, vector<16xf32>,
      %mul3A_640 = arith.mulf %get3A_633, %get3A_636 : vector<16xf32>
      %mul3A_641 = arith.mulf %mul3A_640, %get3A_639 : vector<16xf32>
      %add3A_642 = arith.addf %add3A_630, %mul3A_641 : vector<16xf32>
      %get3A_643 = arith.index_cast %add3A_607 : i32 to index
      %get3A_644 = arith.constant 48 : index
      %get3A_645 = tpu.vector_load %arg11[%get3A_643, %get3A_644] {strides = array<i32>} : memref<512x64xf32, #tpu.memory_space<vmem>>, vector<16xf32>,
      %get3A_646 = arith.index_cast %add3A_607 : i32 to index
      %get3A_647 = arith.constant 48 : index
      %get3A_648 = tpu.vector_load %arg12[%get3A_646, %get3A_647] {strides = array<i32>} : memref<512x64xf32, #tpu.memory_space<vmem>>, vector<16xf32>,
      %get3A_649 = arith.index_cast %add3A_607 : i32 to index
      %get3A_650 = arith.constant 48 : index
      %get3A_651 = tpu.vector_load %arg13[%get3A_649, %get3A_650] {strides = array<i32>} : memref<512x64xf32, #tpu.memory_space<vmem>>, vector<16xf32>,
      %mul3A_652 = arith.mulf %get3A_645, %get3A_648 : vector<16xf32>
      %mul3A_653 = arith.mulf %mul3A_652, %get3A_651 : vector<16xf32>
      %add3A_654 = arith.addf %add3A_642, %mul3A_653 : vector<16xf32>
      %eq3A_655 = arith.constant 6 : i32
      %eq3A_656 = vector.broadcast %eq3A_655 : i32 to vector<16xi32>
      %eq3A_657 = arith.cmpi eq, %iota3A, %eq3A_656 : vector<16xi32>
      %reduce_sum3A_658 = arith.constant true
      %reduce_sum3A_659 = vector.broadcast %reduce_sum3A_658 : i1 to vector<16xi1>
      %reduce_sum3A_660 = tpu.scan <sum>, %add3A_654 masked %reduce_sum3A_659 : vector<16xf32>, vector<16xi1> -> vector<16xf32>
      %reduce_sum3A_661 = vector.extract %reduce_sum3A_660[15] : f32 from vector<16xf32>
      %broadcast_in_dim3A_662 = vector.broadcast %reduce_sum3A_661 : f32 to vector<16xf32>
      %select_n3A_663 = arith.select %eq3A_657, %broadcast_in_dim3A_662, %select_n3A_603 : vector<16xi1>, vector<16xf32>
      %mul3A_664 = arith.constant 16 : i32
      %mul3A_665 = arith.muli %scan3A_246, %mul3A_664 : i32
      %add3A_666 = arith.constant 7 : i32
      %add3A_667 = arith.addi %mul3A_665, %add3A_666 : i32
      %get3A_668 = arith.index_cast %add3A_667 : i32 to index
      %get3A_669 = arith.constant 0 : index
      %get3A_670 = tpu.vector_load %arg11[%get3A_668, %get3A_669] {strides = array<i32>} : memref<512x64xf32, #tpu.memory_space<vmem>>, vector<16xf32>,
      %get3A_671 = arith.index_cast %add3A_667 : i32 to index
      %get3A_672 = arith.constant 0 : index
      %get3A_673 = tpu.vector_load %arg12[%get3A_671, %get3A_672] {strides = array<i32>} : memref<512x64xf32, #tpu.memory_space<vmem>>, vector<16xf32>,
      %get3A_674 = arith.index_cast %add3A_667 : i32 to index
      %get3A_675 = arith.constant 0 : index
      %get3A_676 = tpu.vector_load %arg13[%get3A_674, %get3A_675] {strides = array<i32>} : memref<512x64xf32, #tpu.memory_space<vmem>>, vector<16xf32>,
      %mul3A_677 = arith.mulf %get3A_670, %get3A_673 : vector<16xf32>
      %mul3A_678 = arith.mulf %mul3A_677, %get3A_676 : vector<16xf32>
      %get3A_679 = arith.index_cast %add3A_667 : i32 to index
      %get3A_680 = arith.constant 16 : index
      %get3A_681 = tpu.vector_load %arg11[%get3A_679, %get3A_680] {strides = array<i32>} : memref<512x64xf32, #tpu.memory_space<vmem>>, vector<16xf32>,
      %get3A_682 = arith.index_cast %add3A_667 : i32 to index
      %get3A_683 = arith.constant 16 : index
      %get3A_684 = tpu.vector_load %arg12[%get3A_682, %get3A_683] {strides = array<i32>} : memref<512x64xf32, #tpu.memory_space<vmem>>, vector<16xf32>,
      %get3A_685 = arith.index_cast %add3A_667 : i32 to index
      %get3A_686 = arith.constant 16 : index
      %get3A_687 = tpu.vector_load %arg13[%get3A_685, %get3A_686] {strides = array<i32>} : memref<512x64xf32, #tpu.memory_space<vmem>>, vector<16xf32>,
      %mul3A_688 = arith.mulf %get3A_681, %get3A_684 : vector<16xf32>
      %mul3A_689 = arith.mulf %mul3A_688, %get3A_687 : vector<16xf32>
      %add3A_690 = arith.addf %mul3A_678, %mul3A_689 : vector<16xf32>
      %get3A_691 = arith.index_cast %add3A_667 : i32 to index
      %get3A_692 = arith.constant 32 : index
      %get3A_693 = tpu.vector_load %arg11[%get3A_691, %get3A_692] {strides = array<i32>} : memref<512x64xf32, #tpu.memory_space<vmem>>, vector<16xf32>,
      %get3A_694 = arith.index_cast %add3A_667 : i32 to index
      %get3A_695 = arith.constant 32 : index
      %get3A_696 = tpu.vector_load %arg12[%get3A_694, %get3A_695] {strides = array<i32>} : memref<512x64xf32, #tpu.memory_space<vmem>>, vector<16xf32>,
      %get3A_697 = arith.index_cast %add3A_667 : i32 to index
      %get3A_698 = arith.constant 32 : index
      %get3A_699 = tpu.vector_load %arg13[%get3A_697, %get3A_698] {strides = array<i32>} : memref<512x64xf32, #tpu.memory_space<vmem>>, vector<16xf32>,
      %mul3A_700 = arith.mulf %get3A_693, %get3A_696 : vector<16xf32>
      %mul3A_701 = arith.mulf %mul3A_700, %get3A_699 : vector<16xf32>
      %add3A_702 = arith.addf %add3A_690, %mul3A_701 : vector<16xf32>
      %get3A_703 = arith.index_cast %add3A_667 : i32 to index
      %get3A_704 = arith.constant 48 : index
      %get3A_705 = tpu.vector_load %arg11[%get3A_703, %get3A_704] {strides = array<i32>} : memref<512x64xf32, #tpu.memory_space<vmem>>, vector<16xf32>,
      %get3A_706 = arith.index_cast %add3A_667 : i32 to index
      %get3A_707 = arith.constant 48 : index
      %get3A_708 = tpu.vector_load %arg12[%get3A_706, %get3A_707] {strides = array<i32>} : memref<512x64xf32, #tpu.memory_space<vmem>>, vector<16xf32>,
      %get3A_709 = arith.index_cast %add3A_667 : i32 to index
      %get3A_710 = arith.constant 48 : index
      %get3A_711 = tpu.vector_load %arg13[%get3A_709, %get3A_710] {strides = array<i32>} : memref<512x64xf32, #tpu.memory_space<vmem>>, vector<16xf32>,
      %mul3A_712 = arith.mulf %get3A_705, %get3A_708 : vector<16xf32>
      %mul3A_713 = arith.mulf %mul3A_712, %get3A_711 : vector<16xf32>
      %add3A_714 = arith.addf %add3A_702, %mul3A_713 : vector<16xf32>
      %eq3A_715 = arith.constant 7 : i32
      %eq3A_716 = vector.broadcast %eq3A_715 : i32 to vector<16xi32>
      %eq3A_717 = arith.cmpi eq, %iota3A, %eq3A_716 : vector<16xi32>
      %reduce_sum3A_718 = arith.constant true
      %reduce_sum3A_719 = vector.broadcast %reduce_sum3A_718 : i1 to vector<16xi1>
      %reduce_sum3A_720 = tpu.scan <sum>, %add3A_714 masked %reduce_sum3A_719 : vector<16xf32>, vector<16xi1> -> vector<16xf32>
      %reduce_sum3A_721 = vector.extract %reduce_sum3A_720[15] : f32 from vector<16xf32>
      %broadcast_in_dim3A_722 = vector.broadcast %reduce_sum3A_721 : f32 to vector<16xf32>
      %select_n3A_723 = arith.select %eq3A_717, %broadcast_in_dim3A_722, %select_n3A_663 : vector<16xi1>, vector<16xf32>
      %mul3A_724 = arith.constant 16 : i32
      %mul3A_725 = arith.muli %scan3A_246, %mul3A_724 : i32
      %add3A_726 = arith.constant 8 : i32
      %add3A_727 = arith.addi %mul3A_725, %add3A_726 : i32
      %get3A_728 = arith.index_cast %add3A_727 : i32 to index
      %get3A_729 = arith.constant 0 : index
      %get3A_730 = tpu.vector_load %arg11[%get3A_728, %get3A_729] {strides = array<i32>} : memref<512x64xf32, #tpu.memory_space<vmem>>, vector<16xf32>,
      %get3A_731 = arith.index_cast %add3A_727 : i32 to index
      %get3A_732 = arith.constant 0 : index
      %get3A_733 = tpu.vector_load %arg12[%get3A_731, %get3A_732] {strides = array<i32>} : memref<512x64xf32, #tpu.memory_space<vmem>>, vector<16xf32>,
      %get3A_734 = arith.index_cast %add3A_727 : i32 to index
      %get3A_735 = arith.constant 0 : index
      %get3A_736 = tpu.vector_load %arg13[%get3A_734, %get3A_735] {strides = array<i32>} : memref<512x64xf32, #tpu.memory_space<vmem>>, vector<16xf32>,
      %mul3A_737 = arith.mulf %get3A_730, %get3A_733 : vector<16xf32>
      %mul3A_738 = arith.mulf %mul3A_737, %get3A_736 : vector<16xf32>
      %get3A_739 = arith.index_cast %add3A_727 : i32 to index
      %get3A_740 = arith.constant 16 : index
      %get3A_741 = tpu.vector_load %arg11[%get3A_739, %get3A_740] {strides = array<i32>} : memref<512x64xf32, #tpu.memory_space<vmem>>, vector<16xf32>,
      %get3A_742 = arith.index_cast %add3A_727 : i32 to index
      %get3A_743 = arith.constant 16 : index
      %get3A_744 = tpu.vector_load %arg12[%get3A_742, %get3A_743] {strides = array<i32>} : memref<512x64xf32, #tpu.memory_space<vmem>>, vector<16xf32>,
      %get3A_745 = arith.index_cast %add3A_727 : i32 to index
      %get3A_746 = arith.constant 16 : index
      %get3A_747 = tpu.vector_load %arg13[%get3A_745, %get3A_746] {strides = array<i32>} : memref<512x64xf32, #tpu.memory_space<vmem>>, vector<16xf32>,
      %mul3A_748 = arith.mulf %get3A_741, %get3A_744 : vector<16xf32>
      %mul3A_749 = arith.mulf %mul3A_748, %get3A_747 : vector<16xf32>
      %add3A_750 = arith.addf %mul3A_738, %mul3A_749 : vector<16xf32>
      %get3A_751 = arith.index_cast %add3A_727 : i32 to index
      %get3A_752 = arith.constant 32 : index
      %get3A_753 = tpu.vector_load %arg11[%get3A_751, %get3A_752] {strides = array<i32>} : memref<512x64xf32, #tpu.memory_space<vmem>>, vector<16xf32>,
      %get3A_754 = arith.index_cast %add3A_727 : i32 to index
      %get3A_755 = arith.constant 32 : index
      %get3A_756 = tpu.vector_load %arg12[%get3A_754, %get3A_755] {strides = array<i32>} : memref<512x64xf32, #tpu.memory_space<vmem>>, vector<16xf32>,
      %get3A_757 = arith.index_cast %add3A_727 : i32 to index
      %get3A_758 = arith.constant 32 : index
      %get3A_759 = tpu.vector_load %arg13[%get3A_757, %get3A_758] {strides = array<i32>} : memref<512x64xf32, #tpu.memory_space<vmem>>, vector<16xf32>,
      %mul3A_760 = arith.mulf %get3A_753, %get3A_756 : vector<16xf32>
      %mul3A_761 = arith.mulf %mul3A_760, %get3A_759 : vector<16xf32>
      %add3A_762 = arith.addf %add3A_750, %mul3A_761 : vector<16xf32>
      %get3A_763 = arith.index_cast %add3A_727 : i32 to index
      %get3A_764 = arith.constant 48 : index
      %get3A_765 = tpu.vector_load %arg11[%get3A_763, %get3A_764] {strides = array<i32>} : memref<512x64xf32, #tpu.memory_space<vmem>>, vector<16xf32>,
      %get3A_766 = arith.index_cast %add3A_727 : i32 to index
      %get3A_767 = arith.constant 48 : index
      %get3A_768 = tpu.vector_load %arg12[%get3A_766, %get3A_767] {strides = array<i32>} : memref<512x64xf32, #tpu.memory_space<vmem>>, vector<16xf32>,
      %get3A_769 = arith.index_cast %add3A_727 : i32 to index
      %get3A_770 = arith.constant 48 : index
      %get3A_771 = tpu.vector_load %arg13[%get3A_769, %get3A_770] {strides = array<i32>} : memref<512x64xf32, #tpu.memory_space<vmem>>, vector<16xf32>,
      %mul3A_772 = arith.mulf %get3A_765, %get3A_768 : vector<16xf32>
      %mul3A_773 = arith.mulf %mul3A_772, %get3A_771 : vector<16xf32>
      %add3A_774 = arith.addf %add3A_762, %mul3A_773 : vector<16xf32>
      %eq3A_775 = arith.constant 8 : i32
      %eq3A_776 = vector.broadcast %eq3A_775 : i32 to vector<16xi32>
      %eq3A_777 = arith.cmpi eq, %iota3A, %eq3A_776 : vector<16xi32>
      %reduce_sum3A_778 = arith.constant true
      %reduce_sum3A_779 = vector.broadcast %reduce_sum3A_778 : i1 to vector<16xi1>
      %reduce_sum3A_780 = tpu.scan <sum>, %add3A_774 masked %reduce_sum3A_779 : vector<16xf32>, vector<16xi1> -> vector<16xf32>
      %reduce_sum3A_781 = vector.extract %reduce_sum3A_780[15] : f32 from vector<16xf32>
      %broadcast_in_dim3A_782 = vector.broadcast %reduce_sum3A_781 : f32 to vector<16xf32>
      %select_n3A_783 = arith.select %eq3A_777, %broadcast_in_dim3A_782, %select_n3A_723 : vector<16xi1>, vector<16xf32>
      %mul3A_784 = arith.constant 16 : i32
      %mul3A_785 = arith.muli %scan3A_246, %mul3A_784 : i32
      %add3A_786 = arith.constant 9 : i32
      %add3A_787 = arith.addi %mul3A_785, %add3A_786 : i32
      %get3A_788 = arith.index_cast %add3A_787 : i32 to index
      %get3A_789 = arith.constant 0 : index
      %get3A_790 = tpu.vector_load %arg11[%get3A_788, %get3A_789] {strides = array<i32>} : memref<512x64xf32, #tpu.memory_space<vmem>>, vector<16xf32>,
      %get3A_791 = arith.index_cast %add3A_787 : i32 to index
      %get3A_792 = arith.constant 0 : index
      %get3A_793 = tpu.vector_load %arg12[%get3A_791, %get3A_792] {strides = array<i32>} : memref<512x64xf32, #tpu.memory_space<vmem>>, vector<16xf32>,
      %get3A_794 = arith.index_cast %add3A_787 : i32 to index
      %get3A_795 = arith.constant 0 : index
      %get3A_796 = tpu.vector_load %arg13[%get3A_794, %get3A_795] {strides = array<i32>} : memref<512x64xf32, #tpu.memory_space<vmem>>, vector<16xf32>,
      %mul3A_797 = arith.mulf %get3A_790, %get3A_793 : vector<16xf32>
      %mul3A_798 = arith.mulf %mul3A_797, %get3A_796 : vector<16xf32>
      %get3A_799 = arith.index_cast %add3A_787 : i32 to index
      %get3A_800 = arith.constant 16 : index
      %get3A_801 = tpu.vector_load %arg11[%get3A_799, %get3A_800] {strides = array<i32>} : memref<512x64xf32, #tpu.memory_space<vmem>>, vector<16xf32>,
      %get3A_802 = arith.index_cast %add3A_787 : i32 to index
      %get3A_803 = arith.constant 16 : index
      %get3A_804 = tpu.vector_load %arg12[%get3A_802, %get3A_803] {strides = array<i32>} : memref<512x64xf32, #tpu.memory_space<vmem>>, vector<16xf32>,
      %get3A_805 = arith.index_cast %add3A_787 : i32 to index
      %get3A_806 = arith.constant 16 : index
      %get3A_807 = tpu.vector_load %arg13[%get3A_805, %get3A_806] {strides = array<i32>} : memref<512x64xf32, #tpu.memory_space<vmem>>, vector<16xf32>,
      %mul3A_808 = arith.mulf %get3A_801, %get3A_804 : vector<16xf32>
      %mul3A_809 = arith.mulf %mul3A_808, %get3A_807 : vector<16xf32>
      %add3A_810 = arith.addf %mul3A_798, %mul3A_809 : vector<16xf32>
      %get3A_811 = arith.index_cast %add3A_787 : i32 to index
      %get3A_812 = arith.constant 32 : index
      %get3A_813 = tpu.vector_load %arg11[%get3A_811, %get3A_812] {strides = array<i32>} : memref<512x64xf32, #tpu.memory_space<vmem>>, vector<16xf32>,
      %get3A_814 = arith.index_cast %add3A_787 : i32 to index
      %get3A_815 = arith.constant 32 : index
      %get3A_816 = tpu.vector_load %arg12[%get3A_814, %get3A_815] {strides = array<i32>} : memref<512x64xf32, #tpu.memory_space<vmem>>, vector<16xf32>,
      %get3A_817 = arith.index_cast %add3A_787 : i32 to index
      %get3A_818 = arith.constant 32 : index
      %get3A_819 = tpu.vector_load %arg13[%get3A_817, %get3A_818] {strides = array<i32>} : memref<512x64xf32, #tpu.memory_space<vmem>>, vector<16xf32>,
      %mul3A_820 = arith.mulf %get3A_813, %get3A_816 : vector<16xf32>
      %mul3A_821 = arith.mulf %mul3A_820, %get3A_819 : vector<16xf32>
      %add3A_822 = arith.addf %add3A_810, %mul3A_821 : vector<16xf32>
      %get3A_823 = arith.index_cast %add3A_787 : i32 to index
      %get3A_824 = arith.constant 48 : index
      %get3A_825 = tpu.vector_load %arg11[%get3A_823, %get3A_824] {strides = array<i32>} : memref<512x64xf32, #tpu.memory_space<vmem>>, vector<16xf32>,
      %get3A_826 = arith.index_cast %add3A_787 : i32 to index
      %get3A_827 = arith.constant 48 : index
      %get3A_828 = tpu.vector_load %arg12[%get3A_826, %get3A_827] {strides = array<i32>} : memref<512x64xf32, #tpu.memory_space<vmem>>, vector<16xf32>,
      %get3A_829 = arith.index_cast %add3A_787 : i32 to index
      %get3A_830 = arith.constant 48 : index
      %get3A_831 = tpu.vector_load %arg13[%get3A_829, %get3A_830] {strides = array<i32>} : memref<512x64xf32, #tpu.memory_space<vmem>>, vector<16xf32>,
      %mul3A_832 = arith.mulf %get3A_825, %get3A_828 : vector<16xf32>
      %mul3A_833 = arith.mulf %mul3A_832, %get3A_831 : vector<16xf32>
      %add3A_834 = arith.addf %add3A_822, %mul3A_833 : vector<16xf32>
      %eq3A_835 = arith.constant 9 : i32
      %eq3A_836 = vector.broadcast %eq3A_835 : i32 to vector<16xi32>
      %eq3A_837 = arith.cmpi eq, %iota3A, %eq3A_836 : vector<16xi32>
      %reduce_sum3A_838 = arith.constant true
      %reduce_sum3A_839 = vector.broadcast %reduce_sum3A_838 : i1 to vector<16xi1>
      %reduce_sum3A_840 = tpu.scan <sum>, %add3A_834 masked %reduce_sum3A_839 : vector<16xf32>, vector<16xi1> -> vector<16xf32>
      %reduce_sum3A_841 = vector.extract %reduce_sum3A_840[15] : f32 from vector<16xf32>
      %broadcast_in_dim3A_842 = vector.broadcast %reduce_sum3A_841 : f32 to vector<16xf32>
      %select_n3A_843 = arith.select %eq3A_837, %broadcast_in_dim3A_842, %select_n3A_783 : vector<16xi1>, vector<16xf32>
      %mul3A_844 = arith.constant 16 : i32
      %mul3A_845 = arith.muli %scan3A_246, %mul3A_844 : i32
      %add3A_846 = arith.constant 10 : i32
      %add3A_847 = arith.addi %mul3A_845, %add3A_846 : i32
      %get3A_848 = arith.index_cast %add3A_847 : i32 to index
      %get3A_849 = arith.constant 0 : index
      %get3A_850 = tpu.vector_load %arg11[%get3A_848, %get3A_849] {strides = array<i32>} : memref<512x64xf32, #tpu.memory_space<vmem>>, vector<16xf32>,
      %get3A_851 = arith.index_cast %add3A_847 : i32 to index
      %get3A_852 = arith.constant 0 : index
      %get3A_853 = tpu.vector_load %arg12[%get3A_851, %get3A_852] {strides = array<i32>} : memref<512x64xf32, #tpu.memory_space<vmem>>, vector<16xf32>,
      %get3A_854 = arith.index_cast %add3A_847 : i32 to index
      %get3A_855 = arith.constant 0 : index
      %get3A_856 = tpu.vector_load %arg13[%get3A_854, %get3A_855] {strides = array<i32>} : memref<512x64xf32, #tpu.memory_space<vmem>>, vector<16xf32>,
      %mul3A_857 = arith.mulf %get3A_850, %get3A_853 : vector<16xf32>
      %mul3A_858 = arith.mulf %mul3A_857, %get3A_856 : vector<16xf32>
      %get3A_859 = arith.index_cast %add3A_847 : i32 to index
      %get3A_860 = arith.constant 16 : index
      %get3A_861 = tpu.vector_load %arg11[%get3A_859, %get3A_860] {strides = array<i32>} : memref<512x64xf32, #tpu.memory_space<vmem>>, vector<16xf32>,
      %get3A_862 = arith.index_cast %add3A_847 : i32 to index
      %get3A_863 = arith.constant 16 : index
      %get3A_864 = tpu.vector_load %arg12[%get3A_862, %get3A_863] {strides = array<i32>} : memref<512x64xf32, #tpu.memory_space<vmem>>, vector<16xf32>,
      %get3A_865 = arith.index_cast %add3A_847 : i32 to index
      %get3A_866 = arith.constant 16 : index
      %get3A_867 = tpu.vector_load %arg13[%get3A_865, %get3A_866] {strides = array<i32>} : memref<512x64xf32, #tpu.memory_space<vmem>>, vector<16xf32>,
      %mul3A_868 = arith.mulf %get3A_861, %get3A_864 : vector<16xf32>
      %mul3A_869 = arith.mulf %mul3A_868, %get3A_867 : vector<16xf32>
      %add3A_870 = arith.addf %mul3A_858, %mul3A_869 : vector<16xf32>
      %get3A_871 = arith.index_cast %add3A_847 : i32 to index
      %get3A_872 = arith.constant 32 : index
      %get3A_873 = tpu.vector_load %arg11[%get3A_871, %get3A_872] {strides = array<i32>} : memref<512x64xf32, #tpu.memory_space<vmem>>, vector<16xf32>,
      %get3A_874 = arith.index_cast %add3A_847 : i32 to index
      %get3A_875 = arith.constant 32 : index
      %get3A_876 = tpu.vector_load %arg12[%get3A_874, %get3A_875] {strides = array<i32>} : memref<512x64xf32, #tpu.memory_space<vmem>>, vector<16xf32>,
      %get3A_877 = arith.index_cast %add3A_847 : i32 to index
      %get3A_878 = arith.constant 32 : index
      %get3A_879 = tpu.vector_load %arg13[%get3A_877, %get3A_878] {strides = array<i32>} : memref<512x64xf32, #tpu.memory_space<vmem>>, vector<16xf32>,
      %mul3A_880 = arith.mulf %get3A_873, %get3A_876 : vector<16xf32>
      %mul3A_881 = arith.mulf %mul3A_880, %get3A_879 : vector<16xf32>
      %add3A_882 = arith.addf %add3A_870, %mul3A_881 : vector<16xf32>
      %get3A_883 = arith.index_cast %add3A_847 : i32 to index
      %get3A_884 = arith.constant 48 : index
      %get3A_885 = tpu.vector_load %arg11[%get3A_883, %get3A_884] {strides = array<i32>} : memref<512x64xf32, #tpu.memory_space<vmem>>, vector<16xf32>,
      %get3A_886 = arith.index_cast %add3A_847 : i32 to index
      %get3A_887 = arith.constant 48 : index
      %get3A_888 = tpu.vector_load %arg12[%get3A_886, %get3A_887] {strides = array<i32>} : memref<512x64xf32, #tpu.memory_space<vmem>>, vector<16xf32>,
      %get3A_889 = arith.index_cast %add3A_847 : i32 to index
      %get3A_890 = arith.constant 48 : index
      %get3A_891 = tpu.vector_load %arg13[%get3A_889, %get3A_890] {strides = array<i32>} : memref<512x64xf32, #tpu.memory_space<vmem>>, vector<16xf32>,
      %mul3A_892 = arith.mulf %get3A_885, %get3A_888 : vector<16xf32>
      %mul3A_893 = arith.mulf %mul3A_892, %get3A_891 : vector<16xf32>
      %add3A_894 = arith.addf %add3A_882, %mul3A_893 : vector<16xf32>
      %eq3A_895 = arith.constant 10 : i32
      %eq3A_896 = vector.broadcast %eq3A_895 : i32 to vector<16xi32>
      %eq3A_897 = arith.cmpi eq, %iota3A, %eq3A_896 : vector<16xi32>
      %reduce_sum3A_898 = arith.constant true
      %reduce_sum3A_899 = vector.broadcast %reduce_sum3A_898 : i1 to vector<16xi1>
      %reduce_sum3A_900 = tpu.scan <sum>, %add3A_894 masked %reduce_sum3A_899 : vector<16xf32>, vector<16xi1> -> vector<16xf32>
      %reduce_sum3A_901 = vector.extract %reduce_sum3A_900[15] : f32 from vector<16xf32>
      %broadcast_in_dim3A_902 = vector.broadcast %reduce_sum3A_901 : f32 to vector<16xf32>
      %select_n3A_903 = arith.select %eq3A_897, %broadcast_in_dim3A_902, %select_n3A_843 : vector<16xi1>, vector<16xf32>
      %mul3A_904 = arith.constant 16 : i32
      %mul3A_905 = arith.muli %scan3A_246, %mul3A_904 : i32
      %add3A_906 = arith.constant 11 : i32
      %add3A_907 = arith.addi %mul3A_905, %add3A_906 : i32
      %get3A_908 = arith.index_cast %add3A_907 : i32 to index
      %get3A_909 = arith.constant 0 : index
      %get3A_910 = tpu.vector_load %arg11[%get3A_908, %get3A_909] {strides = array<i32>} : memref<512x64xf32, #tpu.memory_space<vmem>>, vector<16xf32>,
      %get3A_911 = arith.index_cast %add3A_907 : i32 to index
      %get3A_912 = arith.constant 0 : index
      %get3A_913 = tpu.vector_load %arg12[%get3A_911, %get3A_912] {strides = array<i32>} : memref<512x64xf32, #tpu.memory_space<vmem>>, vector<16xf32>,
      %get3A_914 = arith.index_cast %add3A_907 : i32 to index
      %get3A_915 = arith.constant 0 : index
      %get3A_916 = tpu.vector_load %arg13[%get3A_914, %get3A_915] {strides = array<i32>} : memref<512x64xf32, #tpu.memory_space<vmem>>, vector<16xf32>,
      %mul3A_917 = arith.mulf %get3A_910, %get3A_913 : vector<16xf32>
      %mul3A_918 = arith.mulf %mul3A_917, %get3A_916 : vector<16xf32>
      %get3A_919 = arith.index_cast %add3A_907 : i32 to index
      %get3A_920 = arith.constant 16 : index
      %get3A_921 = tpu.vector_load %arg11[%get3A_919, %get3A_920] {strides = array<i32>} : memref<512x64xf32, #tpu.memory_space<vmem>>, vector<16xf32>,
      %get3A_922 = arith.index_cast %add3A_907 : i32 to index
      %get3A_923 = arith.constant 16 : index
      %get3A_924 = tpu.vector_load %arg12[%get3A_922, %get3A_923] {strides = array<i32>} : memref<512x64xf32, #tpu.memory_space<vmem>>, vector<16xf32>,
      %get3A_925 = arith.index_cast %add3A_907 : i32 to index
      %get3A_926 = arith.constant 16 : index
      %get3A_927 = tpu.vector_load %arg13[%get3A_925, %get3A_926] {strides = array<i32>} : memref<512x64xf32, #tpu.memory_space<vmem>>, vector<16xf32>,
      %mul3A_928 = arith.mulf %get3A_921, %get3A_924 : vector<16xf32>
      %mul3A_929 = arith.mulf %mul3A_928, %get3A_927 : vector<16xf32>
      %add3A_930 = arith.addf %mul3A_918, %mul3A_929 : vector<16xf32>
      %get3A_931 = arith.index_cast %add3A_907 : i32 to index
      %get3A_932 = arith.constant 32 : index
      %get3A_933 = tpu.vector_load %arg11[%get3A_931, %get3A_932] {strides = array<i32>} : memref<512x64xf32, #tpu.memory_space<vmem>>, vector<16xf32>,
      %get3A_934 = arith.index_cast %add3A_907 : i32 to index
      %get3A_935 = arith.constant 32 : index
      %get3A_936 = tpu.vector_load %arg12[%get3A_934, %get3A_935] {strides = array<i32>} : memref<512x64xf32, #tpu.memory_space<vmem>>, vector<16xf32>,
      %get3A_937 = arith.index_cast %add3A_907 : i32 to index
      %get3A_938 = arith.constant 32 : index
      %get3A_939 = tpu.vector_load %arg13[%get3A_937, %get3A_938] {strides = array<i32>} : memref<512x64xf32, #tpu.memory_space<vmem>>, vector<16xf32>,
      %mul3A_940 = arith.mulf %get3A_933, %get3A_936 : vector<16xf32>
      %mul3A_941 = arith.mulf %mul3A_940, %get3A_939 : vector<16xf32>
      %add3A_942 = arith.addf %add3A_930, %mul3A_941 : vector<16xf32>
      %get3A_943 = arith.index_cast %add3A_907 : i32 to index
      %get3A_944 = arith.constant 48 : index
      %get3A_945 = tpu.vector_load %arg11[%get3A_943, %get3A_944] {strides = array<i32>} : memref<512x64xf32, #tpu.memory_space<vmem>>, vector<16xf32>,
      %get3A_946 = arith.index_cast %add3A_907 : i32 to index
      %get3A_947 = arith.constant 48 : index
      %get3A_948 = tpu.vector_load %arg12[%get3A_946, %get3A_947] {strides = array<i32>} : memref<512x64xf32, #tpu.memory_space<vmem>>, vector<16xf32>,
      %get3A_949 = arith.index_cast %add3A_907 : i32 to index
      %get3A_950 = arith.constant 48 : index
      %get3A_951 = tpu.vector_load %arg13[%get3A_949, %get3A_950] {strides = array<i32>} : memref<512x64xf32, #tpu.memory_space<vmem>>, vector<16xf32>,
      %mul3A_952 = arith.mulf %get3A_945, %get3A_948 : vector<16xf32>
      %mul3A_953 = arith.mulf %mul3A_952, %get3A_951 : vector<16xf32>
      %add3A_954 = arith.addf %add3A_942, %mul3A_953 : vector<16xf32>
      %eq3A_955 = arith.constant 11 : i32
      %eq3A_956 = vector.broadcast %eq3A_955 : i32 to vector<16xi32>
      %eq3A_957 = arith.cmpi eq, %iota3A, %eq3A_956 : vector<16xi32>
      %reduce_sum3A_958 = arith.constant true
      %reduce_sum3A_959 = vector.broadcast %reduce_sum3A_958 : i1 to vector<16xi1>
      %reduce_sum3A_960 = tpu.scan <sum>, %add3A_954 masked %reduce_sum3A_959 : vector<16xf32>, vector<16xi1> -> vector<16xf32>
      %reduce_sum3A_961 = vector.extract %reduce_sum3A_960[15] : f32 from vector<16xf32>
      %broadcast_in_dim3A_962 = vector.broadcast %reduce_sum3A_961 : f32 to vector<16xf32>
      %select_n3A_963 = arith.select %eq3A_957, %broadcast_in_dim3A_962, %select_n3A_903 : vector<16xi1>, vector<16xf32>
      %mul3A_964 = arith.constant 16 : i32
      %mul3A_965 = arith.muli %scan3A_246, %mul3A_964 : i32
      %add3A_966 = arith.constant 12 : i32
      %add3A_967 = arith.addi %mul3A_965, %add3A_966 : i32
      %get3A_968 = arith.index_cast %add3A_967 : i32 to index
      %get3A_969 = arith.constant 0 : index
      %get3A_970 = tpu.vector_load %arg11[%get3A_968, %get3A_969] {strides = array<i32>} : memref<512x64xf32, #tpu.memory_space<vmem>>, vector<16xf32>,
      %get3A_971 = arith.index_cast %add3A_967 : i32 to index
      %get3A_972 = arith.constant 0 : index
      %get3A_973 = tpu.vector_load %arg12[%get3A_971, %get3A_972] {strides = array<i32>} : memref<512x64xf32, #tpu.memory_space<vmem>>, vector<16xf32>,
      %get3A_974 = arith.index_cast %add3A_967 : i32 to index
      %get3A_975 = arith.constant 0 : index
      %get3A_976 = tpu.vector_load %arg13[%get3A_974, %get3A_975] {strides = array<i32>} : memref<512x64xf32, #tpu.memory_space<vmem>>, vector<16xf32>,
      %mul3A_977 = arith.mulf %get3A_970, %get3A_973 : vector<16xf32>
      %mul3A_978 = arith.mulf %mul3A_977, %get3A_976 : vector<16xf32>
      %get3A_979 = arith.index_cast %add3A_967 : i32 to index
      %get3A_980 = arith.constant 16 : index
      %get3A_981 = tpu.vector_load %arg11[%get3A_979, %get3A_980] {strides = array<i32>} : memref<512x64xf32, #tpu.memory_space<vmem>>, vector<16xf32>,
      %get3A_982 = arith.index_cast %add3A_967 : i32 to index
      %get3A_983 = arith.constant 16 : index
      %get3A_984 = tpu.vector_load %arg12[%get3A_982, %get3A_983] {strides = array<i32>} : memref<512x64xf32, #tpu.memory_space<vmem>>, vector<16xf32>,
      %get3A_985 = arith.index_cast %add3A_967 : i32 to index
      %get3A_986 = arith.constant 16 : index
      %get3A_987 = tpu.vector_load %arg13[%get3A_985, %get3A_986] {strides = array<i32>} : memref<512x64xf32, #tpu.memory_space<vmem>>, vector<16xf32>,
      %mul3A_988 = arith.mulf %get3A_981, %get3A_984 : vector<16xf32>
      %mul3A_989 = arith.mulf %mul3A_988, %get3A_987 : vector<16xf32>
      %add3A_990 = arith.addf %mul3A_978, %mul3A_989 : vector<16xf32>
      %get3A_991 = arith.index_cast %add3A_967 : i32 to index
      %get3A_992 = arith.constant 32 : index
      %get3A_993 = tpu.vector_load %arg11[%get3A_991, %get3A_992] {strides = array<i32>} : memref<512x64xf32, #tpu.memory_space<vmem>>, vector<16xf32>,
      %get3A_994 = arith.index_cast %add3A_967 : i32 to index
      %get3A_995 = arith.constant 32 : index
      %get3A_996 = tpu.vector_load %arg12[%get3A_994, %get3A_995] {strides = array<i32>} : memref<512x64xf32, #tpu.memory_space<vmem>>, vector<16xf32>,
      %get3A_997 = arith.index_cast %add3A_967 : i32 to index
      %get3A_998 = arith.constant 32 : index
      %get3A_999 = tpu.vector_load %arg13[%get3A_997, %get3A_998] {strides = array<i32>} : memref<512x64xf32, #tpu.memory_space<vmem>>, vector<16xf32>,
      %mul3A_1000 = arith.mulf %get3A_993, %get3A_996 : vector<16xf32>
      %mul3A_1001 = arith.mulf %mul3A_1000, %get3A_999 : vector<16xf32>
      %add3A_1002 = arith.addf %add3A_990, %mul3A_1001 : vector<16xf32>
      %get3A_1003 = arith.index_cast %add3A_967 : i32 to index
      %get3A_1004 = arith.constant 48 : index
      %get3A_1005 = tpu.vector_load %arg11[%get3A_1003, %get3A_1004] {strides = array<i32>} : memref<512x64xf32, #tpu.memory_space<vmem>>, vector<16xf32>,
      %get3A_1006 = arith.index_cast %add3A_967 : i32 to index
      %get3A_1007 = arith.constant 48 : index
      %get3A_1008 = tpu.vector_load %arg12[%get3A_1006, %get3A_1007] {strides = array<i32>} : memref<512x64xf32, #tpu.memory_space<vmem>>, vector<16xf32>,
      %get3A_1009 = arith.index_cast %add3A_967 : i32 to index
      %get3A_1010 = arith.constant 48 : index
      %get3A_1011 = tpu.vector_load %arg13[%get3A_1009, %get3A_1010] {strides = array<i32>} : memref<512x64xf32, #tpu.memory_space<vmem>>, vector<16xf32>,
      %mul3A_1012 = arith.mulf %get3A_1005, %get3A_1008 : vector<16xf32>
      %mul3A_1013 = arith.mulf %mul3A_1012, %get3A_1011 : vector<16xf32>
      %add3A_1014 = arith.addf %add3A_1002, %mul3A_1013 : vector<16xf32>
      %eq3A_1015 = arith.constant 12 : i32
      %eq3A_1016 = vector.broadcast %eq3A_1015 : i32 to vector<16xi32>
      %eq3A_1017 = arith.cmpi eq, %iota3A, %eq3A_1016 : vector<16xi32>
      %reduce_sum3A_1018 = arith.constant true
      %reduce_sum3A_1019 = vector.broadcast %reduce_sum3A_1018 : i1 to vector<16xi1>
      %reduce_sum3A_1020 = tpu.scan <sum>, %add3A_1014 masked %reduce_sum3A_1019 : vector<16xf32>, vector<16xi1> -> vector<16xf32>
      %reduce_sum3A_1021 = vector.extract %reduce_sum3A_1020[15] : f32 from vector<16xf32>
      %broadcast_in_dim3A_1022 = vector.broadcast %reduce_sum3A_1021 : f32 to vector<16xf32>
      %select_n3A_1023 = arith.select %eq3A_1017, %broadcast_in_dim3A_1022, %select_n3A_963 : vector<16xi1>, vector<16xf32>
      %mul3A_1024 = arith.constant 16 : i32
      %mul3A_1025 = arith.muli %scan3A_246, %mul3A_1024 : i32
      %add3A_1026 = arith.constant 13 : i32
      %add3A_1027 = arith.addi %mul3A_1025, %add3A_1026 : i32
      %get3A_1028 = arith.index_cast %add3A_1027 : i32 to index
      %get3A_1029 = arith.constant 0 : index
      %get3A_1030 = tpu.vector_load %arg11[%get3A_1028, %get3A_1029] {strides = array<i32>} : memref<512x64xf32, #tpu.memory_space<vmem>>, vector<16xf32>,
      %get3A_1031 = arith.index_cast %add3A_1027 : i32 to index
      %get3A_1032 = arith.constant 0 : index
      %get3A_1033 = tpu.vector_load %arg12[%get3A_1031, %get3A_1032] {strides = array<i32>} : memref<512x64xf32, #tpu.memory_space<vmem>>, vector<16xf32>,
      %get3A_1034 = arith.index_cast %add3A_1027 : i32 to index
      %get3A_1035 = arith.constant 0 : index
      %get3A_1036 = tpu.vector_load %arg13[%get3A_1034, %get3A_1035] {strides = array<i32>} : memref<512x64xf32, #tpu.memory_space<vmem>>, vector<16xf32>,
      %mul3A_1037 = arith.mulf %get3A_1030, %get3A_1033 : vector<16xf32>
      %mul3A_1038 = arith.mulf %mul3A_1037, %get3A_1036 : vector<16xf32>
      %get3A_1039 = arith.index_cast %add3A_1027 : i32 to index
      %get3A_1040 = arith.constant 16 : index
      %get3A_1041 = tpu.vector_load %arg11[%get3A_1039, %get3A_1040] {strides = array<i32>} : memref<512x64xf32, #tpu.memory_space<vmem>>, vector<16xf32>,
      %get3A_1042 = arith.index_cast %add3A_1027 : i32 to index
      %get3A_1043 = arith.constant 16 : index
      %get3A_1044 = tpu.vector_load %arg12[%get3A_1042, %get3A_1043] {strides = array<i32>} : memref<512x64xf32, #tpu.memory_space<vmem>>, vector<16xf32>,
      %get3A_1045 = arith.index_cast %add3A_1027 : i32 to index
      %get3A_1046 = arith.constant 16 : index
      %get3A_1047 = tpu.vector_load %arg13[%get3A_1045, %get3A_1046] {strides = array<i32>} : memref<512x64xf32, #tpu.memory_space<vmem>>, vector<16xf32>,
      %mul3A_1048 = arith.mulf %get3A_1041, %get3A_1044 : vector<16xf32>
      %mul3A_1049 = arith.mulf %mul3A_1048, %get3A_1047 : vector<16xf32>
      %add3A_1050 = arith.addf %mul3A_1038, %mul3A_1049 : vector<16xf32>
      %get3A_1051 = arith.index_cast %add3A_1027 : i32 to index
      %get3A_1052 = arith.constant 32 : index
      %get3A_1053 = tpu.vector_load %arg11[%get3A_1051, %get3A_1052] {strides = array<i32>} : memref<512x64xf32, #tpu.memory_space<vmem>>, vector<16xf32>,
      %get3A_1054 = arith.index_cast %add3A_1027 : i32 to index
      %get3A_1055 = arith.constant 32 : index
      %get3A_1056 = tpu.vector_load %arg12[%get3A_1054, %get3A_1055] {strides = array<i32>} : memref<512x64xf32, #tpu.memory_space<vmem>>, vector<16xf32>,
      %get3A_1057 = arith.index_cast %add3A_1027 : i32 to index
      %get3A_1058 = arith.constant 32 : index
      %get3A_1059 = tpu.vector_load %arg13[%get3A_1057, %get3A_1058] {strides = array<i32>} : memref<512x64xf32, #tpu.memory_space<vmem>>, vector<16xf32>,
      %mul3A_1060 = arith.mulf %get3A_1053, %get3A_1056 : vector<16xf32>
      %mul3A_1061 = arith.mulf %mul3A_1060, %get3A_1059 : vector<16xf32>
      %add3A_1062 = arith.addf %add3A_1050, %mul3A_1061 : vector<16xf32>
      %get3A_1063 = arith.index_cast %add3A_1027 : i32 to index
      %get3A_1064 = arith.constant 48 : index
      %get3A_1065 = tpu.vector_load %arg11[%get3A_1063, %get3A_1064] {strides = array<i32>} : memref<512x64xf32, #tpu.memory_space<vmem>>, vector<16xf32>,
      %get3A_1066 = arith.index_cast %add3A_1027 : i32 to index
      %get3A_1067 = arith.constant 48 : index
      %get3A_1068 = tpu.vector_load %arg12[%get3A_1066, %get3A_1067] {strides = array<i32>} : memref<512x64xf32, #tpu.memory_space<vmem>>, vector<16xf32>,
      %get3A_1069 = arith.index_cast %add3A_1027 : i32 to index
      %get3A_1070 = arith.constant 48 : index
      %get3A_1071 = tpu.vector_load %arg13[%get3A_1069, %get3A_1070] {strides = array<i32>} : memref<512x64xf32, #tpu.memory_space<vmem>>, vector<16xf32>,
      %mul3A_1072 = arith.mulf %get3A_1065, %get3A_1068 : vector<16xf32>
      %mul3A_1073 = arith.mulf %mul3A_1072, %get3A_1071 : vector<16xf32>
      %add3A_1074 = arith.addf %add3A_1062, %mul3A_1073 : vector<16xf32>
      %eq3A_1075 = arith.constant 13 : i32
      %eq3A_1076 = vector.broadcast %eq3A_1075 : i32 to vector<16xi32>
      %eq3A_1077 = arith.cmpi eq, %iota3A, %eq3A_1076 : vector<16xi32>
      %reduce_sum3A_1078 = arith.constant true
      %reduce_sum3A_1079 = vector.broadcast %reduce_sum3A_1078 : i1 to vector<16xi1>
      %reduce_sum3A_1080 = tpu.scan <sum>, %add3A_1074 masked %reduce_sum3A_1079 : vector<16xf32>, vector<16xi1> -> vector<16xf32>
      %reduce_sum3A_1081 = vector.extract %reduce_sum3A_1080[15] : f32 from vector<16xf32>
      %broadcast_in_dim3A_1082 = vector.broadcast %reduce_sum3A_1081 : f32 to vector<16xf32>
      %select_n3A_1083 = arith.select %eq3A_1077, %broadcast_in_dim3A_1082, %select_n3A_1023 : vector<16xi1>, vector<16xf32>
      %mul3A_1084 = arith.constant 16 : i32
      %mul3A_1085 = arith.muli %scan3A_246, %mul3A_1084 : i32
      %add3A_1086 = arith.constant 14 : i32
      %add3A_1087 = arith.addi %mul3A_1085, %add3A_1086 : i32
      %get3A_1088 = arith.index_cast %add3A_1087 : i32 to index
      %get3A_1089 = arith.constant 0 : index
      %get3A_1090 = tpu.vector_load %arg11[%get3A_1088, %get3A_1089] {strides = array<i32>} : memref<512x64xf32, #tpu.memory_space<vmem>>, vector<16xf32>,
      %get3A_1091 = arith.index_cast %add3A_1087 : i32 to index
      %get3A_1092 = arith.constant 0 : index
      %get3A_1093 = tpu.vector_load %arg12[%get3A_1091, %get3A_1092] {strides = array<i32>} : memref<512x64xf32, #tpu.memory_space<vmem>>, vector<16xf32>,
      %get3A_1094 = arith.index_cast %add3A_1087 : i32 to index
      %get3A_1095 = arith.constant 0 : index
      %get3A_1096 = tpu.vector_load %arg13[%get3A_1094, %get3A_1095] {strides = array<i32>} : memref<512x64xf32, #tpu.memory_space<vmem>>, vector<16xf32>,
      %mul3A_1097 = arith.mulf %get3A_1090, %get3A_1093 : vector<16xf32>
      %mul3A_1098 = arith.mulf %mul3A_1097, %get3A_1096 : vector<16xf32>
      %get3A_1099 = arith.index_cast %add3A_1087 : i32 to index
      %get3A_1100 = arith.constant 16 : index
      %get3A_1101 = tpu.vector_load %arg11[%get3A_1099, %get3A_1100] {strides = array<i32>} : memref<512x64xf32, #tpu.memory_space<vmem>>, vector<16xf32>,
      %get3A_1102 = arith.index_cast %add3A_1087 : i32 to index
      %get3A_1103 = arith.constant 16 : index
      %get3A_1104 = tpu.vector_load %arg12[%get3A_1102, %get3A_1103] {strides = array<i32>} : memref<512x64xf32, #tpu.memory_space<vmem>>, vector<16xf32>,
      %get3A_1105 = arith.index_cast %add3A_1087 : i32 to index
      %get3A_1106 = arith.constant 16 : index
      %get3A_1107 = tpu.vector_load %arg13[%get3A_1105, %get3A_1106] {strides = array<i32>} : memref<512x64xf32, #tpu.memory_space<vmem>>, vector<16xf32>,
      %mul3A_1108 = arith.mulf %get3A_1101, %get3A_1104 : vector<16xf32>
      %mul3A_1109 = arith.mulf %mul3A_1108, %get3A_1107 : vector<16xf32>
      %add3A_1110 = arith.addf %mul3A_1098, %mul3A_1109 : vector<16xf32>
      %get3A_1111 = arith.index_cast %add3A_1087 : i32 to index
      %get3A_1112 = arith.constant 32 : index
      %get3A_1113 = tpu.vector_load %arg11[%get3A_1111, %get3A_1112] {strides = array<i32>} : memref<512x64xf32, #tpu.memory_space<vmem>>, vector<16xf32>,
      %get3A_1114 = arith.index_cast %add3A_1087 : i32 to index
      %get3A_1115 = arith.constant 32 : index
      %get3A_1116 = tpu.vector_load %arg12[%get3A_1114, %get3A_1115] {strides = array<i32>} : memref<512x64xf32, #tpu.memory_space<vmem>>, vector<16xf32>,
      %get3A_1117 = arith.index_cast %add3A_1087 : i32 to index
      %get3A_1118 = arith.constant 32 : index
      %get3A_1119 = tpu.vector_load %arg13[%get3A_1117, %get3A_1118] {strides = array<i32>} : memref<512x64xf32, #tpu.memory_space<vmem>>, vector<16xf32>,
      %mul3A_1120 = arith.mulf %get3A_1113, %get3A_1116 : vector<16xf32>
      %mul3A_1121 = arith.mulf %mul3A_1120, %get3A_1119 : vector<16xf32>
      %add3A_1122 = arith.addf %add3A_1110, %mul3A_1121 : vector<16xf32>
      %get3A_1123 = arith.index_cast %add3A_1087 : i32 to index
      %get3A_1124 = arith.constant 48 : index
      %get3A_1125 = tpu.vector_load %arg11[%get3A_1123, %get3A_1124] {strides = array<i32>} : memref<512x64xf32, #tpu.memory_space<vmem>>, vector<16xf32>,
      %get3A_1126 = arith.index_cast %add3A_1087 : i32 to index
      %get3A_1127 = arith.constant 48 : index
      %get3A_1128 = tpu.vector_load %arg12[%get3A_1126, %get3A_1127] {strides = array<i32>} : memref<512x64xf32, #tpu.memory_space<vmem>>, vector<16xf32>,
      %get3A_1129 = arith.index_cast %add3A_1087 : i32 to index
      %get3A_1130 = arith.constant 48 : index
      %get3A_1131 = tpu.vector_load %arg13[%get3A_1129, %get3A_1130] {strides = array<i32>} : memref<512x64xf32, #tpu.memory_space<vmem>>, vector<16xf32>,
      %mul3A_1132 = arith.mulf %get3A_1125, %get3A_1128 : vector<16xf32>
      %mul3A_1133 = arith.mulf %mul3A_1132, %get3A_1131 : vector<16xf32>
      %add3A_1134 = arith.addf %add3A_1122, %mul3A_1133 : vector<16xf32>
      %eq3A_1135 = arith.constant 14 : i32
      %eq3A_1136 = vector.broadcast %eq3A_1135 : i32 to vector<16xi32>
      %eq3A_1137 = arith.cmpi eq, %iota3A, %eq3A_1136 : vector<16xi32>
      %reduce_sum3A_1138 = arith.constant true
      %reduce_sum3A_1139 = vector.broadcast %reduce_sum3A_1138 : i1 to vector<16xi1>
      %reduce_sum3A_1140 = tpu.scan <sum>, %add3A_1134 masked %reduce_sum3A_1139 : vector<16xf32>, vector<16xi1> -> vector<16xf32>
      %reduce_sum3A_1141 = vector.extract %reduce_sum3A_1140[15] : f32 from vector<16xf32>
      %broadcast_in_dim3A_1142 = vector.broadcast %reduce_sum3A_1141 : f32 to vector<16xf32>
      %select_n3A_1143 = arith.select %eq3A_1137, %broadcast_in_dim3A_1142, %select_n3A_1083 : vector<16xi1>, vector<16xf32>
      %mul3A_1144 = arith.constant 16 : i32
      %mul3A_1145 = arith.muli %scan3A_246, %mul3A_1144 : i32
      %add3A_1146 = arith.constant 15 : i32
      %add3A_1147 = arith.addi %mul3A_1145, %add3A_1146 : i32
      %get3A_1148 = arith.index_cast %add3A_1147 : i32 to index
      %get3A_1149 = arith.constant 0 : index
      %get3A_1150 = tpu.vector_load %arg11[%get3A_1148, %get3A_1149] {strides = array<i32>} : memref<512x64xf32, #tpu.memory_space<vmem>>, vector<16xf32>,
      %get3A_1151 = arith.index_cast %add3A_1147 : i32 to index
      %get3A_1152 = arith.constant 0 : index
      %get3A_1153 = tpu.vector_load %arg12[%get3A_1151, %get3A_1152] {strides = array<i32>} : memref<512x64xf32, #tpu.memory_space<vmem>>, vector<16xf32>,
      %get3A_1154 = arith.index_cast %add3A_1147 : i32 to index
      %get3A_1155 = arith.constant 0 : index
      %get3A_1156 = tpu.vector_load %arg13[%get3A_1154, %get3A_1155] {strides = array<i32>} : memref<512x64xf32, #tpu.memory_space<vmem>>, vector<16xf32>,
      %mul3A_1157 = arith.mulf %get3A_1150, %get3A_1153 : vector<16xf32>
      %mul3A_1158 = arith.mulf %mul3A_1157, %get3A_1156 : vector<16xf32>
      %get3A_1159 = arith.index_cast %add3A_1147 : i32 to index
      %get3A_1160 = arith.constant 16 : index
      %get3A_1161 = tpu.vector_load %arg11[%get3A_1159, %get3A_1160] {strides = array<i32>} : memref<512x64xf32, #tpu.memory_space<vmem>>, vector<16xf32>,
      %get3A_1162 = arith.index_cast %add3A_1147 : i32 to index
      %get3A_1163 = arith.constant 16 : index
      %get3A_1164 = tpu.vector_load %arg12[%get3A_1162, %get3A_1163] {strides = array<i32>} : memref<512x64xf32, #tpu.memory_space<vmem>>, vector<16xf32>,
      %get3A_1165 = arith.index_cast %add3A_1147 : i32 to index
      %get3A_1166 = arith.constant 16 : index
      %get3A_1167 = tpu.vector_load %arg13[%get3A_1165, %get3A_1166] {strides = array<i32>} : memref<512x64xf32, #tpu.memory_space<vmem>>, vector<16xf32>,
      %mul3A_1168 = arith.mulf %get3A_1161, %get3A_1164 : vector<16xf32>
      %mul3A_1169 = arith.mulf %mul3A_1168, %get3A_1167 : vector<16xf32>
      %add3A_1170 = arith.addf %mul3A_1158, %mul3A_1169 : vector<16xf32>
      %get3A_1171 = arith.index_cast %add3A_1147 : i32 to index
      %get3A_1172 = arith.constant 32 : index
      %get3A_1173 = tpu.vector_load %arg11[%get3A_1171, %get3A_1172] {strides = array<i32>} : memref<512x64xf32, #tpu.memory_space<vmem>>, vector<16xf32>,
      %get3A_1174 = arith.index_cast %add3A_1147 : i32 to index
      %get3A_1175 = arith.constant 32 : index
      %get3A_1176 = tpu.vector_load %arg12[%get3A_1174, %get3A_1175] {strides = array<i32>} : memref<512x64xf32, #tpu.memory_space<vmem>>, vector<16xf32>,
      %get3A_1177 = arith.index_cast %add3A_1147 : i32 to index
      %get3A_1178 = arith.constant 32 : index
      %get3A_1179 = tpu.vector_load %arg13[%get3A_1177, %get3A_1178] {strides = array<i32>} : memref<512x64xf32, #tpu.memory_space<vmem>>, vector<16xf32>,
      %mul3A_1180 = arith.mulf %get3A_1173, %get3A_1176 : vector<16xf32>
      %mul3A_1181 = arith.mulf %mul3A_1180, %get3A_1179 : vector<16xf32>
      %add3A_1182 = arith.addf %add3A_1170, %mul3A_1181 : vector<16xf32>
      %get3A_1183 = arith.index_cast %add3A_1147 : i32 to index
      %get3A_1184 = arith.constant 48 : index
      %get3A_1185 = tpu.vector_load %arg11[%get3A_1183, %get3A_1184] {strides = array<i32>} : memref<512x64xf32, #tpu.memory_space<vmem>>, vector<16xf32>,
      %get3A_1186 = arith.index_cast %add3A_1147 : i32 to index
      %get3A_1187 = arith.constant 48 : index
      %get3A_1188 = tpu.vector_load %arg12[%get3A_1186, %get3A_1187] {strides = array<i32>} : memref<512x64xf32, #tpu.memory_space<vmem>>, vector<16xf32>,
      %get3A_1189 = arith.index_cast %add3A_1147 : i32 to index
      %get3A_1190 = arith.constant 48 : index
      %get3A_1191 = tpu.vector_load %arg13[%get3A_1189, %get3A_1190] {strides = array<i32>} : memref<512x64xf32, #tpu.memory_space<vmem>>, vector<16xf32>,
      %mul3A_1192 = arith.mulf %get3A_1185, %get3A_1188 : vector<16xf32>
      %mul3A_1193 = arith.mulf %mul3A_1192, %get3A_1191 : vector<16xf32>
      %add3A_1194 = arith.addf %add3A_1182, %mul3A_1193 : vector<16xf32>
      %eq3A_1195 = arith.constant 15 : i32
      %eq3A_1196 = vector.broadcast %eq3A_1195 : i32 to vector<16xi32>
      %eq3A_1197 = arith.cmpi eq, %iota3A, %eq3A_1196 : vector<16xi32>
      %reduce_sum3A_1198 = arith.constant true
      %reduce_sum3A_1199 = vector.broadcast %reduce_sum3A_1198 : i1 to vector<16xi1>
      %reduce_sum3A_1200 = tpu.scan <sum>, %add3A_1194 masked %reduce_sum3A_1199 : vector<16xf32>, vector<16xi1> -> vector<16xf32>
      %reduce_sum3A_1201 = vector.extract %reduce_sum3A_1200[15] : f32 from vector<16xf32>
      %broadcast_in_dim3A_1202 = vector.broadcast %reduce_sum3A_1201 : f32 to vector<16xf32>
      %select_n3A_1203 = arith.select %eq3A_1197, %broadcast_in_dim3A_1202, %select_n3A_1143 : vector<16xi1>, vector<16xf32>
      %mul3A_1204 = arith.constant 16 : i32
      %mul3A_1205 = arith.muli %scan3A_246, %mul3A_1204 : i32
      %swap3A = arith.index_cast %mul3A_1205 : i32 to index
      %swap3A_1206 = tpu.vector_load %arg15[%swap3A] {strides = array<i32>} : memref<512xf32, #tpu.memory_space<vmem>>, vector<16xf32>,
      tpu.vector_store %arg15[%swap3A], %select_n3A_1203 {strides = array<i32>} : memref<512xf32, #tpu.memory_space<vmem>>, vector<16xf32>,
    }
    %scan3A_243 = arith.constant 32 : i32
    %mul3A_244 = arith.constant 512 : i32
    %mul3A_245 = arith.muli %add3A, %mul3A_244 : i32
    "tpu.region"() ({
      %run_scoped3A = tpu.sem_alloc : memref<!tpu.dma_semaphore, #tpu.memory_space<semaphore_mem>>
      %dma_start3A_246 = tpu.memref_slice %arg7[%mul3A_245] : memref<16384xf32, #tpu.memory_space<hbm>> -> memref<512xf32, #tpu.memory_space<hbm>>
      %dma_start3A_247 = tpu.memref_slice %arg7[%mul3A_245] : memref<16384xf32, #tpu.memory_space<hbm>> -> memref<512xf32, #tpu.memory_space<hbm>>
      tpu.enqueue_dma source(%arg15 : memref<512xf32, #tpu.memory_space<vmem>>) target(%dma_start3A_247 : memref<512xf32, #tpu.memory_space<hbm>>) target_semaphore(%run_scoped3A : memref<!tpu.dma_semaphore, #tpu.memory_space<semaphore_mem>>)
      %dma_wait3A_248 = tpu.memref_slice %arg7[%mul3A_245] : memref<16384xf32, #tpu.memory_space<hbm>> -> memref<512xf32, #tpu.memory_space<hbm>>
      %dma_wait3A_249 = tpu.memref_slice %arg7[%mul3A_245] : memref<16384xf32, #tpu.memory_space<hbm>> -> memref<512xf32, #tpu.memory_space<hbm>>
      tpu.wait_dma2 semaphore(%run_scoped3A : memref<!tpu.dma_semaphore, #tpu.memory_space<semaphore_mem>>) src(%arg15 : memref<512xf32, #tpu.memory_space<vmem>>) dst(%dma_wait3A_249 : memref<512xf32, #tpu.memory_space<hbm>>)
      tpu.yield
    }) : () -> ()
    return
  }
}

</mosaic_0001>

<sc_bundles>
// kernel: _sc_call.3.cloned.1.call-start
scs
__scs_entry_jumppad:
0x0: {  	(pc) =	sbr.rel $0x88, $3  }
0x1: {  	(tag) =	ssettag $0x0;
	lr =	simm.s32 $0x1  }
0x2: {  	[smem:$0x3F9C] =	sst lr;
	_ =	strace $0xD0000000  }
0x3: {  	_ = 	snop  }
0x4: {  	_ = 	snop  }
0x5: {  	_ = 	snop  }
0x6: {  	_ = 	snop  }
0x7: {  	_ = 	snop  }
__scs_overlays_trampoline_lowered:
0x8: {  	[smem:$0x3FAB] =	sst s0  }
0x9: {  	[smem:$0x3FAC] =	sst s1  }
0xa: {  	[smem:$0x3FAD] =	sst s2  }
0xb: {  	[smem:$0x3FAE] =	sst s3  }
0xc: {  	[smem:$0x3FAF] =	sst s4  }
0xd: {  	[smem:$0x3FB0] =	sst s5  }
0xe: {  	[smem:$0x3FB1] =	sst s6  }
0xf: {  	[smem:$0x3FB2] =	sst s7  }
0x10: {  	[smem:$0x3FB3] =	sst s8  }
0x11: {  	[smem:$0x3FB4] =	sst s9;
	s0 =	simm.s32 @!p0 $0x0  }
0x12: {  	s1 =	sld [smem:$0x3F9A];
	s0 =	simm.s32 @p0 $0x1  }
0x13: {  	[smem:$0x3FB5] =	sst s0;
	s0 =	simm.s32 @!p1 $0x0  }
0x14: {  	s2 =	sld [smem:$0x3F99];
	s0 =	simm.s32 @p1 $0x1  }
0x15: {  	[smem:$0x3FB6] =	sst s0;
	s0 =	simm.s32 @!p2 $0x0  }
0x16: {  	s3 =	sld [smem:$0x3FDB];
	s0 =	simm.s32 @p2 $0x1  }
0x17: {  	s4 =	simm.s32 $0x1BF5;
	[smem:$0x3FB8] =	sst s0  }
0x18: {  	s0 =	sld [smem:$0x3F9B];
	_ =	swait.ge [sflag:s4], $0x0  }
0x19: {  	s7 =	sld [smem:$0x3F9C]  }
0x1a: {  	s8 =	sadd.s32 $0xFFFFE003, lr  }
0x1b: {  	s9 =	sadd.s32 $0xFFFFFEF7, lr;
	s5 =	simm.s32 $0xFFFFFFFF;
	p2 =	slt.u32 s8, $0xFFFFF086  }
0x1c: {  	p1 =	slt.u32 s9, $0xF7A;
	s5 =	simm.s32 @!p2 $0x0  }
0x1d: {  	s5 =	simm.s32 @p1 $0x1;
	p0 =	seq.s32 s7, s2  }
0x1e: {  	s7 =	smul.u32 @!p0 $0xF7A, s2;
	p2 =	seq.s32 @!p0 s5, $0x0  }
0x1f: {  	s9 =	smul.u32 $0xF7A, s1;
	s8 =	simm.s32 @!p0 $0x1BF5;
	p2 =	por !p2, p0  }
0x20: {  	[sflag:s8] =	ssyncset.s32 @!p0 $0xFFFFF086;
	s6 =	sadd.s32 @!p0 s3, s7;
	s7 =	simm.s32 @!p0 $0x108  }
0x21: {  	s3 =	sadd.s32 s3, s9;
	s6 =	sadd.s32 @!p0 $0x88, s6;
	s7 =	simm.s32 @p2 $0x1082  }
0x22: {  	[simem:s7], [sflag:s8] =	dma.local @!p0 [hbm:s6], $0xF7A  }
0x23: {  	s9 =	sor.u32 $0xD0000000, s2;
	s6 =	simm.s32 $0x108;
	_ =	swait.ge @!p0 [sflag:s8], $0x0  }
0x24: {  	s3 =	sadd.s32 $0x88, s3;
	s6 =	simm.s32 @!p1 $0x1082;
	[sflag:s4] =	ssyncset.s32 $0xFFFFF086  }
0x25: {  	[simem:s6], [sflag:s4] =	dma.local [hbm:s3], $0xF7A  }
0x26: {  	[smem:$0x3F9C] =	sst s1;
	(tag) =	ssettag s2;
	_ =	strace s9  }
0x27: {  	s1 =	sld [smem:$0x3FAC]  }
0x28: {  	s2 =	sld [smem:$0x3FAD]  }
0x29: {  	s4 =	sld [smem:$0x3FAF]  }
0x2a: {  	p0 =	seq.s32 s5, $0x0;
	s5 =	sld [smem:$0x3FB0]  }
0x2b: {  	s6 =	sld [smem:$0x3FB1]  }
0x2c: {  	s7 =	sld [smem:$0x3FB2]  }
0x2d: {  	s3 =	simm.s32 $0x108;
	s8 =	sld [smem:$0x3FB3]  }
0x2e: {  	s3 =	simm.s32 @!p0 $0x1082;
	s9 =	sld [smem:$0x3FB4]  }
0x2f: {  	lr =	sadd.s32 s0, s3;
	s0 =	sld [smem:$0x3FAB]  }
0x30: {  	s3 =	sld [smem:$0x3FAE]  }
0x31: {  	[smem:$0x3FB7] =	sst s10  }
0x32: {  	s10 =	sld [smem:$0x3FB5];
	_ =	sdelay $0x3  }
0x33: {  	p0 =	seq.s32 s10, $0x1;
	s10 =	sld [smem:$0x3FB7];
	_ =	sdelay $0x3  }
0x34: {  	[smem:$0x3FB7] =	sst s10  }
0x35: {  	s10 =	sld [smem:$0x3FB6];
	_ =	sdelay $0x3  }
0x36: {  	p1 =	seq.s32 s10, $0x1;
	s10 =	sld [smem:$0x3FB7];
	_ =	sdelay $0x3  }
0x37: {  	[smem:$0x3FB7] =	sst s10  }
0x38: {  	s10 =	sld [smem:$0x3FB8]  }
0x39: {  	_ = 	snop;
	(pc) =	sbr.ind lr, $3  }
0x3a: {  	_ = 	snop  }
0x3b: {  	_ = 	snop  }
0x3c: {  	p2 =	seq.s32 s10, $0x1;
	s10 =	sld [smem:$0x3FB7]  }
0x3d: {  	_ =	shalt  }
0x3e: {  	_ =	shalt  }
0x3f: {  	_ =	shalt  }
0x40: {  	_ =	shalt  }
0x41: {  	_ =	shalt  }
0x42: {  	_ =	shalt  }
0x43: {  	_ =	shalt  }
0x44: {  	_ =	shalt  }
0x45: {  	_ =	shalt  }
0x46: {  	_ =	shalt  }
0x47: {  	_ =	shalt  }
0x48: {  	_ =	shalt  }
0x49: {  	_ =	shalt  }
0x4a: {  	_ =	shalt  }
0x4b: {  	_ =	shalt  }
0x4c: {  	_ =	shalt  }
0x4d: {  	_ =	shalt  }
0x4e: {  	_ =	shalt  }
0x4f: {  	_ =	shalt  }
0x50: {  	_ =	shalt  }
0x51: {  	_ =	shalt  }
0x52: {  	_ =	shalt  }
0x53: {  	_ =	shalt  }
0x54: {  	_ =	shalt  }
0x55: {  	_ =	shalt  }
0x56: {  	_ =	shalt  }
0x57: {  	_ =	shalt  }
0x58: {  	_ =	shalt  }
0x59: {  	_ =	shalt  }
0x5a: {  	_ =	shalt  }
0x5b: {  	_ =	shalt  }
0x5c: {  	_ =	shalt  }
0x5d: {  	_ =	shalt  }
0x5e: {  	_ =	shalt  }
0x5f: {  	_ =	shalt  }
0x60: {  	_ =	shalt  }
0x61: {  	_ =	shalt  }
0x62: {  	_ =	shalt  }
0x63: {  	_ =	shalt  }
0x64: {  	_ =	shalt  }
0x65: {  	_ =	shalt  }
0x66: {  	_ =	shalt  }
0x67: {  	_ =	shalt  }
0x68: {  	_ =	shalt  }
0x69: {  	_ =	shalt  }
0x6a: {  	_ =	shalt  }
0x6b: {  	_ =	shalt  }
0x6c: {  	_ =	shalt  }
0x6d: {  	_ =	shalt  }
0x6e: {  	_ =	shalt  }
0x6f: {  	_ =	shalt  }
0x70: {  	_ =	shalt  }
0x71: {  	_ =	shalt  }
0x72: {  	_ =	shalt  }
0x73: {  	_ =	shalt  }
0x74: {  	_ =	shalt  }
0x75: {  	_ =	shalt  }
0x76: {  	_ =	shalt  }
0x77: {  	_ =	shalt  }
0x78: {  	_ =	shalt  }
0x79: {  	_ =	shalt  }
0x7a: {  	_ =	shalt  }
0x7b: {  	_ =	shalt  }
0x7c: {  	_ =	shalt  }
0x7d: {  	_ =	shalt  }
0x7e: {  	_ =	shalt  }
0x7f: {  	_ =	shalt  }
0x80: {  	_ =	shalt  }
0x81: {  	_ =	shalt  }
0x82: {  	_ =	shalt  }
0x83: {  	_ =	shalt  }
0x84: {  	_ =	shalt  }
0x85: {  	_ =	shalt  }
0x86: {  	_ =	shalt  }
0x87: {  	_ =	shalt  }
.Lfunc_end0:
.L_simem_size_0:
called_computation_lowered:
.L_overlay_start_0:
0x88: {  	s2 =	sld [smem:$0x3FD9]  }
0x89: {  	s3 =	sld [smem:$0x3FFE];
	_ =	sdelay $0x1  }
0x8a: {  	s1 =	srdreg.scid  }
0x8b: {  	s0 =	sand.u32 $0x1, s1  }
0x8c: {  	s17 =	sshll.u32 s0, $0xA;
	s2 =	sadd.s32 s3, s2  }
0x8d: {  	s2 =	sadd.s32 s2, s17  }
0x8e: {  	[smem:$0x3FC3] =	sst s2  }
0x8f: {  	_ = 	snop  }
0x90: {  	s2 =	sld [smem:$0x3FC9]  }
0x91: {  	s18 =	sld [smem:$0x3FC8]  }
0x92: {  	s4 =	sld [smem:$0x3FC7]  }
0x93: {  	s5 =	sld [smem:$0x3FD0];
	(tm) =	ssettm $0x1  }
0x94: {  	s6 =	sld [smem:$0x3FFB];
	_ =	sdelay $0x3  }
0x95: {  	_ =	strace s6  }
0x96: {  	s6 =	sld [smem:$0x3FFC];
	_ =	sdelay $0x3  }
0x97: {  	_ =	strace s6  }
0x98: {  	s6 =	sld [smem:$0x3FFD];
	_ =	sdelay $0x3  }
0x99: {  	_ =	strace s6  }
0x9a: {  	_ =	strace $0x8FFFFFFF  }
0x9b: {  	s19 =	sld [smem:$0x3FDB];
	_ =	sdelay $0x1  }
0x9c: {  	s7 =	simm.s32 $_scs_section_size  }
0x9d: {  	s8 =	simm.s32 $_size__tile_overlayer_lowered;
	s9 =	simm.s32 $_tile_overlayer_lowered  }
0x9e: {  	s22 =	simm.s32 $0x1BFF;
	s21 =	sshll.u32 s9, $0x1;
	s6 =	sadd.s32 s7, s19  }
0x9f: {  	s10 =	simm.s32 $0x0;
	s20 =	sshll.u32 s8, $0x1;
	s8 =	sadd.s32 s21, s6  }
0xa0: {  	[timem:s10], [sflag:s22] =	dma.local [hbm:s8], s20  }
0xa1: {  	_ =	swait.ge [sflag:s22], s20  }
0xa2: {  	s7 =	ssub.s32 $0x0, s20;
	[sflag:s22] =	ssyncset.done $0x0  }
0xa3: {  	[sflag:s22] =	ssyncadd.s32 s7;
	_ =	sdelay $0x1  }
0xa4: {  	s23 =	simm.s32 $0x1B8B  }
0xa5: {  	_ =	swait.ge [sflag:s23], $0x1  }
0xa6: {  	[sflag:s23] =	ssyncset.done $0x0  }
0xa7: {  	s25 =	simm.s32 $0x1B8E;
	s24 =	sld [smem:$0x3FFE];
	[sflag:s23] =	ssyncadd.s32 $0xFFFFFFFF  }
0xa8: {  	s26 =	simm.s32 $execute0_lowered;
	[smem:$0x3FD2] =	sst s25  }
0xa9: {  	s8 =	sshll.u32 s26, $0x1;
	_ =	strace $0x80000046;
	[dreg:$0x1] =	wrdreg $0xFFFFFFFF  }
0xaa: {  	s28 =	simm.s32 $_size_execute0_lowered;
	s6 =	sadd.s32 s6, s8;
	[dreg:$0x0] =	wrdreg $0x0  }
0xab: {  	s8 =	sshll.u32 s28, $0x1;
	[dreg:$0x2] =	wrdreg s6  }
0xac: {  	[dreg:$0x3] =	wrdreg s8  }
0xad: {  	[dreg:$0x4] =	wrdreg $0xC0  }
0xae: {  	_ =	task [dreg:s10], $0x5FFFF  }
0xaf: {  	[dreg:$0x1] =	wrdreg $0xFFFFFFFF  }
0xb0: {  	[dreg:$0x0] =	wrdreg $0x60  }
0xb1: {  	[dreg:$0x2] =	wrdreg s2  }
0xb2: {  	[dreg:$0x3] =	wrdreg s18  }
0xb3: {  	[dreg:$0x4] =	wrdreg s4  }
0xb4: {  	[dreg:$0x5] =	wrdreg s24  }
0xb5: {  	[dreg:$0x6] =	wrdreg s5  }
0xb6: {  	[dreg:$0x7] =	wrdreg $0x9  }
0xb7: {  	_ =	task.clear_ibuf [dreg:s10], $0x8FFFF;
	_ =	strace $0x90000046  }
0xb8: {  	s29 =	simm.s32 $0x9;
	_ =	strace $0x80000048  }
0xb9: {  	_ =	swait.ge [sflag:s29], $0x1  }
0xba: {  	[sflag:s29] =	ssyncadd.s32 $0xFFFFFFFF  }
0xbb: {  	_ =	strace $0x90000048  }
0xbc: {  	_ =	sfence  }
0xbd: {  	s30 =	sld [smem:$0x0];
	_ =	sdelay $0x2  }
0xbe: {  	s31 =	sshll.u32 s1, $0xD;
	s1 =	sshrl.u32 s1, $0x2  }
0xbf: {  	s3 =	sand.u32 $0x4000, s31;
	s1 =	sadd.s32 s1, s30  }
0xc0: {  	s0 =	sor.u32 s3, s0;
	s1 =	sshll.u32 s1, $0x11  }
0xc1: {  	s0 =	sor.u32 s1, s0  }
0xc2: {  	s0 =	sadd.s32 $0x8F2B, s0  }
0xc3: {  	[sflag:s0] =	ssyncadd.remote.s32 $0x1  }
0xc4: {  	_ =	sfence.sel $0xFFFF  }
0xc5: {  	[dreg:$0x0] =	wrdreg $0xFFFFFFFF;
	(pc) =	sbr.abs _section_cstart, $3  }
0xc6: {  	[dreg:$0x1] =	wrdreg $0xFFFFFFFF  }
0xc7: {  	_ =	task.clear_ibuf [dreg:s10], $0x2FFFF;
	_ =	strace $0x9FFFFFFF  }
0xc8: {  	(tm) =	ssettm $0x7FFFFFFF  }
0xc9: {  	_ =	shalt  }
tec
execute0_lowered:
.L_overlay_start_1:
0x0: {  	(tag) =	ssettag $0x1  }
0x1: {  	s0 =	rddreg [dreg:$0x0]  }
0x2: {  	s2 =	rddreg [dreg:$0x1]  }
0x3: {  	s7 =	rddreg [dreg:$0x2]  }
0x4: {  	s4 =	rddreg [dreg:$0x3]  }
0x5: {  	s8 =	rddreg [dreg:$0x4]  }
0x6: {  	s1 =	simm.s32 $0x0;
	s5 =	srdreg.scid;
	s9 =	stileid.u32  }
0x7: {  	s11 =	simm.s32 $0x200;
	s12 =	simm.s32 $0x400;
	s13 =	simm.s32 $0x80  }
0x8: {  	s21 =	simm.s32 $0x12600;
	s22 =	simm.s32 $0x100;
	s23 =	simm.s32 $0x4600  }
0x9: {  	s24 =	simm.s32 $0x300;
	s25 =	simm.s32 $0xC600;
	s26 =	simm.s32 $0x500  }
0xa: {  	s28 =	simm.s32 $0x14600;
	s29 =	simm.s32 $0x180;
	s30 =	simm.s32 $0x6600  }
0xb: {  	s31 =	simm.s32 $0x380;
	s14 =	simm.s32 $0x16600;
	s15 =	simm.s32 $0x1  }
0xc: {  	s16 =	simm.s32 $0x18600;
	s17 =	simm.s32 $0x0;
	[smem:$0x7FF] =	sst s1  }
0xd: {  	s3 =	sadd.s32 $0x600, s4;
	s5 =	sand.u32 $0x1, s5;
	s9 =	sshll.u32 s9, $0x7  }
0xe: {  	vm0 =	vmmov $0x1;
	vm1 =	vmmov $0x3;
	vm2 =	vmmov $0x7;
	s4 =	sadd.s32 $0xF42A00, s4;
	s6 =	ssub.s32 $0x2, s5;
	s5 =	sshll.u32 s5, $0x6  }
0xf: {  	vm3 =	vmmov $0xf;
	vm4 =	vmmov $0x1f;
	vm5 =	vmmov $0x3f;
	_ =	strace $0x80000047;
	s10 =	sshrl.u32 s6, $0x1;
	s9 =	sor.u32 s5, s9  }
0x10: {  	vm6 =	vmmov $0x7f;
	vm7 =	vmmov $0xff;
	vm8 =	vmmov $0x1ff;
	s10 =	ssub.s32 s6, s10;
	s5 =	sadd.s32 s0, s9;
	s6 =	sadd.s32 s2, s9  }
0x11: {  	vm9 =	vmmov $0x3ff;
	vm10 =	vmmov $0x7ff;
	vm11 =	vmmov $0xfff;
	s7 =	sadd.s32 s7, s9;
	s8 =	sadd.s32 s8, s9;
	s0 =	simm.s32 $0xE600  }
0x12: {  	vm12 =	vmmov $0x1fff;
	vm13 =	vmmov $0x3fff;
	vm14 =	vmmov $0x7fff;
	s2 =	simm.s32 $0x580;
	s9 =	smax.u32 s10, $0x1;
	s10 =	simm.s32 $0x2  }
.LBB2_1:
0x13: {  	[tilespmem:s1], [sflag:$0x2] =	stream.linear.gather [hbm4b:s5+s1], $0x200, $0x38;
	[tilespmem:$0x18800] =	vst v63  }
0x14: {  	_ =	swait.ge [sflag:s10], $0x200  }
0x15: {  	[sflag:s10] =	ssyncset.done $0x0  }
0x16: {  	[sflag:s10] =	ssyncadd.s32 $0xFFFFFE00  }
0x17: {  	[tilespmem:s11], [sflag:$0x2] =	stream.linear.gather [hbm4b:s6+s1], $0x200, $0x38;
	[tilespmem:$0x18800] =	vst v63  }
0x18: {  	_ =	swait.ge [sflag:s10], $0x200  }
0x19: {  	[sflag:s10] =	ssyncset.done $0x0  }
0x1a: {  	[sflag:s10] =	ssyncadd.s32 $0xFFFFFE00  }
0x1b: {  	[tilespmem:s12], [sflag:$0x2] =	stream.linear.gather [hbm4b:s7+s1], $0x200, $0x38;
	[tilespmem:$0x18800] =	vst v63  }
0x1c: {  	_ =	swait.ge [sflag:s10], $0x200  }
0x1d: {  	[sflag:s10] =	ssyncset.done $0x0  }
0x1e: {  	s18 =	simm.s32 $0x600;
	[sflag:s10] =	ssyncadd.s32 $0xFFFFFE00  }
0x1f: {  	[tilespmem:s18], [sflag:$0x1] =	stream.indirect.gather [hbm4b:s4+s13], $0x40, s1, s13, $0xb8;
	[tilespmem:$0x18800] =	vst v63  }
0x20: {  	s19 =	simm.s32 $0x8600  }
0x21: {  	[tilespmem:s19], [sflag:$0x1] =	stream.indirect.gather [hbm4b:s3+s13], $0x40, s11, s13, $0xb8;
	[tilespmem:$0x18800] =	vst v63  }
0x22: {  	s20 =	simm.s32 $0x10600  }
0x23: {  	[tilespmem:s20], [sflag:$0x1] =	stream.indirect.gather [hbm4b:s4+s13], $0x40, s12, s13, $0xb8;
	[tilespmem:$0x18800] =	vst v63  }
0x24: {  	s19 =	simm.s32 $0x2600  }
0x25: {  	[tilespmem:s19], [sflag:$0x1] =	stream.indirect.gather [hbm4b:s4+s13], $0x40, s13, s13, $0xb8;
	[tilespmem:$0x18800] =	vst v63  }
0x26: {  	s20 =	simm.s32 $0x280;
	s19 =	simm.s32 $0xA600  }
0x27: {  	[tilespmem:s19], [sflag:$0x1] =	stream.indirect.gather [hbm4b:s3+s13], $0x40, s20, s13, $0xb8;
	[tilespmem:$0x18800] =	vst v63  }
0x28: {  	s19 =	simm.s32 $0x480  }
0x29: {  	[tilespmem:s21], [sflag:$0x1] =	stream.indirect.gather [hbm4b:s4+s13], $0x40, s19, s13, $0xb8;
	[tilespmem:$0x18800] =	vst v63  }
0x2a: {  	_ = 	snop  }
0x2b: {  	[tilespmem:s23], [sflag:$0x1] =	stream.indirect.gather [hbm4b:s4+s13], $0x40, s22, s13, $0xb8;
	[tilespmem:$0x18800] =	vst v63  }
0x2c: {  	_ = 	snop  }
0x2d: {  	[tilespmem:s25], [sflag:$0x1] =	stream.indirect.gather [hbm4b:s3+s13], $0x40, s24, s13, $0xb8;
	[tilespmem:$0x18800] =	vst v63  }
0x2e: {  	_ = 	snop  }
0x2f: {  	[tilespmem:s28], [sflag:$0x1] =	stream.indirect.gather [hbm4b:s4+s13], $0x40, s26, s13, $0xb8;
	[tilespmem:$0x18800] =	vst v63  }
0x30: {  	_ = 	snop  }
0x31: {  	[tilespmem:s30], [sflag:$0x1] =	stream.indirect.gather [hbm4b:s4+s13], $0x40, s29, s13, $0xb8;
	[tilespmem:$0x18800] =	vst v63  }
0x32: {  	_ = 	snop  }
0x33: {  	[tilespmem:s0], [sflag:$0x1] =	stream.indirect.gather [hbm4b:s3+s13], $0x40, s31, s13, $0xb8;
	[tilespmem:$0x18800] =	vst v63  }
0x34: {  	_ = 	snop  }
0x35: {  	[tilespmem:s14], [sflag:$0x1] =	stream.indirect.gather [hbm4b:s4+s13], $0x40, s2, s13, $0xb8;
	[tilespmem:$0x18800] =	vst v63  }
0x36: {  	_ =	swait.ge [sflag:s15], $0x2000  }
0x37: {  	[sflag:s15] =	ssyncset.done $0x0  }
0x38: {  	[sflag:s15] =	ssyncadd.s32 $0xFFFFE000  }
0x39: {  	_ =	swait.ge [sflag:s15], $0x2000  }
0x3a: {  	[sflag:s15] =	ssyncset.done $0x0  }
0x3b: {  	[sflag:s15] =	ssyncadd.s32 $0xFFFFE000  }
0x3c: {  	_ =	swait.ge [sflag:s15], $0x2000  }
0x3d: {  	[sflag:s15] =	ssyncset.done $0x0  }
0x3e: {  	[sflag:s15] =	ssyncadd.s32 $0xFFFFE000  }
0x3f: {  	_ =	swait.ge [sflag:s15], $0x2000  }
0x40: {  	[sflag:s15] =	ssyncset.done $0x0  }
0x41: {  	[sflag:s15] =	ssyncadd.s32 $0xFFFFE000  }
0x42: {  	_ =	swait.ge [sflag:s15], $0x2000  }
0x43: {  	[sflag:s15] =	ssyncset.done $0x0  }
0x44: {  	[sflag:s15] =	ssyncadd.s32 $0xFFFFE000  }
0x45: {  	_ =	swait.ge [sflag:s15], $0x2000  }
0x46: {  	[sflag:s15] =	ssyncset.done $0x0  }
0x47: {  	[sflag:s15] =	ssyncadd.s32 $0xFFFFE000  }
0x48: {  	_ =	swait.ge [sflag:s15], $0x2000  }
0x49: {  	[sflag:s15] =	ssyncset.done $0x0  }
0x4a: {  	[sflag:s15] =	ssyncadd.s32 $0xFFFFE000  }
0x4b: {  	_ =	swait.ge [sflag:s15], $0x2000  }
0x4c: {  	[sflag:s15] =	ssyncset.done $0x0  }
0x4d: {  	[sflag:s15] =	ssyncadd.s32 $0xFFFFE000  }
0x4e: {  	_ =	swait.ge [sflag:s15], $0x2000  }
0x4f: {  	[sflag:s15] =	ssyncset.done $0x0  }
0x50: {  	[sflag:s15] =	ssyncadd.s32 $0xFFFFE000  }
0x51: {  	_ =	swait.ge [sflag:s15], $0x2000  }
0x52: {  	[sflag:s15] =	ssyncset.done $0x0  }
0x53: {  	[sflag:s15] =	ssyncadd.s32 $0xFFFFE000  }
0x54: {  	_ =	swait.ge [sflag:s15], $0x2000  }
0x55: {  	[sflag:s15] =	ssyncset.done $0x0  }
0x56: {  	[sflag:s15] =	ssyncadd.s32 $0xFFFFE000  }
0x57: {  	_ =	swait.ge [sflag:s15], $0x2000  }
0x58: {  	[sflag:s15] =	ssyncset.done $0x0  }
0x59: {  	s20 =	simm.s32 $0x0;
	[sflag:s15] =	ssyncadd.s32 $0xFFFFE000  }
0x5a: {  	v0 =	vld [tilespmem:s20+$0x9F0];
	_ =	sdelay $0x4  }
0x5b: {  	[tilespmem:$0x1FB20] =	vst v0;
	v0 =	vld [tilespmem:s20+$0x109C0];
	_ =	sdelay $0x4  }
0x5c: {  	[tilespmem:$0x1FAE0] =	vst v0;
	v0 =	vld [tilespmem:s20+$0x109D0];
	_ =	sdelay $0x4  }
0x5d: {  	[tilespmem:$0x1FB10] =	vst v0;
	v0 =	vld [tilespmem:s20+$0x9E0];
	_ =	sdelay $0x4  }
0x5e: {  	[tilespmem:$0x1FB00] =	vst v0;
	v0 =	vld [tilespmem:s20+$0x9D0];
	_ =	sdelay $0x4  }
0x5f: {  	[tilespmem:$0x1FA90] =	vst v0;
	v0 =	vld [tilespmem:s20+$0x89D0];
	_ =	sdelay $0x4  }
0x60: {  	[tilespmem:$0x1FAA0] =	vst v0;
	v0 =	vld [tilespmem:s20+$0x10960];
	_ =	sdelay $0x4  }
0x61: {  	[tilespmem:$0x1FAB0] =	vst v0;
	v0 =	vld [tilespmem:s20+$0x970];
	_ =	sdelay $0x4  }
0x62: {  	[tilespmem:$0x1FAD0] =	vst v0;
	v0 =	vld [tilespmem:s20+$0x9A0];
	_ =	sdelay $0x4  }
0x63: {  	[tilespmem:$0x1F690] =	vst v0;
	v0 =	vld [tilespmem:s20+$0x108F0];
	_ =	sdelay $0x4  }
0x64: {  	[tilespmem:$0x1F720] =	vst v0;
	v0 =	vld [tilespmem:s20+$0x10920];
	_ =	sdelay $0x4  }
0x65: {  	[tilespmem:$0x1F730] =	vst v0;
	v0 =	vld [tilespmem:s20+$0x10940];
	_ =	sdelay $0x4  }
0x66: {  	[tilespmem:$0x1FA70] =	vst v0;
	v0 =	vld [tilespmem:s20+$0x960];
	_ =	sdelay $0x4  }
0x67: {  	[tilespmem:$0x1F6A0] =	vst v0;
	v0 =	vld [tilespmem:s20+$0x8960];
	_ =	sdelay $0x4  }
0x68: {  	[tilespmem:$0x1F6B0] =	vst v0;
	v0 =	vld [tilespmem:s20+$0x980];
	_ =	sdelay $0x4  }
0x69: {  	[tilespmem:$0x1F6C0] =	vst v0;
	v0 =	vld [tilespmem:s20+$0x8980];
	_ =	sdelay $0x4  }
0x6a: {  	[tilespmem:$0x1F6D0] =	vst v0;
	v0 =	vld [tilespmem:s20+$0x990];
	_ =	sdelay $0x4  }
0x6b: {  	[tilespmem:$0x1F6F0] =	vst v0;
	v0 =	vld [tilespmem:s20+$0x8990];
	_ =	sdelay $0x4  }
0x6c: {  	[tilespmem:$0x1F700] =	vst v0;
	v0 =	vld [tilespmem:s20+$0x108E0];
	_ =	sdelay $0x4  }
0x6d: {  	[tilespmem:$0x1F760] =	vst v0;
	v0 =	vld [tilespmem:s20+$0x8F0];
	_ =	sdelay $0x4  }
0x6e: {  	[tilespmem:$0x1F6E0] =	vst v0;
	v0 =	vld [tilespmem:s20+$0x10900];
	_ =	sdelay $0x4  }
0x6f: {  	[tilespmem:$0x1F770] =	vst v0;
	v0 =	vld [tilespmem:s20+$0x10910];
	_ =	sdelay $0x4  }
0x70: {  	[tilespmem:$0x1F790] =	vst v0;
	v0 =	vld [tilespmem:s20+$0x920];
	_ =	sdelay $0x4  }
0x71: {  	[tilespmem:$0x1F710] =	vst v0;
	v0 =	vld [tilespmem:s20+$0x940];
	_ =	sdelay $0x4  }
0x72: {  	[tilespmem:$0x1F740] =	vst v0;
	v0 =	vld [tilespmem:s20+$0x8940];
	_ =	sdelay $0x4  }
0x73: {  	[tilespmem:$0x1F750] =	vst v0;
	v0 =	vld [tilespmem:s20+$0x950];
	_ =	sdelay $0x4  }
0x74: {  	[tilespmem:$0x1FA30] =	vst v0;
	v0 =	vld [tilespmem:s20+$0x8950];
	_ =	sdelay $0x4  }
0x75: {  	[tilespmem:$0x1FA40] =	vst v0;
	v0 =	vld [tilespmem:s20+$0x10870];
	_ =	sdelay $0x4  }
0x76: {  	[tilespmem:$0x1F780] =	vst v0;
	v0 =	vld [tilespmem:s20+$0x108A0];
	_ =	sdelay $0x4  }
0x77: {  	[tilespmem:$0x1FA50] =	vst v0;
	v0 =	vld [tilespmem:s20+$0x8B0];
	_ =	sdelay $0x4  }
0x78: {  	[tilespmem:$0x1FA60] =	vst v0;
	v0 =	vld [tilespmem:s20+$0x108C0];
	_ =	sdelay $0x4  }
0x79: {  	[tilespmem:$0x1F7C0] =	vst v0;
	v0 =	vld [tilespmem:s20+$0x108D0];
	_ =	sdelay $0x4  }
0x7a: {  	[tilespmem:$0x1F7E0] =	vst v0;
	v0 =	vld [tilespmem:s20+$0x10830];
	_ =	sdelay $0x4  }
0x7b: {  	[tilespmem:$0x1F7D0] =	vst v0;
	v0 =	vld [tilespmem:s20+$0x10860];
	_ =	sdelay $0x4  }
0x7c: {  	[tilespmem:$0x1F7F0] =	vst v0;
	v0 =	vld [tilespmem:s20+$0x10880];
	_ =	sdelay $0x4  }
0x7d: {  	[tilespmem:$0x1FA20] =	vst v0;
	v0 =	vld [tilespmem:s20+$0x8A0];
	_ =	sdelay $0x4  }
0x7e: {  	[tilespmem:$0x1F7A0] =	vst v0;
	v0 =	vld [tilespmem:s20+$0x8D0];
	_ =	sdelay $0x4  }
0x7f: {  	[tilespmem:$0x1F7B0] =	vst v0;
	v0 =	vld [tilespmem:s20+$0x10820];
	_ =	sdelay $0x4  }
0x80: {  	[tilespmem:$0x1F810] =	vst v0;
	v0 =	vld [tilespmem:s20+$0x10840];
	_ =	sdelay $0x4  }
0x81: {  	[tilespmem:$0x1F820] =	vst v0;
	v0 =	vld [tilespmem:s20+$0x10850];
	_ =	sdelay $0x4  }
0x82: {  	[tilespmem:$0x1F840] =	vst v0;
	v0 =	vld [tilespmem:s20+$0x880];
	_ =	sdelay $0x4  }
0x83: {  	[tilespmem:$0x1F800] =	vst v0;
	v0 =	vld [tilespmem:s20+$0x890];
	_ =	sdelay $0x4  }
0x84: {  	[tilespmem:$0x1F9E0] =	vst v0;
	v0 =	vld [tilespmem:s20+$0x8890];
	_ =	sdelay $0x4  }
0x85: {  	[tilespmem:$0x1F9F0] =	vst v0;
	v0 =	vld [tilespmem:s20+$0x107B0];
	_ =	sdelay $0x4  }
0x86: {  	[tilespmem:$0x1F830] =	vst v0;
	v0 =	vld [tilespmem:s20+$0x107E0];
	_ =	sdelay $0x4  }
0x87: {  	[tilespmem:$0x1FA00] =	vst v0;
	v0 =	vld [tilespmem:s20+$0x7F0];
	_ =	sdelay $0x4  }
0x88: {  	[tilespmem:$0x1FA10] =	vst v0;
	v0 =	vld [tilespmem:s20+$0x10800];
	_ =	sdelay $0x4  }
0x89: {  	[tilespmem:$0x1F850] =	vst v0;
	v0 =	vld [tilespmem:s20+$0x10810];
	_ =	sdelay $0x4  }
0x8a: {  	[tilespmem:$0x1F870] =	vst v0;
	v0 =	vld [tilespmem:s20+$0x10770];
	_ =	sdelay $0x4  }
0x8b: {  	[tilespmem:$0x1F860] =	vst v0;
	v0 =	vld [tilespmem:s20+$0x107A0];
	_ =	sdelay $0x3  }
0x8c: {  	v1 =	vld [tilespmem:s20+$0x109B0]  }
0x8d: {  	[tilespmem:$0x1F880] =	vst v0;
	v0 =	vld [tilespmem:s20+$0x107C0]  }
0x8e: {  	v2 =	vld [tilespmem:s20+$0x109A0]  }
0x8f: {  	v4 =	vld [tilespmem:s20+$0x9B0]  }
0x90: {  	v16 =	vld [tilespmem:s20+$0x89B0]  }
0x91: {  	v3 =	vld [tilespmem:s20+$0x9C0]  }
0x92: {  	[tilespmem:$0x1F9D0] =	vst v0;
	v0 =	vld [tilespmem:s20+$0x10760]  }
0x93: {  	v8 =	vld [tilespmem:s20+$0x89C0]  }
0x94: {  	v15 =	vld [tilespmem:s20+$0x10930]  }
0x95: {  	v27 =	vld [tilespmem:s20+$0x10980]  }
0x96: {  	v11 =	vld [tilespmem:s20+$0x10990]  }
0x97: {  	[tilespmem:$0x1F8A0] =	vst v0;
	v0 =	vld [tilespmem:s20+$0x10780]  }
0x98: {  	v61 =	vld [tilespmem:s20+$0x89A0]  }
0x99: {  	v55 =	vld [tilespmem:s20+$0x930]  }
0x9a: {  	v56 =	vld [tilespmem:s20+$0x8930]  }
0x9b: {  	v60 =	vld [tilespmem:s20+$0x88F0]  }
0x9c: {  	[tilespmem:$0x1F8B0] =	vst v0;
	v0 =	vld [tilespmem:s20+$0x10790]  }
0x9d: {  	v62 =	vld [tilespmem:s20+$0x8920]  }
0x9e: {  	v54 =	vld [tilespmem:s20+$0x8E0]  }
0x9f: {  	v6 =	vld [tilespmem:s20+$0x88E0]  }
0xa0: {  	v5 =	vld [tilespmem:s20+$0x900]  }
0xa1: {  	[tilespmem:$0x1F8D0] =	vst v0;
	v0 =	vld [tilespmem:s20+$0x7C0]  }
0xa2: {  	v45 =	vld [tilespmem:s20+$0x8900]  }
0xa3: {  	v59 =	vld [tilespmem:s20+$0x910]  }
0xa4: {  	v46 =	vld [tilespmem:s20+$0x8910]  }
0xa5: {  	v26 =	vld [tilespmem:s20+$0x870]  }
0xa6: {  	[tilespmem:$0x1F890] =	vst v0;
	v0 =	vld [tilespmem:s20+$0x7D0]  }
0xa7: {  	v19 =	vld [tilespmem:s20+$0x8870]  }
0xa8: {  	v57 =	vld [tilespmem:s20+$0x88A0]  }
0xa9: {  	v58 =	vld [tilespmem:s20+$0x8C0]  }
0xaa: {  	v50 =	vld [tilespmem:s20+$0x88C0]  }
0xab: {  	[tilespmem:$0x1F990] =	vst v0;
	v0 =	vld [tilespmem:s20+$0x87D0]  }
0xac: {  	v53 =	vld [tilespmem:s20+$0x88D0]  }
0xad: {  	v36 =	vld [tilespmem:s20+$0x830]  }
0xae: {  	v30 =	vld [tilespmem:s20+$0x8830]  }
0xaf: {  	v33 =	vld [tilespmem:s20+$0x860]  }
0xb0: {  	[tilespmem:$0x1F9A0] =	vst v0;
	v0 =	vld [tilespmem:s20+$0x106F0]  }
0xb1: {  	v29 =	vld [tilespmem:s20+$0x8860]  }
0xb2: {  	v52 =	vld [tilespmem:s20+$0x8880]  }
0xb3: {  	v18 =	vld [tilespmem:s20+$0x820]  }
0xb4: {  	v17 =	vld [tilespmem:s20+$0x8820]  }
0xb5: {  	[tilespmem:$0x1F8C0] =	vst v0;
	v0 =	vld [tilespmem:s20+$0x10720]  }
0xb6: {  	v14 =	vld [tilespmem:s20+$0x840]  }
0xb7: {  	v13 =	vld [tilespmem:s20+$0x8840]  }
0xb8: {  	v24 =	vld [tilespmem:s20+$0x850]  }
0xb9: {  	v23 =	vld [tilespmem:s20+$0x8850]  }
0xba: {  	[tilespmem:$0x1F9B0] =	vst v0;
	v0 =	vld [tilespmem:s20+$0x730]  }
0xbb: {  	v9 =	vld [tilespmem:s20+$0x7B0]  }
0xbc: {  	v7 =	vld [tilespmem:s20+$0x87B0]  }
0xbd: {  	v44 =	vld [tilespmem:s20+$0x7E0]  }
0xbe: {  	v41 =	vld [tilespmem:s20+$0x87E0]  }
0xbf: {  	[tilespmem:$0x1F9C0] =	vst v0;
	v0 =	vld [tilespmem:s20+$0x10740]  }
0xc0: {  	v42 =	vld [tilespmem:s20+$0x800]  }
0xc1: {  	v37 =	vld [tilespmem:s20+$0x8800]  }
0xc2: {  	v51 =	vld [tilespmem:s20+$0x810]  }
0xc3: {  	v47 =	vld [tilespmem:s20+$0x8810]  }
0xc4: {  	[tilespmem:$0x1F900] =	vst v0;
	v0 =	vld [tilespmem:s20+$0x10750]  }
0xc5: {  	v25 =	vld [tilespmem:s20+$0x770]  }
0xc6: {  	v20 =	vld [tilespmem:s20+$0x8770]  }
0xc7: {  	v28 =	vld [tilespmem:s20+$0x7A0]  }
0xc8: {  	v21 =	vld [tilespmem:s20+$0x87A0]  }
0xc9: {  	v63 =	vld [tilespmem:s20+$0x87C0];
	[tilespmem:$0x1F910] =	vst v0  }
0xca: {  	v35 =	vld [tilespmem:s20+$0x760]  }
0xcb: {  	v0 =	vld [tilespmem:s20+$0x106B0];
	_ =	sdelay $0x4  }
0xcc: {  	[tilespmem:$0x1F920] =	vst v0;
	v0 =	vld [tilespmem:s20+$0x106E0];
	_ =	sdelay $0x1  }
0xcd: {  	v31 =	vld [tilespmem:s20+$0x8760]  }
0xce: {  	v32 =	vld [tilespmem:s20+$0x780]  }
0xcf: {  	v22 =	vld [tilespmem:s20+$0x8780]  }
0xd0: {  	[tilespmem:$0x1F930] =	vst v0;
	v0 =	vld [tilespmem:s20+$0x10700]  }
0xd1: {  	v40 =	vld [tilespmem:s20+$0x790]  }
0xd2: {  	v34 =	vld [tilespmem:s20+$0x8790]  }
0xd3: {  	v12 =	vld [tilespmem:s20+$0x6F0]  }
0xd4: {  	v45 =	vmul.f32 v45, v5;
	v5 =	vld [tilespmem:$0x1F760]  }
0xd5: {  	[tilespmem:$0x1F980] =	vst v0;
	v0 =	vld [tilespmem:s20+$0x720]  }
0xd6: {  	v10 =	vld [tilespmem:s20+$0x86F0]  }
0xd7: {  	v54 =	vmul.f32 v6, v54;
	v49 =	vld [tilespmem:s20+$0x740]  }
0xd8: {  	v48 =	vld [tilespmem:s20+$0x8740]  }
0xd9: {  	v54 =	vmul.f32 v5, v54;
	v5 =	vld [tilespmem:$0x1F770]  }
0xda: {  	[tilespmem:$0x1F8E0] =	vst v0;
	v0 =	vld [tilespmem:s20+$0x8720]  }
0xdb: {  	v43 =	vld [tilespmem:s20+$0x750]  }
0xdc: {  	v39 =	vld [tilespmem:s20+$0x8750]  }
0xdd: {  	v38 =	vld [tilespmem:s20+$0x6B0]  }
0xde: {  	v45 =	vmul.f32 v5, v45;
	v5 =	vld [tilespmem:$0x1F780]  }
0xdf: {  	v55 =	vmul.f32 v56, v55;
	[tilespmem:$0x1F8F0] =	vst v0;
	v0 =	vld [tilespmem:s20+$0x10630]  }
0xe0: {  	v56 =	vld [tilespmem:s20+$0x106D0]  }
0xe1: {  	v19 =	vmul.f32 v19, v26;
	v55 =	vmul.f32 v15, v55;
	v15 =	vld [tilespmem:s20+$0x6E0]  }
0xe2: {  	v26 =	vmul.f32 v46, v59;
	v59 =	vld [tilespmem:s20+$0x630]  }
0xe3: {  	v46 =	vmul.f32 v5, v19;
	v5 =	vld [tilespmem:$0x1F790]  }
0xe4: {  	[tilespmem:$0x1F960] =	vst v0;
	v0 =	vld [tilespmem:s20+$0x106A0]  }
0xe5: {  	v58 =	vmul.f32 v50, v58;
	v50 =	vld [tilespmem:s20+$0x10660]  }
0xe6: {  	v6 =	vld [tilespmem:s20+$0x6A0]  }
0xe7: {  	v17 =	vmul.f32 v17, v18;
	v18 =	vld [tilespmem:$0x1F810]  }
0xe8: {  	v26 =	vmul.f32 v5, v26;
	v5 =	vld [tilespmem:$0x1F7A0]  }
0xe9: {  	[tilespmem:$0x1F950] =	vst v0;
	v0 =	vmul.f32 v16, v4;
	v4 =	vld [tilespmem:$0x1F690]  }
0xea: {  	v13 =	vmul.f32 v13, v14;
	v14 =	vld [tilespmem:s20+$0x86C0]  }
0xeb: {  	v7 =	vmul.f32 v7, v9;
	v9 =	vmul.f32 v23, v24;
	v24 =	vld [tilespmem:s20+$0x86D0]  }
0xec: {  	v20 =	vmul.f32 v20, v25;
	v25 =	vmul.f32 v47, v51;
	v47 =	vld [tilespmem:$0x1F870]  }
0xed: {  	v51 =	vld [tilespmem:$0x1F880];
	v17 =	vmul.f32 v18, v17  }
0xee: {  	v18 =	vld [tilespmem:$0x1F820];
	v57 =	vmul.f32 v57, v5;
	v61 =	vmul.f32 v61, v4  }
0xef: {  	v5 =	vld [tilespmem:$0x1F7B0];
	v4 =	vmul.f32 v1, v0;
	v0 =	vmul.f32 v8, v3  }
0xf0: {  	v22 =	vmul.f32 v22, v32;
	v32 =	vld [tilespmem:s20+$0x680]  }
0xf1: {  	[tilespmem:$0x1FAF0] =	vst v0;
	v0 =	vld [tilespmem:s20+$0x106C0]  }
0xf2: {  	v10 =	vmul.f32 v10, v12;
	v12 =	vmul.f32 v34, v40;
	v40 =	vld [tilespmem:$0x1F8A0]  }
0xf3: {  	v25 =	vmul.f32 v47, v25;
	v47 =	vmul.f32 v48, v49;
	v49 =	vld [tilespmem:s20+$0x8690]  }
0xf4: {  	v30 =	vmul.f32 v30, v36;
	v36 =	vmul.f32 v53, v5;
	v5 =	vld [tilespmem:$0x1F7C0]  }
0xf5: {  	v1 =	vld [tilespmem:$0x1F6B0]  }
0xf6: {  	[tilespmem:$0x1F940] =	vst v0;
	v0 =	vld [tilespmem:$0x1F6A0]  }
0xf7: {  	v13 =	vmul.f32 v18, v13;
	v18 =	vld [tilespmem:s20+$0x6D0]  }
0xf8: {  	v19 =	vld [tilespmem:s20+$0x8630]  }
0xf9: {  	v23 =	vadd.f32 v26, v45;
	v26 =	vmul.f32 v37, v42;
	v42 =	vld [tilespmem:$0x1F850]  }
0xfa: {  	v29 =	vmul.f32 v29, v33;
	v45 =	vld [tilespmem:$0x1F860]  }
0xfb: {  	v33 =	vmul.f32 v5, v58;
	v5 =	vld [tilespmem:$0x1F7D0];
	v0 =	vmul.f32 v1, v0  }
0xfc: {  	v1 =	vld [tilespmem:$0x1F6D0]  }
0xfd: {  	[tilespmem:$0x1FAC0] =	vst v0;
	v0 =	vld [tilespmem:$0x1F6C0]  }
0xfe: {  	v26 =	vmul.f32 v42, v26;
	v42 =	vld [tilespmem:$0x1F8B0]  }
0xff: {  	v20 =	vmul.f32 v45, v20;
	v45 =	vld [tilespmem:$0x1F8D0]  }
0x100: {  	v30 =	vmul.f32 v5, v30;
	v5 =	vld [tilespmem:$0x1F7E0]  }
0x101: {  	v25 =	vadd.f32 v25, v26;
	v26 =	vld [tilespmem:s20+$0x690]  }
0x102: {  	v0 =	vmul.f32 v1, v0;
	v1 =	vld [tilespmem:$0x1F6E0]  }
0x103: {  	v53 =	vld [tilespmem:s20+$0x10680]  }
0x104: {  	v17 =	vadd.f32 v17, v25;
	v25 =	vld [tilespmem:s20+$0x8600]  }
0x105: {  	v22 =	vmul.f32 v42, v22;
	v36 =	vmul.f32 v5, v36;
	v5 =	vld [tilespmem:$0x1F7F0]  }
0x106: {  	v12 =	vmul.f32 v45, v12;
	v3 =	vmul.f32 v2, v61;
	v2 =	vld [tilespmem:$0x1F700]  }
0x107: {  	v60 =	vmul.f32 v60, v1;
	v1 =	vld [tilespmem:$0x1F6F0]  }
0x108: {  	v12 =	vadd.f32 v12, v22;
	v22 =	vld [tilespmem:s20+$0x600]  }
0x109: {  	v21 =	vmul.f32 v21, v28;
	v16 =	vld [tilespmem:s20+$0x86B0]  }
0x10a: {  	v29 =	vmul.f32 v5, v29;
	v5 =	vld [tilespmem:$0x1F800]  }
0x10b: {  	v21 =	vmul.f32 v51, v21;
	v58 =	vld [tilespmem:s20+$0x10690]  }
0x10c: {  	v1 =	vmul.f32 v2, v1;
	v2 =	vld [tilespmem:$0x1F710]  }
0x10d: {  	v12 =	vadd.f32 v21, v12;
	v21 =	vld [tilespmem:$0x1F930]  }
0x10e: {  	v8 =	vld [tilespmem:s20+$0x86E0]  }
0x10f: {  	v52 =	vmul.f32 v52, v5;
	v5 =	vld [tilespmem:s20+$0x86A0]  }
0x110: {  	v22 =	vmul.f32 v25, v22;
	v25 =	vld [tilespmem:$0x1F950]  }
0x111: {  	v62 =	vmul.f32 v62, v2;
	v2 =	vmul.f32 v27, v0;
	v0 =	vld [tilespmem:$0x1F720]  }
0x112: {  	v61 =	vld [tilespmem:$0x1F740]  }
0x113: {  	v8 =	vmul.f32 v8, v15;
	v15 =	vadd.f32 v30, v17;
	v17 =	vld [tilespmem:s20+$0x610]  }
0x114: {  	v5 =	vmul.f32 v5, v6;
	v6 =	vld [tilespmem:s20+$0x8650]  }
0x115: {  	v27 =	vld [tilespmem:s20+$0x700]  }
0x116: {  	v60 =	vmul.f32 v0, v60;
	v0 =	vmul.f32 v11, v1;
	v1 =	vld [tilespmem:$0x1F730]  }
0x117: {  	v11 =	vld [tilespmem:s20+$0x8700]  }
0x118: {  	v5 =	vmul.f32 v25, v5;
	v25 =	vld [tilespmem:s20+$0x670];
	v0 =	vadd.f32 v0, v2  }
0x119: {  	v2 =	vld [tilespmem:s20+$0x6C0]  }
0x11a: {  	v3 =	vadd.f32 v3, v0;
	v0 =	vld [tilespmem:$0x1F830]  }
0x11b: {  	v1 =	vmul.f32 v1, v62;
	v62 =	vld [tilespmem:$0x1F750]  }
0x11c: {  	v11 =	vmul.f32 v11, v27;
	v27 =	vld [tilespmem:$0x1F940]  }
0x11d: {  	v3 =	vadd.f32 v4, v3;
	v4 =	vld [tilespmem:s20+$0x10600]  }
0x11e: {  	v1 =	vadd.f32 v1, v23;
	v23 =	vld [tilespmem:s20+$0x10610]  }
0x11f: {  	v2 =	vmul.f32 v14, v2;
	v7 =	vmul.f32 v0, v7;
	v0 =	vld [tilespmem:$0x1F840]  }
0x120: {  	v14 =	vmul.f32 v24, v18;
	v18 =	vld [tilespmem:s20+$0x8610];
	v61 =	vmul.f32 v62, v61  }
0x121: {  	v24 =	vld [tilespmem:s20+$0x640]  }
0x122: {  	[tilespmem:$0x1FA80] =	vst v61;
	v61 =	vld [tilespmem:s20+$0x710]  }
0x123: {  	v1 =	vadd.f32 v55, v1;
	v55 =	vld [tilespmem:$0x1F890]  }
0x124: {  	v9 =	vmul.f32 v0, v9;
	v0 =	vmul.f32 v41, v44;
	v44 =	vadd.f32 v36, v33;
	v33 =	vld [tilespmem:s20+$0x620]  }
0x125: {  	v36 =	vld [tilespmem:s20+$0x8620]  }
0x126: {  	v62 =	vld [tilespmem:s20+$0x8710]  }
0x127: {  	v28 =	vadd.f32 v54, v44;
	[tilespmem:$0x1F970] =	vst v61;
	v61 =	vld [tilespmem:s20+$0x10620]  }
0x128: {  	v17 =	vmul.f32 v18, v17;
	v37 =	vmul.f32 v63, v55;
	v55 =	vld [tilespmem:$0x1F900]  }
0x129: {  	v31 =	vmul.f32 v31, v35;
	v4 =	vmul.f32 v4, v22;
	v28 =	vadd.f32 v60, v28;
	v60 =	vld [tilespmem:$0x1F910]  }
0x12a: {  	v7 =	vadd.f32 v7, v12;
	v12 =	vld [tilespmem:s20+$0x8640];
	v17 =	vmul.f32 v23, v17;
	v18 =	vmul.f32 v36, v33  }
0x12b: {  	(xrf2) =	vadd.scan.msk.f32 $0xffff, v3;
	v14 =	vmul.f32 v56, v14;
	v2 =	vmul.f32 v27, v2;
	v9 =	vadd.f32 v9, v13;
	v44 =	vld [tilespmem:$0x1F8C0]  }
0x12c: {  	v48 =	vmul.f32 v39, v43;
	(xrf2) =	vadd.scan.msk.f32 $0xffff, v1;
	v41 =	vld [tilespmem:s20+$0x10640];
	v1 =	vadd.f32 v17, v4;
	v4 =	vmul.f32 v61, v18  }
0x12d: {  	v8 =	vmul.f32 v21, v8;
	v2 =	vadd.f32 v14, v2;
	v9 =	vadd.f32 v29, v9;
	v29 =	vld [tilespmem:s20+$0x8680]  }
0x12e: {  	v34 =	vmul.f32 v55, v47;
	v35 =	vmul.f32 v60, v48;
	v1 =	vadd.f32 v4, v1;
	v4 =	vld [tilespmem:$0x1F960]  }
0x12f: {  	v31 =	vmul.f32 v40, v31;
	v63 =	vld [tilespmem:$0x1F920];
	v9 =	vadd.f32 v46, v9  }
0x130: {  	v2 =	vadd.f32 v8, v2;
	v13 =	vld [tilespmem:s20+$0x660];
	(xrf2) =	vadd.scan.msk.f32 $0xffff, v28;
	v10 =	vmul.f32 v44, v10;
	v21 =	vadd.f32 v35, v34  }
0x131: {  	v19 =	vmul.f32 v19, v59;
	v26 =	vmul.f32 v49, v26;
	(xrf2) =	vadd.scan.msk.f32 $0xffff, v9;
	v9 =	vld [tilespmem:$0x1F970]  }
0x132: {  	v27 =	vmul.f32 v29, v32;
	v2 =	vadd.f32 v10, v2;
	v10 =	vld [tilespmem:s20+$0x10710];
	v21 =	vadd.f32 v31, v21  }
0x133: {  	v35 =	vld [tilespmem:s20+$0x650];
	v4 =	vmul.f32 v4, v19  }
0x134: {  	v26 =	vmul.f32 v58, v26;
	v14 =	vmul.f32 v53, v27;
	v20 =	vadd.f32 v20, v21;
	v21 =	vld [tilespmem:s20+$0x8660]  }
0x135: {  	v1 =	vadd.f32 v4, v1;
	v4 =	vld [tilespmem:$0x1F980]  }
0x136: {  	v16 =	vmul.f32 v16, v38;
	v8 =	vld [tilespmem:s20+$0x10650];
	v14 =	vadd.f32 v26, v14;
	v9 =	vmul.f32 v62, v9  }
0x137: {  	v22 =	vld [tilespmem:s20+$0x8670];
	v3 =	vmul.f32 v12, v24;
	(xrf2) =	vadd.scan.msk.f32 $0xffff, v15  }
0x138: {  	v16 =	vmul.f32 v63, v16;
	(xrf2) =	vadd.scan.msk.f32 $0xffff, v7;
	v5 =	vadd.f32 v5, v14;
	v7 =	vmul.f32 v10, v9;
	v10 =	vld [tilespmem:$0x1F990]  }
0x139: {  	v6 =	vmul.f32 v6, v35;
	v12 =	vmul.f32 v21, v13;
	v13 =	vld [tilespmem:s20+$0x10670]  }
0x13a: {  	v5 =	vadd.f32 v16, v5;
	(xrf2) =	vadd.scan.msk.f32 $0xffff, v20;
	v4 =	vmul.f32 v4, v11;
	v11 =	vld [tilespmem:$0x1F9A0]  }
0x13b: {  	v3 =	vmul.f32 v41, v3;
	v14 =	vld [tilespmem:s20+$0x107D0];
	v6 =	vmul.f32 v8, v6;
	(xrf2) =	vadd.scan.msk.f32 $0xffff, v2  }
0x13c: {  	(xrf2) =	vadd.scan.msk.f32 $0xffff, v5;
	v5 =	vld [tilespmem:$0x1F9D0]  }
0x13d: {  	v3 =	vadd.f32 v6, v3;
	v6 =	vmul.f32 v50, v12;
	v12 =	vmul.f32 v22, v25;
	_ =	sdelay $0x1  }
0x13e: {  	v3 =	vadd.f32 v6, v3;
	v6 =	vmul.f32 v13, v12;
	v10 =	vmul.f32 v11, v10  }
0x13f: {  	v51 =	vld [tilespmem:$0x1F8E0]  }
0x140: {  	v54 =	vld [tilespmem:$0x1F8F0];
	v5 =	vmul.f32 v5, v37;
	v3 =	vadd.f32 v6, v3;
	v6 =	vmul.f32 v14, v10  }
0x141: {  	v8 =	vld [tilespmem:s20+$0x8730]  }
0x142: {  	v5 =	vadd.f32 v6, v5;
	v6 =	vld [tilespmem:$0x1FA00]  }
0x143: {  	v2 =	vadd.f32 v7, v4;
	v4 =	vld [tilespmem:$0x1F9B0]  }
0x144: {  	v7 =	vld [tilespmem:$0x1F9C0]  }
0x145: {  	v15 =	vld [tilespmem:s20+$0x10730]  }
0x146: {  	v38 =	vmul.f32 v54, v51;
	v9 =	vld [tilespmem:s20+$0x87F0]  }
0x147: {  	v0 =	vmul.f32 v6, v0;
	v6 =	vld [tilespmem:$0x1FA10]  }
0x148: {  	v16 =	vld [tilespmem:$0x1FA80];
	v4 =	vmul.f32 v4, v38  }
0x149: {  	v7 =	vmul.f32 v8, v7;
	v8 =	vld [tilespmem:s20+$0x107F0]  }
0x14a: {  	(xrf2) =	vadd.scan.msk.f32 $0xffff, v1;
	v1 =	vadd.f32 v4, v2;
	v4 =	vld [tilespmem:$0x1F9E0]  }
0x14b: {  	v2 =	vmul.f32 v15, v7;
	v7 =	vld [tilespmem:$0x1F9F0]  }
0x14c: {  	v11 =	vld [tilespmem:s20+$0x10890];
	v6 =	vmul.f32 v9, v6  }
0x14d: {  	v1 =	vadd.f32 v2, v1;
	v2 =	vld [tilespmem:$0x1FA20]  }
0x14e: {  	v0 =	vadd.f32 v0, v5;
	v5 =	vmul.f32 v8, v6;
	v6 =	vld [tilespmem:$0x1FA30]  }
0x14f: {  	v8 =	vld [tilespmem:$0x1FA40]  }
0x150: {  	v4 =	vmul.f32 v7, v4;
	v7 =	vld [tilespmem:s20+$0x10950]  }
0x151: {  	v0 =	vadd.f32 v5, v0;
	v5 =	vld [tilespmem:$0x1FA70];
	_ =	sdelay $0x2  }
0x152: {  	v18 =	vld [tilespmem:$0x1FAC0];
	v6 =	vmul.f32 v8, v6  }
0x153: {  	v10 =	vld [tilespmem:s20+$0x88B0];
	v2 =	vmul.f32 v2, v52;
	v4 =	vmul.f32 v11, v4  }
0x154: {  	v15 =	vld [tilespmem:$0x1FA60];
	v5 =	vmul.f32 v5, v16;
	v6 =	vmul.f32 v7, v6  }
0x155: {  	v2 =	vadd.f32 v4, v2;
	v4 =	vld [tilespmem:$0x1FA50]  }
0x156: {  	v5 =	vadd.f32 v6, v5;
	v6 =	vld [tilespmem:$0x1FAB0];
	_ =	sdelay $0x1  }
0x157: {  	v9 =	vld [tilespmem:s20+$0x108B0];
	_ =	sdelay $0x1  }
0x158: {  	v10 =	vmul.f32 v10, v15;
	v11 =	vld [tilespmem:s20+$0x8970]  }
0x159: {  	v4 =	vmul.f32 v4, v57;
	v6 =	vmul.f32 v6, v18;
	v18 =	vld [tilespmem:$0x1FAD0];
	_ =	sdelay $0x1  }
0x15a: {  	v15 =	vld [tilespmem:s20+$0x10970];
	v2 =	vadd.f32 v4, v2;
	v4 =	vmul.f32 v9, v10  }
0x15b: {  	v9 =	vld [tilespmem:$0x1FA90]  }
0x15c: {  	v12, _, _ =	vpop (xrf2);
	(xrf2) =	vadd.scan.msk.f32 $0xffff, v3;
	v2 =	vadd.f32 v4, v2;
	v4 =	vld [tilespmem:$0x1FAE0]  }
0x15d: {  	v3, _, _ =	vpop (xrf2);
	v11 =	vmul.f32 v11, v18;
	v18 =	vld [tilespmem:$0x1FAF0]  }
0x15e: {  	v13, _, _ =	vpop (xrf2);
	v10 =	vld [tilespmem:$0x1FAA0]  }
0x15f: {  	v14, _, _ =	vpop (xrf2)  }
0x160: {  	(xrf2) =	vadd.scan.msk.f32 $0xffff, v1;
	v1, _, _ =	vpop (xrf2);
	v5 =	vadd.f32 v6, v5;
	v6 =	vmul.f32 v15, v11;
	v11 =	vld [tilespmem:$0x1FB10]  }
0x161: {  	v8 =	vld [tilespmem:s20+$0x89E0];
	v16, _, _ =	vpop (xrf2)  }
0x162: {  	v17, _, _ =	vpop (xrf2);
	v4 =	vmul.f32 v4, v18;
	v18 =	vld [tilespmem:$0x1FB00]  }
0x163: {  	(xrf2) =	vadd.scan.msk.f32 $0xffff, v0;
	v9 =	vmul.f32 v10, v9;
	v0, _, _ =	vpop (xrf2)  }
0x164: {  	v10 =	vld [tilespmem:s20+$0x109E0];
	v19, _, _ =	vpop (xrf2)  }
0x165: {  	v7 =	vld [tilespmem:s20+$0x89F0];
	v9 =	vmul.f32 v11, v9;
	v11, _, _ =	vpop (xrf2)  }
0x166: {  	(xrf2) =	vadd.scan.msk.f32 $0xffff, v2;
	v15 =	vld [tilespmem:$0x1FB20];
	v2 =	vadd.f32 v6, v5;
	v6, _, _ =	vpop (xrf2)  }
0x167: {  	v6 =	vbroadcast v6, $0xF;
	v8 =	vmul.f32 v8, v18  }
0x168: {  	v18 =	vld [tilespmem:s20+$0x109F0]  }
0x169: {  	v5 =	vmul.f32 v10, v8;
	v8 =	vbroadcast v11, $0xF;
	_ =	sdelay $0x1  }
0x16a: {  	v7 =	vmul.f32 v7, v15;
	(xrf2) =	vadd.scan.msk.f32 $0xffff, v2;
	v4 =	vadd.f32 v9, v4;
	v2 =	vsel vm0, v8, v6;
	v6, _, _ =	vpop (xrf2)  }
0x16b: {  	v9 =	vbroadcast v19, $0xF;
	v6 =	vbroadcast v6, $0xF  }
0x16c: {  	v0 =	vbroadcast v0, $0xF;
	v4 =	vadd.f32 v5, v4;
	v5 =	vmul.f32 v18, v7  }
0x16d: {  	v2 =	vsel vm1, v2, v9  }
0x16e: {  	v0 =	vsel vm2, v2, v0;
	v2 =	vbroadcast v17, $0xF;
	v4 =	vadd.f32 v5, v4  }
0x16f: {  	v0 =	vsel vm3, v0, v6;
	v5 =	vbroadcast v16, $0xF;
	v6, _, _ =	vpop (xrf2)  }
0x170: {  	v0 =	vsel vm4, v0, v2;
	v2 =	vbroadcast v6, $0xF  }
0x171: {  	v1 =	vbroadcast v1, $0xF;
	(xrf2) =	vadd.scan.msk.f32 $0xffff, v4;
	v0 =	vsel vm5, v0, v5  }
0x172: {  	v4, _, _ =	vpop (xrf2);
	v0 =	vsel vm6, v0, v2;
	v2 =	vbroadcast v14, $0xF  }
0x173: {  	v0 =	vsel vm7, v0, v1;
	v1 =	vbroadcast v4, $0xF  }
0x174: {  	v0 =	vsel vm8, v0, v2;
	v2 =	vbroadcast v13, $0xF  }
0x175: {  	v0 =	vsel vm9, v0, v1;
	v1 =	vbroadcast v3, $0xF  }
0x176: {  	v0 =	vsel vm10, v0, v2  }
0x177: {  	v3, _, _ =	vpop (xrf2);
	v0 =	vsel vm11, v0, v1;
	v1 =	vbroadcast v12, $0xF  }
0x178: {  	v2 =	vbroadcast v3, $0xF;
	_ =	sdelay $0x1  }
0x179: {  	v0 =	vsel vm12, v0, v2  }
0x17a: {  	v0 =	vsel vm13, v0, v1;
	v1, _, _ =	vpop (xrf2)  }
0x17b: {  	v0 =	vsel vm14, v0, v1  }
0x17c: {  	s18 =	simm.s32 $0x400;
	[tilespmem:s16+$0x0] =	vst v0  }
0x17d: {  	v0 =	vld [tilespmem:s18+$0x109C0];
	_ =	sdelay $0x4  }
0x17e: {  	[tilespmem:$0x1FB30] =	vst v0;
	v0 =	vld [tilespmem:s18+$0x109D0];
	_ =	sdelay $0x4  }
0x17f: {  	[tilespmem:$0x1FB40] =	vst v0;
	v0 =	vld [tilespmem:s18+$0x9E0];
	_ =	sdelay $0x4  }
0x180: {  	[tilespmem:$0x1FB50] =	vst v0;
	v0 =	vld [tilespmem:s18+$0x9D0];
	_ =	sdelay $0x4  }
0x181: {  	[tilespmem:$0x1FB60] =	vst v0;
	v0 =	vld [tilespmem:s18+$0x89D0];
	_ =	sdelay $0x4  }
0x182: {  	[tilespmem:$0x1FB70] =	vst v0;
	v0 =	vld [tilespmem:s18+$0x10930];
	_ =	sdelay $0x4  }
0x183: {  	[tilespmem:$0x1FCD0] =	vst v0;
	v0 =	vld [tilespmem:s18+$0x10960];
	_ =	sdelay $0x4  }
0x184: {  	[tilespmem:$0x1FB80] =	vst v0;
	v0 =	vld [tilespmem:s18+$0x970];
	_ =	sdelay $0x4  }
0x185: {  	[tilespmem:$0x1FB90] =	vst v0;
	v0 =	vld [tilespmem:s18+$0x10990];
	_ =	sdelay $0x4  }
0x186: {  	[tilespmem:$0x1FD50] =	vst v0;
	v0 =	vld [tilespmem:s18+$0x9A0];
	_ =	sdelay $0x4  }
0x187: {  	[tilespmem:$0x1FCB0] =	vst v0;
	v0 =	vld [tilespmem:s18+$0x108F0];
	_ =	sdelay $0x4  }
0x188: {  	[tilespmem:$0x1FD40] =	vst v0;
	v0 =	vld [tilespmem:s18+$0x10920];
	_ =	sdelay $0x4  }
0x189: {  	[tilespmem:$0x1FD60] =	vst v0;
	v0 =	vld [tilespmem:s18+$0x10940];
	_ =	sdelay $0x4  }
0x18a: {  	[tilespmem:$0x1FBA0] =	vst v0;
	v0 =	vld [tilespmem:s18+$0x960];
	_ =	sdelay $0x4  }
0x18b: {  	[tilespmem:$0x1FCE0] =	vst v0;
	v0 =	vld [tilespmem:s18+$0x8960];
	_ =	sdelay $0x4  }
0x18c: {  	[tilespmem:$0x1FCF0] =	vst v0;
	v0 =	vld [tilespmem:s18+$0x980];
	_ =	sdelay $0x4  }
0x18d: {  	[tilespmem:$0x1FD10] =	vst v0;
	v0 =	vld [tilespmem:s18+$0x990];
	_ =	sdelay $0x4  }
0x18e: {  	[tilespmem:$0x1FD20] =	vst v0;
	v0 =	vld [tilespmem:s18+$0x8990];
	_ =	sdelay $0x4  }
0x18f: {  	[tilespmem:$0x1FD30] =	vst v0;
	v0 =	vld [tilespmem:s18+$0x108E0];
	_ =	sdelay $0x4  }
0x190: {  	[tilespmem:$0x1FDC0] =	vst v0;
	v0 =	vld [tilespmem:s18+$0x10900];
	_ =	sdelay $0x4  }
0x191: {  	[tilespmem:$0x1FDD0] =	vst v0;
	v0 =	vld [tilespmem:s18+$0x10910];
	_ =	sdelay $0x4  }
0x192: {  	[tilespmem:$0x1FDF0] =	vst v0;
	v0 =	vld [tilespmem:s18+$0x940];
	_ =	sdelay $0x4  }
0x193: {  	[tilespmem:$0x1FD70] =	vst v0;
	v0 =	vld [tilespmem:s18+$0x8940];
	_ =	sdelay $0x4  }
0x194: {  	[tilespmem:$0x1FD80] =	vst v0;
	v0 =	vld [tilespmem:s18+$0x950];
	_ =	sdelay $0x4  }
0x195: {  	[tilespmem:$0x1FBB0] =	vst v0;
	v0 =	vld [tilespmem:s18+$0x8950];
	_ =	sdelay $0x4  }
0x196: {  	[tilespmem:$0x1FBC0] =	vst v0;
	v0 =	vld [tilespmem:s18+$0x10870];
	_ =	sdelay $0x4  }
0x197: {  	[tilespmem:$0x1FDE0] =	vst v0;
	v0 =	vld [tilespmem:s18+$0x108A0];
	_ =	sdelay $0x4  }
0x198: {  	[tilespmem:$0x1FBD0] =	vst v0;
	v0 =	vld [tilespmem:s18+$0x8B0];
	_ =	sdelay $0x4  }
0x199: {  	[tilespmem:$0x1FBE0] =	vst v0;
	v0 =	vld [tilespmem:s18+$0x108C0];
	_ =	sdelay $0x4  }
0x19a: {  	[tilespmem:$0x1FE40] =	vst v0;
	v0 =	vld [tilespmem:s18+$0x108D0];
	_ =	sdelay $0x4  }
0x19b: {  	[tilespmem:$0x1FE60] =	vst v0;
	v0 =	vld [tilespmem:s18+$0x10830];
	_ =	sdelay $0x4  }
0x19c: {  	[tilespmem:$0x1FE50] =	vst v0;
	v0 =	vld [tilespmem:s18+$0x10860];
	_ =	sdelay $0x4  }
0x19d: {  	[tilespmem:$0x1FE70] =	vst v0;
	v0 =	vld [tilespmem:s18+$0x10880];
	_ =	sdelay $0x4  }
0x19e: {  	[tilespmem:$0x1FBF0] =	vst v0;
	v0 =	vld [tilespmem:s18+$0x8A0];
	_ =	sdelay $0x4  }
0x19f: {  	[tilespmem:$0x1FE00] =	vst v0;
	v0 =	vld [tilespmem:s18+$0x8C0];
	_ =	sdelay $0x4  }
0x1a0: {  	[tilespmem:$0x1FE20] =	vst v0;
	v0 =	vld [tilespmem:s18+$0x8D0];
	_ =	sdelay $0x4  }
0x1a1: {  	[tilespmem:$0x1FE30] =	vst v0;
	v0 =	vld [tilespmem:s18+$0x10820];
	_ =	sdelay $0x4  }
0x1a2: {  	[tilespmem:$0x1FE90] =	vst v0;
	v0 =	vld [tilespmem:s18+$0x10840];
	_ =	sdelay $0x4  }
0x1a3: {  	[tilespmem:$0x1FEA0] =	vst v0;
	v0 =	vld [tilespmem:s18+$0x10850];
	_ =	sdelay $0x4  }
0x1a4: {  	[tilespmem:$0x1FEC0] =	vst v0;
	v0 =	vld [tilespmem:s18+$0x880];
	_ =	sdelay $0x4  }
0x1a5: {  	[tilespmem:$0x1FE80] =	vst v0;
	v0 =	vld [tilespmem:s18+$0x890];
	_ =	sdelay $0x4  }
0x1a6: {  	[tilespmem:$0x1FC00] =	vst v0;
	v0 =	vld [tilespmem:s18+$0x8890];
	_ =	sdelay $0x4  }
0x1a7: {  	[tilespmem:$0x1FC10] =	vst v0;
	v0 =	vld [tilespmem:s18+$0x107B0];
	_ =	sdelay $0x4  }
0x1a8: {  	[tilespmem:$0x1FEB0] =	vst v0;
	v0 =	vld [tilespmem:s18+$0x107E0];
	_ =	sdelay $0x4  }
0x1a9: {  	[tilespmem:$0x1FC20] =	vst v0;
	v0 =	vld [tilespmem:s18+$0x7F0];
	_ =	sdelay $0x4  }
0x1aa: {  	[tilespmem:$0x1FC30] =	vst v0;
	v0 =	vld [tilespmem:s18+$0x10800];
	_ =	sdelay $0x4  }
0x1ab: {  	[tilespmem:$0x1FED0] =	vst v0;
	v0 =	vld [tilespmem:s18+$0x10810];
	_ =	sdelay $0x4  }
0x1ac: {  	[tilespmem:$0x1FEF0] =	vst v0;
	v0 =	vld [tilespmem:s18+$0x10770];
	_ =	sdelay $0x4  }
0x1ad: {  	[tilespmem:$0x1FEE0] =	vst v0;
	v0 =	vld [tilespmem:s18+$0x107A0];
	_ =	sdelay $0x4  }
0x1ae: {  	[tilespmem:$0x1FF00] =	vst v0;
	v0 =	vld [tilespmem:s18+$0x107C0];
	_ =	sdelay $0x4  }
0x1af: {  	[tilespmem:$0x1FC40] =	vst v0;
	v0 =	vld [tilespmem:s18+$0x10760];
	_ =	sdelay $0x4  }
0x1b0: {  	[tilespmem:$0x1FF30] =	vst v0;
	v0 =	vld [tilespmem:s18+$0x10780];
	_ =	sdelay $0x4  }
0x1b1: {  	[tilespmem:$0x1FF40] =	vst v0;
	v0 =	vld [tilespmem:s18+$0x10790];
	_ =	sdelay $0x4  }
0x1b2: {  	[tilespmem:$0x1FF60] =	vst v0;
	v0 =	vld [tilespmem:s18+$0x7C0];
	_ =	sdelay $0x4  }
0x1b3: {  	[tilespmem:$0x1FF10] =	vst v0;
	v0 =	vld [tilespmem:s18+$0x87C0];
	_ =	sdelay $0x4  }
0x1b4: {  	[tilespmem:$0x1FF20] =	vst v0;
	v0 =	vld [tilespmem:s18+$0x7D0];
	_ =	sdelay $0x4  }
0x1b5: {  	[tilespmem:$0x1FC50] =	vst v0;
	v0 =	vld [tilespmem:s18+$0x87D0];
	_ =	sdelay $0x4  }
0x1b6: {  	[tilespmem:$0x1FC60] =	vst v0;
	v0 =	vld [tilespmem:s18+$0x106F0];
	_ =	sdelay $0x4  }
0x1b7: {  	[tilespmem:$0x1FF50] =	vst v0;
	v0 =	vld [tilespmem:s18+$0x10720];
	_ =	sdelay $0x4  }
0x1b8: {  	[tilespmem:$0x1FC70] =	vst v0;
	v0 =	vld [tilespmem:s18+$0x730];
	_ =	sdelay $0x4  }
0x1b9: {  	[tilespmem:$0x1FC80] =	vst v0;
	v0 =	vld [tilespmem:s18+$0x10740];
	_ =	sdelay $0x4  }
0x1ba: {  	[tilespmem:$0x1FFA0] =	vst v0;
	v0 =	vld [tilespmem:s18+$0x10750];
	_ =	sdelay $0x4  }
0x1bb: {  	[tilespmem:$0x1FFB0] =	vst v0;
	v0 =	vld [tilespmem:s18+$0x106B0];
	_ =	sdelay $0x4  }
0x1bc: {  	[tilespmem:$0x1FFC0] =	vst v0;
	v0 =	vld [tilespmem:s18+$0x106E0];
	_ =	sdelay $0x4  }
0x1bd: {  	[tilespmem:$0x1FFD0] =	vst v0;
	v0 =	vld [tilespmem:s18+$0x10700];
	_ =	sdelay $0x4  }
0x1be: {  	[tilespmem:$0x1FC90] =	vst v0;
	v0 =	vld [tilespmem:s18+$0x720];
	_ =	sdelay $0x4  }
0x1bf: {  	[tilespmem:$0x1FF80] =	vst v0;
	v0 =	vld [tilespmem:s18+$0x8720];
	_ =	sdelay $0x2  }
0x1c0: {  	v60 =	vld [tilespmem:s18+$0x9F0]  }
0x1c1: {  	v4 =	vld [tilespmem:s18+$0x109B0]  }
0x1c2: {  	[tilespmem:$0x1FF90] =	vst v0;
	v0 =	vld [tilespmem:s18+$0x740]  }
0x1c3: {  	v8 =	vld [tilespmem:s18+$0x109A0]  }
0x1c4: {  	v5 =	vld [tilespmem:s18+$0x9B0]  }
0x1c5: {  	v24 =	vld [tilespmem:s18+$0x89B0]  }
0x1c6: {  	v6 =	vld [tilespmem:s18+$0x9C0]  }
0x1c7: {  	[tilespmem:$0x1FF70] =	vst v0;
	v0 =	vld [tilespmem:s18+$0x10630]  }
0x1c8: {  	v15 =	vld [tilespmem:s18+$0x89C0]  }
0x1c9: {  	v1 =	vld [tilespmem:s18+$0x89A0]  }
0x1ca: {  	v32 =	vld [tilespmem:s18+$0x930]  }
0x1cb: {  	v3 =	vld [tilespmem:s18+$0x8930]  }
0x1cc: {  	[tilespmem:$0x1FCA0] =	vst v0;
	v0 =	vmul.f32 v24, v5;
	v5 =	vld [tilespmem:$0x1FCB0]  }
0x1cd: {  	v49 =	vld [tilespmem:s18+$0x10980]  }
0x1ce: {  	v20 =	vld [tilespmem:s18+$0x8980]  }
0x1cf: {  	v37 =	vld [tilespmem:s18+$0x8F0]  }
0x1d0: {  	v33 =	vld [tilespmem:s18+$0x88F0]  }
0x1d1: {  	v25 =	vld [tilespmem:s18+$0x920];
	v3 =	vmul.f32 v3, v32;
	v32 =	vmul.f32 v1, v5  }
0x1d2: {  	v2 =	vld [tilespmem:s18+$0x8920];
	v5 =	vmul.f32 v4, v0;
	v0 =	vmul.f32 v15, v6  }
0x1d3: {  	v44 =	vld [tilespmem:s18+$0x8E0]  }
0x1d4: {  	[tilespmem:$0x1FCC0] =	vst v0;
	v0 =	vld [tilespmem:s18+$0x106C0]  }
0x1d5: {  	v39 =	vld [tilespmem:s18+$0x88E0]  }
0x1d6: {  	v40 =	vld [tilespmem:s18+$0x900]  }
0x1d7: {  	v47 =	vld [tilespmem:s18+$0x8900]  }
0x1d8: {  	v41 =	vld [tilespmem:s18+$0x910]  }
0x1d9: {  	[tilespmem:$0x1FFE0] =	vst v0;
	v0 =	vld [tilespmem:$0x1FCD0]  }
0x1da: {  	v35 =	vld [tilespmem:s18+$0x8910]  }
0x1db: {  	v30 =	vld [tilespmem:s18+$0x870]  }
0x1dc: {  	v52 =	vld [tilespmem:s18+$0x8870]  }
0x1dd: {  	v42 =	vld [tilespmem:s18+$0x88A0]  }
0x1de: {  	v6 =	vmul.f32 v0, v3;
	v0 =	vld [tilespmem:s18+$0x106D0]  }
0x1df: {  	v56 =	vld [tilespmem:s18+$0x88C0]  }
0x1e0: {  	v58 =	vld [tilespmem:s18+$0x88D0]  }
0x1e1: {  	v59 =	vld [tilespmem:s18+$0x830]  }
0x1e2: {  	v1 =	vld [tilespmem:$0x1FCF0]  }
0x1e3: {  	[tilespmem:$0x1FFF0] =	vst v0;
	v0 =	vld [tilespmem:$0x1FCE0]  }
0x1e4: {  	v63 =	vld [tilespmem:s18+$0x8830]  }
0x1e5: {  	v51 =	vld [tilespmem:s18+$0x860]  }
0x1e6: {  	v26 =	vld [tilespmem:s18+$0x8860]  }
0x1e7: {  	v43 =	vld [tilespmem:s18+$0x8880]  }
0x1e8: {  	v16 =	vld [tilespmem:s18+$0x820];
	v0 =	vmul.f32 v1, v0  }
0x1e9: {  	v13 =	vld [tilespmem:s18+$0x8820]  }
0x1ea: {  	[tilespmem:$0x1FD00] =	vst v0;
	v0 =	vld [tilespmem:$0x1FD10]  }
0x1eb: {  	v11 =	vld [tilespmem:s18+$0x840]  }
0x1ec: {  	v10 =	vld [tilespmem:s18+$0x8840]  }
0x1ed: {  	v22 =	vld [tilespmem:s18+$0x850]  }
0x1ee: {  	v18 =	vld [tilespmem:s18+$0x8850]  }
0x1ef: {  	v9 =	vld [tilespmem:s18+$0x7B0];
	v0 =	vmul.f32 v20, v0  }
0x1f0: {  	v7 =	vld [tilespmem:s18+$0x87B0];
	v4 =	vmul.f32 v8, v32;
	v32 =	vmul.f32 v33, v37  }
0x1f1: {  	v37 =	vmul.f32 v2, v25;
	v2 =	vmul.f32 v49, v0;
	v0 =	vld [tilespmem:$0x1FD40]  }
0x1f2: {  	v29 =	vld [tilespmem:s18+$0x7E0]  }
0x1f3: {  	v3 =	vld [tilespmem:$0x1FD30]  }
0x1f4: {  	v1 =	vld [tilespmem:$0x1FD20]  }
0x1f5: {  	v36 =	vld [tilespmem:s18+$0x87E0]  }
0x1f6: {  	v8 =	vmul.f32 v0, v32;
	v0 =	vld [tilespmem:$0x1FD50]  }
0x1f7: {  	v38 =	vld [tilespmem:s18+$0x800]  }
0x1f8: {  	v31 =	vld [tilespmem:s18+$0x8800]  }
0x1f9: {  	v55 =	vld [tilespmem:s18+$0x810];
	v33 =	vmul.f32 v3, v1  }
0x1fa: {  	v50 =	vld [tilespmem:s18+$0x8810]  }
0x1fb: {  	v1 =	vmul.f32 v0, v33;
	v0 =	vld [tilespmem:$0x1FD60]  }
0x1fc: {  	v21 =	vld [tilespmem:s18+$0x770]  }
0x1fd: {  	v17 =	vld [tilespmem:s18+$0x8770]  }
0x1fe: {  	v23 =	vld [tilespmem:s18+$0x7A0]  }
0x1ff: {  	v19 =	vld [tilespmem:s18+$0x87A0]  }
0x200: {  	v3 =	vmul.f32 v0, v37;
	v0 =	vld [tilespmem:$0x1FD70]  }
0x201: {  	v37 =	vld [tilespmem:$0x1FD80]  }
0x202: {  	v45 =	vld [tilespmem:s18+$0x760]  }
0x203: {  	v34 =	vld [tilespmem:s18+$0x8760]  }
0x204: {  	v57 =	vld [tilespmem:s18+$0x780]  }
0x205: {  	v27 =	vld [tilespmem:s18+$0x8780]  }
0x206: {  	v53 =	vld [tilespmem:s18+$0x790];
	v0 =	vmul.f32 v37, v0  }
0x207: {  	v46 =	vld [tilespmem:s18+$0x8790]  }
0x208: {  	[tilespmem:$0x1FD90] =	vst v0;
	v0 =	vld [tilespmem:s18+$0x710]  }
0x209: {  	v14 =	vld [tilespmem:s18+$0x6F0]  }
0x20a: {  	v12 =	vld [tilespmem:s18+$0x86F0]  }
0x20b: {  	v61 =	vld [tilespmem:s18+$0x8740]  }
0x20c: {  	v33 =	vld [tilespmem:$0x1FDC0]  }
0x20d: {  	v1 =	vadd.f32 v1, v2;
	[tilespmem:$0x1FDA0] =	vst v0;
	v0 =	vmul.f32 v39, v44;
	v39 =	vmul.f32 v47, v40;
	v47 =	vld [tilespmem:s18+$0x8710]  }
0x20e: {  	v28 =	vld [tilespmem:s18+$0x750]  }
0x20f: {  	v1 =	vadd.f32 v4, v1;
	v4 =	vld [tilespmem:$0x1FEB0]  }
0x210: {  	v54 =	vld [tilespmem:s18+$0x8750]  }
0x211: {  	v62 =	vld [tilespmem:s18+$0x106A0]  }
0x212: {  	v2 =	vmul.f32 v7, v9;
	[tilespmem:$0x1FDB0] =	vst v47;
	v47 =	vmul.f32 v33, v0;
	v0 =	vld [tilespmem:$0x1FDD0]  }
0x213: {  	v10 =	vmul.f32 v10, v11;
	v11 =	vld [tilespmem:$0x1FE90]  }
0x214: {  	v7 =	vmul.f32 v18, v22;
	v22 =	vmul.f32 v4, v2;
	v2 =	vld [tilespmem:$0x1FEC0]  }
0x215: {  	v48 =	vld [tilespmem:s18+$0x6B0]  }
0x216: {  	v13 =	vmul.f32 v13, v16;
	v16 =	vadd.f32 v5, v1;
	v5 =	vld [tilespmem:$0x1FED0]  }
0x217: {  	v52 =	vmul.f32 v52, v30;
	v30 =	vmul.f32 v0, v39;
	v0 =	vld [tilespmem:$0x1FDE0]  }
0x218: {  	v35 =	vmul.f32 v35, v41;
	v41 =	vld [tilespmem:$0x1FE00];
	v11 =	vmul.f32 v11, v13  }
0x219: {  	v13 =	vld [tilespmem:$0x1FEA0];
	v4 =	vmul.f32 v2, v7;
	v7 =	vmul.f32 v31, v38  }
0x21a: {  	v24 =	vld [tilespmem:s18+$0x86B0]  }
0x21b: {  	v1 =	vmul.f32 v17, v21;
	v21 =	vmul.f32 v5, v7;
	v7 =	vld [tilespmem:$0x1FEE0]  }
0x21c: {  	v52 =	vmul.f32 v0, v52;
	v0 =	vld [tilespmem:$0x1FDF0]  }
0x21d: {  	v44 =	vld [tilespmem:$0x1FE20]  }
0x21e: {  	v15 =	vld [tilespmem:s18+$0x86E0]  }
0x21f: {  	v25 =	vld [tilespmem:s18+$0x8700]  }
0x220: {  	v13 =	vmul.f32 v13, v10;
	v20 =	vld [tilespmem:s18+$0x6E0]  }
0x221: {  	v10 =	vmul.f32 v7, v1;
	v1 =	vld [tilespmem:$0x1FEF0];
	v0 =	vmul.f32 v0, v35  }
0x222: {  	v32 =	vmul.f32 v42, v41;
	v42 =	vmul.f32 v56, v44;
	v56 =	vld [tilespmem:$0x1FE30]  }
0x223: {  	v44 =	vmul.f32 v63, v59;
	v63 =	vld [tilespmem:$0x1FE50];
	v2 =	vadd.f32 v0, v30  }
0x224: {  	v49 =	vld [tilespmem:s18+$0x700];
	v17 =	vmul.f32 v50, v55  }
0x225: {  	v15 =	vmul.f32 v15, v20;
	v20 =	vld [tilespmem:$0x1FFE0];
	v3 =	vadd.f32 v3, v2  }
0x226: {  	v17 =	vmul.f32 v1, v17;
	v1 =	vld [tilespmem:$0x1FF00]  }
0x227: {  	v59 =	vld [tilespmem:$0x1FE40];
	v3 =	vadd.f32 v6, v3  }
0x228: {  	[tilespmem:$0x1FE10] =	vst v32;
	(xrf2) =	vadd.scan.msk.f32 $0xffff, v16;
	v32 =	vmul.f32 v58, v56;
	v56 =	vmul.f32 v63, v44;
	v44 =	vld [tilespmem:$0x1FE60]  }
0x229: {  	v19 =	vmul.f32 v19, v23;
	(xrf2) =	vadd.scan.msk.f32 $0xffff, v3;
	v3 =	vmul.f32 v12, v14;
	v12 =	vld [tilespmem:$0x1FF30]  }
0x22a: {  	v41 =	vld [tilespmem:s18+$0x10680]  }
0x22b: {  	v6 =	vmul.f32 v1, v19;
	v1 =	vld [tilespmem:$0x1FF10]  }
0x22c: {  	v26 =	vmul.f32 v26, v51;
	v16 =	vmul.f32 v34, v45;
	v19 =	vld [tilespmem:$0x1FF20]  }
0x22d: {  	v9 =	vld [tilespmem:s18+$0x86C0];
	v51 =	vmul.f32 v59, v42;
	v32 =	vmul.f32 v44, v32  }
0x22e: {  	v55 =	vmul.f32 v12, v16;
	v12 =	vld [tilespmem:$0x1FF40]  }
0x22f: {  	v18 =	vld [tilespmem:s18+$0x6D0];
	v23 =	vadd.f32 v32, v51  }
0x230: {  	v37 =	vld [tilespmem:s18+$0x10620]  }
0x231: {  	v5 =	vld [tilespmem:s18+$0x620];
	v38 =	vmul.f32 v19, v1;
	v19 =	vadd.f32 v47, v23;
	v23 =	vmul.f32 v27, v57  }
0x232: {  	v13 =	vadd.f32 v4, v13;
	v4 =	vld [tilespmem:s18+$0x660]  }
0x233: {  	v16 =	vmul.f32 v12, v23;
	v12 =	vld [tilespmem:$0x1FF50]  }
0x234: {  	v40 =	vld [tilespmem:s18+$0x8630]  }
0x235: {  	v7 =	vld [tilespmem:s18+$0x8620]  }
0x236: {  	v33 =	vld [tilespmem:s18+$0x6C0]  }
0x237: {  	v39 =	vld [tilespmem:s18+$0x630]  }
0x238: {  	v12 =	vmul.f32 v12, v3;
	v3 =	vld [tilespmem:$0x1FF60]  }
0x239: {  	v42 =	vld [tilespmem:s18+$0x10690]  }
0x23a: {  	v58 =	vld [tilespmem:$0x1FE70]  }
0x23b: {  	v59 =	vld [tilespmem:$0x1FE80];
	v14 =	vmul.f32 v46, v53  }
0x23c: {  	v63 =	vld [tilespmem:s18+$0x86D0];
	v17 =	vadd.f32 v17, v21  }
0x23d: {  	v14 =	vmul.f32 v3, v14;
	v3 =	vld [tilespmem:$0x1FF70]  }
0x23e: {  	v17 =	vadd.f32 v11, v17;
	v11 =	vld [tilespmem:$0x1FFA0]  }
0x23f: {  	v44 =	vld [tilespmem:s18+$0x6A0]  }
0x240: {  	v26 =	vmul.f32 v58, v26;
	v58 =	vmul.f32 v43, v59;
	v43 =	vld [tilespmem:s18+$0x86A0]  }
0x241: {  	v59 =	vld [tilespmem:s18+$0x8690]  }
0x242: {  	v63 =	vmul.f32 v63, v18;
	v18 =	vld [tilespmem:s18+$0x8610];
	v8 =	vadd.f32 v8, v19;
	v19 =	vmul.f32 v61, v3  }
0x243: {  	v13 =	vadd.f32 v26, v13;
	v26 =	vld [tilespmem:s18+$0x690]  }
0x244: {  	v61 =	vmul.f32 v11, v19;
	v11 =	vld [tilespmem:$0x1FFB0]  }
0x245: {  	v35 =	vld [tilespmem:s18+$0x10660]  }
0x246: {  	v0 =	vld [tilespmem:s18+$0x10600]  }
0x247: {  	v21 =	vmul.f32 v54, v28;
	v2 =	vld [tilespmem:s18+$0x10610]  }
0x248: {  	v1 =	vld [tilespmem:s18+$0x10640]  }
0x249: {  	v21 =	vmul.f32 v11, v21;
	v11 =	vld [tilespmem:$0x1FFC0]  }
0x24a: {  	v27 =	vld [tilespmem:s18+$0x680]  }
0x24b: {  	v57 =	vadd.f32 v52, v13;
	v13 =	vld [tilespmem:$0x1FF90]  }
0x24c: {  	v24 =	vmul.f32 v24, v48;
	(xrf2) =	vadd.scan.msk.f32 $0xffff, v8;
	v8 =	vld [tilespmem:$0x1FFD0]  }
0x24d: {  	v23 =	vld [tilespmem:s18+$0x8680]  }
0x24e: {  	v3 =	vld [tilespmem:$0x1FF80];
	v11 =	vmul.f32 v11, v24;
	v24 =	vadd.f32 v56, v17;
	v17 =	vmul.f32 v9, v33  }
0x24f: {  	v19 =	vadd.f32 v14, v16;
	v14 =	vld [tilespmem:s18+$0x600]  }
0x250: {  	v20 =	vmul.f32 v20, v17;
	v17 =	vld [tilespmem:$0x1FFF0]  }
0x251: {  	v16 =	vld [tilespmem:s18+$0x610];
	v6 =	vadd.f32 v6, v19  }
0x252: {  	v19 =	vmul.f32 v8, v15;
	v15 =	vld [tilespmem:s18+$0x640];
	v8 =	vadd.f32 v21, v61  }
0x253: {  	v36 =	vmul.f32 v36, v29;
	(xrf2) =	vadd.scan.msk.f32 $0xffff, v57;
	v3 =	vmul.f32 v13, v3;
	v13 =	vld [tilespmem:s18+$0x8600];
	v6 =	vadd.f32 v22, v6  }
0x254: {  	v45, _, _ =	vpop (xrf2);
	v22 =	vmul.f32 v23, v27;
	v23 =	vmul.f32 v59, v26;
	(xrf2) =	vadd.scan.msk.f32 $0xffff, v24;
	v24 =	vadd.f32 v55, v8;
	v8 =	vld [tilespmem:s18+$0x650]  }
0x255: {  	s19 =	simm.s32 $0x18600;
	s20 =	simm.s32 $0x2000;
	v34, _, _ =	vpop (xrf2);
	v9 =	vmul.f32 v25, v49;
	v21 =	vmul.f32 v17, v63;
	v17 =	vld [tilespmem:s18+$0x8640]  }
.LBB2_2:
0x256: {  	_ =	sdelay $0x1  }
0x257: {  	v10 =	vadd.f32 v10, v24;
	v13 =	vmul.f32 v13, v14;
	v14 =	vmul.f32 v18, v16  }
0x258: {  	(xrf2) =	vadd.scan.msk.f32 $0xffff, v6;
	v5 =	vmul.f32 v7, v5  }
0x259: {  	v6, _, _ =	vpop (xrf2);
	(xrf2) =	vadd.scan.msk.f32 $0xffff, v10;
	v10 =	vmul.f32 v0, v13;
	v2 =	vmul.f32 v2, v14  }
0x25a: {  	v26 =	vld [tilespmem:s18+$0x8650]  }
0x25b: {  	v27 =	vmul.f32 v43, v44;
	v5 =	vmul.f32 v37, v5;
	v2 =	vadd.f32 v2, v10  }
0x25c: {  	v20 =	vadd.f32 v21, v20;
	v22 =	vmul.f32 v41, v22;
	v23 =	vmul.f32 v42, v23;
	v16 =	vld [tilespmem:s18+$0x10650]  }
0x25d: {  	v2 =	vadd.f32 v5, v2;
	v5 =	vld [tilespmem:$0x1FCA0]  }
0x25e: {  	v21 =	vld [tilespmem:s18+$0x8660];
	v18 =	vadd.f32 v19, v20;
	v19 =	vadd.f32 v23, v22;
	v20 =	vmul.f32 v62, v27  }
0x25f: {  	v25 =	vmul.f32 v40, v39;
	v7 =	vld [tilespmem:s18+$0x670];
	v8 =	vmul.f32 v26, v8  }
0x260: {  	v13 =	vld [tilespmem:s18+$0x8670];
	v12 =	vadd.f32 v12, v18;
	v18 =	vmul.f32 v17, v15;
	v15 =	vadd.f32 v20, v19  }
0x261: {  	v8 =	vmul.f32 v16, v8;
	v16 =	vld [tilespmem:$0x1FDB0]  }
0x262: {  	v11 =	vadd.f32 v11, v15;
	v15 =	vld [tilespmem:$0x1FDA0];
	v5 =	vmul.f32 v5, v25  }
0x263: {  	v17 =	vld [tilespmem:s18+$0x10710]  }
0x264: {  	v2 =	vadd.f32 v5, v2;
	v5 =	vld [tilespmem:$0x1FC90]  }
0x265: {  	v10 =	vld [tilespmem:s18+$0x10670]  }
0x266: {  	v4 =	vmul.f32 v21, v4;
	v1 =	vmul.f32 v1, v18  }
0x267: {  	v15 =	vmul.f32 v16, v15  }
0x268: {  	v4 =	vmul.f32 v35, v4;
	v1 =	vadd.f32 v8, v1;
	v7 =	vmul.f32 v13, v7  }
0x269: {  	v5 =	vmul.f32 v5, v9;
	v9 =	vmul.f32 v17, v15  }
0x26a: {  	v1 =	vadd.f32 v4, v1;
	v4 =	vmul.f32 v10, v7;
	v7 =	vld [tilespmem:$0x1FC50]  }
0x26b: {  	v5 =	vadd.f32 v9, v5;
	v9 =	vld [tilespmem:$0x1FC70]  }
0x26c: {  	v0, _, _ =	vpop (xrf2);
	(xrf2) =	vadd.scan.msk.f32 $0xffff, v12;
	v10 =	vld [tilespmem:$0x1FC60]  }
0x26d: {  	v14, _, _ =	vpop (xrf2);
	(xrf2) =	vadd.scan.msk.f32 $0xffff, v11;
	v16 =	vld [tilespmem:s18+$0x107D0]  }
0x26e: {  	v13, _, _ =	vpop (xrf2);
	(xrf2) =	vadd.scan.msk.f32 $0xffff, v2;
	v2 =	vld [tilespmem:$0x1FC40]  }
0x26f: {  	v12 =	vld [tilespmem:s18+$0x8730]  }
0x270: {  	v3 =	vmul.f32 v9, v3;
	v9 =	vld [tilespmem:$0x1FC80]  }
0x271: {  	v7 =	vmul.f32 v10, v7  }
0x272: {  	v8 =	vld [tilespmem:s18+$0x10730]  }
0x273: {  	v11 =	vld [tilespmem:s18+$0x87F0];
	v1 =	vadd.f32 v4, v1;
	v4 =	vmul.f32 v16, v7;
	v2 =	vmul.f32 v2, v38  }
0x274: {  	v16 =	vld [tilespmem:$0x1FC30]  }
0x275: {  	v2 =	vadd.f32 v4, v2;
	v4 =	vld [tilespmem:$0x1FC20];
	v9 =	vmul.f32 v12, v9  }
0x276: {  	v12 =	vld [tilespmem:s18+$0x107F0]  }
0x277: {  	v3 =	vadd.f32 v3, v5;
	v5 =	vmul.f32 v8, v9;
	v8 =	vld [tilespmem:$0x1FC00]  }
0x278: {  	v9 =	vld [tilespmem:$0x1FC10]  }
0x279: {  	v10 =	vld [tilespmem:s18+$0x10890]  }
0x27a: {  	v15, _, _ =	vpop (xrf2);
	(xrf2) =	vadd.scan.msk.f32 $0xffff, v1;
	v1 =	vadd.f32 v5, v3;
	v3 =	vld [tilespmem:$0x1FBF0]  }
0x27b: {  	v11 =	vmul.f32 v11, v16;
	v4 =	vmul.f32 v4, v36  }
0x27c: {  	v17 =	vld [tilespmem:$0x1FE10]  }
0x27d: {  	v2 =	vadd.f32 v4, v2;
	v4 =	vmul.f32 v12, v11;
	v11 =	vld [tilespmem:$0x1FBB0];
	v8 =	vmul.f32 v9, v8  }
0x27e: {  	v12 =	vld [tilespmem:$0x1FBC0]  }
0x27f: {  	v9 =	vld [tilespmem:s18+$0x10950];
	v3 =	vmul.f32 v3, v58;
	v5 =	vmul.f32 v10, v8  }
0x280: {  	v10, _, _ =	vpop (xrf2);
	(xrf2) =	vadd.scan.msk.f32 $0xffff, v1;
	v1 =	vadd.f32 v4, v2;
	v2 =	vld [tilespmem:$0x1FBA0]  }
0x281: {  	v3 =	vadd.f32 v5, v3;
	v5 =	vld [tilespmem:$0x1FBD0]  }
0x282: {  	v4 =	vld [tilespmem:$0x1FD90];
	_ =	sdelay $0x2  }
0x283: {  	v7 =	vld [tilespmem:s18+$0x88B0];
	v18 =	vmul.f32 v12, v11  }
0x284: {  	v5 =	vmul.f32 v5, v17;
	v17 =	vld [tilespmem:$0x1FBE0]  }
0x285: {  	v16 =	vld [tilespmem:s18+$0x108B0];
	v2 =	vmul.f32 v2, v4;
	v4 =	vmul.f32 v9, v18  }
0x286: {  	v18 =	vld [tilespmem:$0x1FD00]  }
0x287: {  	v2 =	vadd.f32 v4, v2;
	v4 =	vld [tilespmem:$0x1FB80];
	_ =	sdelay $0x1  }
0x288: {  	v7 =	vmul.f32 v7, v17;
	_ =	sdelay $0x1  }
0x289: {  	v8 =	vld [tilespmem:s18+$0x8970];
	v3 =	vadd.f32 v5, v3;
	v5 =	vmul.f32 v16, v7  }
0x28a: {  	v4 =	vmul.f32 v4, v18;
	v18 =	vld [tilespmem:$0x1FB90]  }
0x28b: {  	v11, _, _ =	vpop (xrf2);
	(xrf2) =	vadd.scan.msk.f32 $0xffff, v1;
	v1 =	vadd.f32 v5, v3;
	v3 =	vld [tilespmem:$0x1FB30]  }
0x28c: {  	v5 =	vld [tilespmem:$0x1FCC0]  }
0x28d: {  	v17 =	vld [tilespmem:s18+$0x10970]  }
0x28e: {  	v7 =	vld [tilespmem:$0x1FB60]  }
0x28f: {  	v16 =	vld [tilespmem:$0x1FB70]  }
0x290: {  	v12 =	vld [tilespmem:s18+$0x89E0];
	v8 =	vmul.f32 v8, v18  }
0x291: {  	v3 =	vmul.f32 v3, v5;
	v5 =	vld [tilespmem:$0x1FB50]  }
0x292: {  	v17 =	vmul.f32 v17, v8;
	v8 =	vld [tilespmem:$0x1FB40]  }
0x293: {  	v9 =	vld [tilespmem:s18+$0x89F0]  }
0x294: {  	v7 =	vmul.f32 v16, v7;
	v16 =	vld [tilespmem:s18+$0x109E0];
	_ =	sdelay $0x1  }
0x295: {  	v2 =	vadd.f32 v4, v2;
	v5 =	vmul.f32 v12, v5;
	v12 =	vld [tilespmem:s18+$0x109F0]  }
0x296: {  	v7 =	vmul.f32 v8, v7  }
0x297: {  	v18, _, _ =	vpop (xrf2);
	(xrf2) =	vadd.scan.msk.f32 $0xffff, v1;
	v1 =	vadd.f32 v17, v2  }
0x298: {  	v4, _, _ =	vpop (xrf2);
	v8 =	vmul.f32 v9, v60;
	v2 =	vadd.f32 v7, v3;
	v3 =	vmul.f32 v16, v5  }
0x299: {  	v4 =	vbroadcast v4, $0xF;
	v9 =	vbroadcast v18, $0xF  }
0x29a: {  	(xrf2) =	vadd.scan.msk.f32 $0xffff, v1;
	v7 =	vbroadcast v11, $0xF;
	v2 =	vadd.f32 v3, v2;
	v3 =	vmul.f32 v12, v8  }
0x29b: {  	v1 =	vsel vm0, v9, v4;
	v4 =	vbroadcast v10, $0xF;
	v5, _, _ =	vpop (xrf2)  }
0x29c: {  	v1 =	vsel vm1, v1, v7;
	v7 =	vbroadcast v5, $0xF;
	v2 =	vadd.f32 v3, v2  }
0x29d: {  	v1 =	vsel vm2, v1, v4;
	v3 =	vbroadcast v15, $0xF  }
0x29e: {  	v4 =	vbroadcast v13, $0xF;
	v5, _, _ =	vpop (xrf2);
	v1 =	vsel vm3, v1, v7;
	(xrf2) =	vadd.scan.msk.f32 $0xffff, v2  }
0x29f: {  	v5 =	vbroadcast v5, $0xF;
	v1 =	vsel vm4, v1, v3  }
0x2a0: {  	v3 =	vbroadcast v14, $0xF;
	v1 =	vsel vm5, v1, v4  }
0x2a1: {  	v0 =	vbroadcast v0, $0xF;
	v1 =	vsel vm6, v1, v5;
	v2, _, _ =	vpop (xrf2)  }
0x2a2: {  	v1 =	vsel vm7, v1, v3;
	v2 =	vbroadcast v2, $0xF  }
0x2a3: {  	v0 =	vsel vm8, v1, v0;
	v1 =	vbroadcast v6, $0xF  }
0x2a4: {  	v3, _, _ =	vpop (xrf2);
	v0 =	vsel vm9, v0, v2;
	v2 =	vbroadcast v34, $0xF  }
0x2a5: {  	v3 =	vbroadcast v3, $0xF;
	v0 =	vsel vm10, v0, v1  }
0x2a6: {  	v0 =	vsel vm11, v0, v2;
	v2 =	vbroadcast v45, $0xF  }
0x2a7: {  	v0 =	vsel vm12, v0, v3  }
0x2a8: {  	v0 =	vsel vm13, v0, v2;
	v1, _, _ =	vpop (xrf2)  }
0x2a9: {  	s19 =	sadd.s32 $0x10, s19;
	v0 =	vsel vm14, v0, v1  }
0x2aa: {  	s18 =	sshra.s32 s20, $0x2;
	[tilespmem:s19+$0x0] =	vst v0  }
0x2ab: {  	v0 =	vld [tilespmem:s18+$0x9F0];
	_ =	sdelay $0x4  }
0x2ac: {  	[tilespmem:$0x1F5F0] =	vst v0;
	v0 =	vld [tilespmem:s18+$0x109C0];
	_ =	sdelay $0x4  }
0x2ad: {  	[tilespmem:$0x1FB30] =	vst v0;
	v0 =	vld [tilespmem:s18+$0x109D0];
	_ =	sdelay $0x4  }
0x2ae: {  	[tilespmem:$0x1FB40] =	vst v0;
	v0 =	vld [tilespmem:s18+$0x9E0];
	_ =	sdelay $0x4  }
0x2af: {  	[tilespmem:$0x1FB50] =	vst v0;
	v0 =	vld [tilespmem:s18+$0x9D0];
	_ =	sdelay $0x4  }
0x2b0: {  	[tilespmem:$0x1FB60] =	vst v0;
	v0 =	vld [tilespmem:s18+$0x89D0];
	_ =	sdelay $0x4  }
0x2b1: {  	[tilespmem:$0x1FB70] =	vst v0;
	v0 =	vld [tilespmem:s18+$0x10960];
	_ =	sdelay $0x4  }
0x2b2: {  	[tilespmem:$0x1FB80] =	vst v0;
	v0 =	vld [tilespmem:s18+$0x970];
	_ =	sdelay $0x4  }
0x2b3: {  	[tilespmem:$0x1FB90] =	vst v0;
	v0 =	vld [tilespmem:s18+$0x10940];
	_ =	sdelay $0x4  }
0x2b4: {  	[tilespmem:$0x1FBA0] =	vst v0;
	v0 =	vld [tilespmem:s18+$0x8960];
	_ =	sdelay $0x4  }
0x2b5: {  	[tilespmem:$0x1F3A0] =	vst v0;
	v0 =	vld [tilespmem:s18+$0x980];
	_ =	sdelay $0x4  }
0x2b6: {  	[tilespmem:$0x1F3B0] =	vst v0;
	v0 =	vld [tilespmem:s18+$0x8980];
	_ =	sdelay $0x4  }
0x2b7: {  	[tilespmem:$0x1F3C0] =	vst v0;
	v0 =	vld [tilespmem:s18+$0x990];
	_ =	sdelay $0x4  }
0x2b8: {  	[tilespmem:$0x1F3F0] =	vst v0;
	v0 =	vld [tilespmem:s18+$0x8990];
	_ =	sdelay $0x4  }
0x2b9: {  	[tilespmem:$0x1F400] =	vst v0;
	v0 =	vld [tilespmem:s18+$0x8F0];
	_ =	sdelay $0x4  }
0x2ba: {  	[tilespmem:$0x1F3D0] =	vst v0;
	v0 =	vld [tilespmem:s18+$0x88F0];
	_ =	sdelay $0x4  }
0x2bb: {  	[tilespmem:$0x1F3E0] =	vst v0;
	v0 =	vld [tilespmem:s18+$0x940];
	_ =	sdelay $0x4  }
0x2bc: {  	[tilespmem:$0x1F410] =	vst v0;
	v0 =	vld [tilespmem:s18+$0x8940];
	_ =	sdelay $0x4  }
0x2bd: {  	[tilespmem:$0x1F420] =	vst v0;
	v0 =	vld [tilespmem:s18+$0x950];
	_ =	sdelay $0x4  }
0x2be: {  	[tilespmem:$0x1FBB0] =	vst v0;
	v0 =	vld [tilespmem:s18+$0x8950];
	_ =	sdelay $0x4  }
0x2bf: {  	[tilespmem:$0x1FBC0] =	vst v0;
	v0 =	vld [tilespmem:s18+$0x108A0];
	_ =	sdelay $0x4  }
0x2c0: {  	[tilespmem:$0x1FBD0] =	vst v0;
	v0 =	vld [tilespmem:s18+$0x8B0];
	_ =	sdelay $0x4  }
0x2c1: {  	[tilespmem:$0x1FBE0] =	vst v0;
	v0 =	vld [tilespmem:s18+$0x8E0];
	_ =	sdelay $0x4  }
0x2c2: {  	[tilespmem:$0x1F430] =	vst v0;
	v0 =	vld [tilespmem:s18+$0x88E0];
	_ =	sdelay $0x4  }
0x2c3: {  	[tilespmem:$0x1F440] =	vst v0;
	v0 =	vld [tilespmem:s18+$0x900];
	_ =	sdelay $0x4  }
0x2c4: {  	[tilespmem:$0x1F450] =	vst v0;
	v0 =	vld [tilespmem:s18+$0x910];
	_ =	sdelay $0x4  }
0x2c5: {  	[tilespmem:$0x1F460] =	vst v0;
	v0 =	vld [tilespmem:s18+$0x10830];
	_ =	sdelay $0x4  }
0x2c6: {  	[tilespmem:$0x1F4D0] =	vst v0;
	v0 =	vld [tilespmem:s18+$0x10860];
	_ =	sdelay $0x4  }
0x2c7: {  	[tilespmem:$0x1F4E0] =	vst v0;
	v0 =	vld [tilespmem:s18+$0x10880];
	_ =	sdelay $0x4  }
0x2c8: {  	[tilespmem:$0x1FBF0] =	vst v0;
	v0 =	vld [tilespmem:s18+$0x8A0];
	_ =	sdelay $0x4  }
0x2c9: {  	[tilespmem:$0x1F470] =	vst v0;
	v0 =	vld [tilespmem:s18+$0x88A0];
	_ =	sdelay $0x4  }
0x2ca: {  	[tilespmem:$0x1F480] =	vst v0;
	v0 =	vld [tilespmem:s18+$0x8C0];
	_ =	sdelay $0x4  }
0x2cb: {  	[tilespmem:$0x1F490] =	vst v0;
	v0 =	vld [tilespmem:s18+$0x8D0];
	_ =	sdelay $0x4  }
0x2cc: {  	[tilespmem:$0x1F4B0] =	vst v0;
	v0 =	vld [tilespmem:s18+$0x88D0];
	_ =	sdelay $0x4  }
0x2cd: {  	[tilespmem:$0x1F4C0] =	vst v0;
	v0 =	vld [tilespmem:s18+$0x10820];
	_ =	sdelay $0x4  }
0x2ce: {  	[tilespmem:$0x1F550] =	vst v0;
	v0 =	vld [tilespmem:s18+$0x830];
	_ =	sdelay $0x4  }
0x2cf: {  	[tilespmem:$0x1F4A0] =	vst v0;
	v0 =	vld [tilespmem:s18+$0x10840];
	_ =	sdelay $0x4  }
0x2d0: {  	[tilespmem:$0x1F560] =	vst v0;
	v0 =	vld [tilespmem:s18+$0x10850];
	_ =	sdelay $0x4  }
0x2d1: {  	[tilespmem:$0x1F580] =	vst v0;
	v0 =	vld [tilespmem:s18+$0x880];
	_ =	sdelay $0x4  }
0x2d2: {  	[tilespmem:$0x1F4F0] =	vst v0;
	v0 =	vld [tilespmem:s18+$0x8880];
	_ =	sdelay $0x4  }
0x2d3: {  	[tilespmem:$0x1F500] =	vst v0;
	v0 =	vld [tilespmem:s18+$0x890];
	_ =	sdelay $0x4  }
0x2d4: {  	[tilespmem:$0x1FC00] =	vst v0;
	v0 =	vld [tilespmem:s18+$0x8890];
	_ =	sdelay $0x4  }
0x2d5: {  	[tilespmem:$0x1FC10] =	vst v0;
	v0 =	vld [tilespmem:s18+$0x107B0];
	_ =	sdelay $0x4  }
0x2d6: {  	[tilespmem:$0x1F570] =	vst v0;
	v0 =	vld [tilespmem:s18+$0x107E0];
	_ =	sdelay $0x4  }
0x2d7: {  	[tilespmem:$0x1FC20] =	vst v0;
	v0 =	vld [tilespmem:s18+$0x7F0];
	_ =	sdelay $0x4  }
0x2d8: {  	[tilespmem:$0x1FC30] =	vst v0;
	v0 =	vld [tilespmem:s18+$0x10800];
	_ =	sdelay $0x4  }
0x2d9: {  	[tilespmem:$0x1F5B0] =	vst v0;
	v0 =	vld [tilespmem:s18+$0x10810];
	_ =	sdelay $0x4  }
0x2da: {  	[tilespmem:$0x1F5D0] =	vst v0;
	v0 =	vld [tilespmem:s18+$0x820];
	_ =	sdelay $0x4  }
0x2db: {  	[tilespmem:$0x1F510] =	vst v0;
	v0 =	vld [tilespmem:s18+$0x8820];
	_ =	sdelay $0x4  }
0x2dc: {  	[tilespmem:$0x1F520] =	vst v0;
	v0 =	vld [tilespmem:s18+$0x840];
	_ =	sdelay $0x4  }
0x2dd: {  	[tilespmem:$0x1F530] =	vst v0;
	v0 =	vld [tilespmem:s18+$0x850];
	_ =	sdelay $0x4  }
0x2de: {  	[tilespmem:$0x1F540] =	vst v0;
	v0 =	vld [tilespmem:s18+$0x10770];
	_ =	sdelay $0x4  }
0x2df: {  	[tilespmem:$0x1F5C0] =	vst v0;
	v0 =	vld [tilespmem:s18+$0x107A0];
	_ =	sdelay $0x4  }
0x2e0: {  	[tilespmem:$0x1F5E0] =	vst v0;
	v0 =	vld [tilespmem:s18+$0x107C0];
	_ =	sdelay $0x4  }
0x2e1: {  	[tilespmem:$0x1FC40] =	vst v0;
	v0 =	vld [tilespmem:s18+$0x7E0];
	_ =	sdelay $0x4  }
0x2e2: {  	[tilespmem:$0x1F590] =	vst v0;
	v0 =	vld [tilespmem:s18+$0x810];
	_ =	sdelay $0x4  }
0x2e3: {  	[tilespmem:$0x1F5A0] =	vst v0;
	v0 =	vld [tilespmem:s18+$0x10760];
	_ =	sdelay $0x4  }
0x2e4: {  	[tilespmem:$0x1F600] =	vst v0;
	v0 =	vld [tilespmem:s18+$0x10780];
	_ =	sdelay $0x4  }
0x2e5: {  	[tilespmem:$0x1F610] =	vst v0;
	v0 =	vld [tilespmem:s18+$0x10790];
	_ =	sdelay $0x4  }
0x2e6: {  	[tilespmem:$0x1F630] =	vst v0;
	v0 =	vld [tilespmem:s18+$0x7D0];
	_ =	sdelay $0x4  }
0x2e7: {  	[tilespmem:$0x1FC50] =	vst v0;
	v0 =	vld [tilespmem:s18+$0x87D0];
	_ =	sdelay $0x4  }
0x2e8: {  	[tilespmem:$0x1FC60] =	vst v0;
	v0 =	vld [tilespmem:s18+$0x106F0];
	_ =	sdelay $0x4  }
0x2e9: {  	[tilespmem:$0x1F620] =	vst v0;
	v0 =	vld [tilespmem:s18+$0x10720];
	_ =	sdelay $0x4  }
0x2ea: {  	[tilespmem:$0x1FC70] =	vst v0;
	v0 =	vld [tilespmem:s18+$0x730];
	_ =	sdelay $0x4  }
0x2eb: {  	[tilespmem:$0x1FC80] =	vst v0;
	v0 =	vld [tilespmem:s18+$0x10740];
	_ =	sdelay $0x4  }
0x2ec: {  	[tilespmem:$0x1F640] =	vst v0;
	v0 =	vld [tilespmem:s18+$0x10750];
	_ =	sdelay $0x4  }
0x2ed: {  	[tilespmem:$0x1F650] =	vst v0;
	v0 =	vld [tilespmem:s18+$0x106B0];
	_ =	sdelay $0x4  }
0x2ee: {  	[tilespmem:$0x1F660] =	vst v0;
	v0 =	vld [tilespmem:s18+$0x106E0];
	_ =	sdelay $0x4  }
0x2ef: {  	[tilespmem:$0x1F670] =	vst v0;
	v0 =	vld [tilespmem:s18+$0x10700];
	_ =	sdelay $0x4  }
0x2f0: {  	[tilespmem:$0x1FC90] =	vst v0;
	v0 =	vld [tilespmem:s18+$0x10630];
	_ =	sdelay $0x2  }
0x2f1: {  	v48 =	vld [tilespmem:s18+$0x9C0]  }
0x2f2: {  	v50 =	vld [tilespmem:s18+$0x89C0]  }
0x2f3: {  	[tilespmem:$0x1FCA0] =	vst v0;
	v0 =	vld [tilespmem:s18+$0x106C0];
	_ =	sdelay $0x4  }
0x2f4: {  	v8 =	vld [tilespmem:s18+$0x930];
	[tilespmem:$0x1F680] =	vst v0;
	v0 =	vmul.f32 v50, v48  }
0x2f5: {  	v52 =	vld [tilespmem:s18+$0x960]  }
0x2f6: {  	[tilespmem:$0x1FCC0] =	vst v0;
	v0 =	vld [tilespmem:$0x1F3A0]  }
0x2f7: {  	v3 =	vld [tilespmem:s18+$0x8930]  }
0x2f8: {  	v29 =	vld [tilespmem:s18+$0x109A0]  }
0x2f9: {  	v51 =	vld [tilespmem:s18+$0x10930]  }
0x2fa: {  	v47 =	vld [tilespmem:s18+$0x9A0]  }
0x2fb: {  	v49 =	vld [tilespmem:s18+$0x89A0];
	v0 =	vmul.f32 v0, v52  }
0x2fc: {  	v46 =	vmul.f32 v3, v8;
	v3 =	vld [tilespmem:$0x1F3C0]  }
0x2fd: {  	[tilespmem:$0x1FD00] =	vst v0;
	v0 =	vld [tilespmem:$0x1F3B0];
	_ =	sdelay $0x2  }
0x2fe: {  	v47 =	vmul.f32 v49, v47  }
0x2ff: {  	v50 =	vmul.f32 v51, v46  }
0x300: {  	v51 =	vmul.f32 v29, v47;
	v47 =	vmul.f32 v3, v0;
	v0 =	vld [tilespmem:$0x1F3D0]  }
0x301: {  	v3 =	vld [tilespmem:$0x1F3E0];
	_ =	sdelay $0x4  }
0x302: {  	v29 =	vmul.f32 v3, v0;
	v0 =	vld [tilespmem:$0x1F3F0]  }
0x303: {  	v3 =	vld [tilespmem:$0x1F400];
	_ =	sdelay $0x4  }
0x304: {  	v52 =	vmul.f32 v3, v0;
	v0 =	vld [tilespmem:s18+$0x710]  }
0x305: {  	v28 =	vld [tilespmem:s18+$0x109B0]  }
0x306: {  	v23 =	vld [tilespmem:s18+$0x9B0]  }
0x307: {  	v45 =	vld [tilespmem:s18+$0x89B0]  }
0x308: {  	v3 =	vld [tilespmem:$0x1F420]  }
0x309: {  	[tilespmem:$0x1FDA0] =	vst v0;
	v0 =	vld [tilespmem:$0x1F410]  }
0x30a: {  	v30 =	vld [tilespmem:s18+$0x10980]  }
0x30b: {  	v53 =	vld [tilespmem:s18+$0x10990]  }
0x30c: {  	v55 =	vld [tilespmem:s18+$0x108F0]  }
0x30d: {  	v54 =	vld [tilespmem:s18+$0x10920]  }
0x30e: {  	v56 =	vld [tilespmem:s18+$0x108E0];
	v0 =	vmul.f32 v3, v0  }
0x30f: {  	v58 =	vld [tilespmem:s18+$0x10900]  }
0x310: {  	[tilespmem:$0x1FD90] =	vst v0;
	v0 =	vld [tilespmem:s18+$0x8710]  }
0x311: {  	v57 =	vld [tilespmem:s18+$0x10910]  }
0x312: {  	v33 =	vld [tilespmem:s18+$0x920]  }
0x313: {  	v32 =	vld [tilespmem:s18+$0x8920]  }
0x314: {  	v3 =	vld [tilespmem:$0x1F440]  }
0x315: {  	[tilespmem:$0x1FDB0] =	vst v0;
	v0 =	vld [tilespmem:$0x1F430]  }
0x316: {  	v62 =	vld [tilespmem:s18+$0x10870]  }
0x317: {  	v60 =	vld [tilespmem:s18+$0x108C0]  }
0x318: {  	v59 =	vld [tilespmem:s18+$0x108D0];
	v33 =	vmul.f32 v32, v33  }
0x319: {  	v37 =	vld [tilespmem:s18+$0x8900];
	v52 =	vmul.f32 v53, v52  }
0x31a: {  	v53 =	vmul.f32 v54, v33;
	v54 =	vmul.f32 v3, v0;
	v0 =	vld [tilespmem:$0x1F450]  }
0x31b: {  	v40 =	vld [tilespmem:s18+$0x8910]  }
0x31c: {  	v39 =	vld [tilespmem:s18+$0x870]  }
0x31d: {  	v35 =	vld [tilespmem:s18+$0x8870];
	v23 =	vmul.f32 v45, v23  }
0x31e: {  	v41 =	vld [tilespmem:s18+$0x88C0]  }
0x31f: {  	v49 =	vmul.f32 v28, v23;
	v28 =	vmul.f32 v37, v0;
	v0 =	vld [tilespmem:$0x1F460]  }
0x320: {  	v42 =	vld [tilespmem:s18+$0x8830]  }
0x321: {  	v44 =	vld [tilespmem:s18+$0x860]  }
0x322: {  	v43 =	vld [tilespmem:s18+$0x8860]  }
0x323: {  	v36 =	vld [tilespmem:s18+$0x8840]  }
0x324: {  	v54 =	vmul.f32 v56, v54;
	v56 =	vld [tilespmem:$0x1F470];
	v0 =	vmul.f32 v40, v0  }
0x325: {  	v29 =	vmul.f32 v55, v29;
	v55 =	vmul.f32 v58, v28;
	v58 =	vld [tilespmem:$0x1F490]  }
0x326: {  	v0 =	vmul.f32 v57, v0;
	v57 =	vld [tilespmem:$0x1F480]  }
0x327: {  	v38 =	vld [tilespmem:s18+$0x8850]  }
0x328: {  	v61 =	vld [tilespmem:s18+$0x7B0];
	v35 =	vmul.f32 v35, v39  }
0x329: {  	v63 =	vld [tilespmem:s18+$0x87B0]  }
0x32a: {  	v3 =	vmul.f32 v62, v35;
	v62 =	vmul.f32 v41, v58;
	v58 =	vld [tilespmem:$0x1F4C0]  }
0x32b: {  	v28 =	vmul.f32 v57, v56;
	v56 =	vld [tilespmem:$0x1F4A0]  }
0x32c: {  	v57 =	vld [tilespmem:$0x1F4B0]  }
0x32d: {  	v33 =	vld [tilespmem:$0x1F4E0]  }
0x32e: {  	v32 =	vmul.f32 v60, v62;
	v62 =	vld [tilespmem:$0x1F4D0]  }
0x32f: {  	v34 =	vld [tilespmem:s18+$0x87E0]  }
0x330: {  	v7 =	vld [tilespmem:s18+$0x800];
	v56 =	vmul.f32 v42, v56  }
0x331: {  	v2 =	vld [tilespmem:s18+$0x8800];
	v57 =	vmul.f32 v58, v57;
	v58 =	vmul.f32 v43, v44  }
0x332: {  	v60 =	vld [tilespmem:$0x1F520]  }
0x333: {  	v56 =	vmul.f32 v62, v56;
	v62 =	vmul.f32 v33, v58;
	v58 =	vld [tilespmem:$0x1F4F0]  }
0x334: {  	v57 =	vmul.f32 v59, v57;
	v59 =	vld [tilespmem:$0x1F500]  }
0x335: {  	v33 =	vld [tilespmem:$0x1F510]  }
0x336: {  	v5 =	vld [tilespmem:s18+$0x8810]  }
0x337: {  	v1 =	vld [tilespmem:s18+$0x770]  }
0x338: {  	v27 =	vld [tilespmem:s18+$0x8770]  }
0x339: {  	v10 =	vld [tilespmem:s18+$0x7A0]  }
0x33a: {  	v58 =	vmul.f32 v59, v58;
	v59 =	vmul.f32 v60, v33;
	v60 =	vld [tilespmem:$0x1F530]  }
0x33b: {  	v12 =	vld [tilespmem:s18+$0x87A0]  }
0x33c: {  	v25 =	vld [tilespmem:s18+$0x7C0]  }
0x33d: {  	v4 =	vld [tilespmem:s18+$0x87C0]  }
0x33e: {  	v13 =	vld [tilespmem:s18+$0x760]  }
0x33f: {  	v36 =	vmul.f32 v36, v60;
	v60 =	vld [tilespmem:$0x1F550]  }
0x340: {  	v15 =	vld [tilespmem:s18+$0x8760]  }
0x341: {  	v31 =	vld [tilespmem:s18+$0x780]  }
0x342: {  	v18 =	vld [tilespmem:s18+$0x8780]  }
0x343: {  	v14 =	vld [tilespmem:s18+$0x790]  }
0x344: {  	v59 =	vmul.f32 v60, v59;
	v60 =	vld [tilespmem:$0x1F560]  }
0x345: {  	v16 =	vld [tilespmem:s18+$0x8790]  }
0x346: {  	v22 =	vld [tilespmem:s18+$0x6F0]  }
0x347: {  	v26 =	vld [tilespmem:s18+$0x86F0]  }
0x348: {  	v9 =	vld [tilespmem:s18+$0x720]  }
0x349: {  	v60 =	vmul.f32 v60, v36;
	v36 =	vld [tilespmem:$0x1F570]  }
0x34a: {  	v11 =	vld [tilespmem:s18+$0x8720]  }
0x34b: {  	v17 =	vld [tilespmem:s18+$0x740]  }
0x34c: {  	v61 =	vmul.f32 v63, v61;
	v63 =	vld [tilespmem:$0x1F540]  }
0x34d: {  	v20 =	vld [tilespmem:s18+$0x8740]  }
0x34e: {  	v61 =	vmul.f32 v36, v61;
	v36 =	vld [tilespmem:$0x1F580]  }
0x34f: {  	v19 =	vld [tilespmem:s18+$0x750]  }
0x350: {  	v21 =	vld [tilespmem:s18+$0x8750]  }
0x351: {  	v6 =	vld [tilespmem:s18+$0x106A0];
	v38 =	vmul.f32 v38, v63  }
0x352: {  	v24 =	vld [tilespmem:s18+$0x6B0]  }
0x353: {  	v45 =	vld [tilespmem:s18+$0x86B0];
	v33 =	vmul.f32 v36, v38;
	v38 =	vadd.f32 v0, v55  }
0x354: {  	v55 =	vld [tilespmem:$0x1F590]  }
0x355: {  	v38 =	vadd.f32 v53, v38;
	v53 =	vld [tilespmem:$0x1F5E0]  }
0x356: {  	v8 =	vld [tilespmem:s18+$0x106D0]  }
0x357: {  	v39 =	vld [tilespmem:s18+$0x630];
	v7 =	vmul.f32 v2, v7  }
0x358: {  	v2 =	vld [tilespmem:s18+$0x10610];
	v1 =	vmul.f32 v27, v1;
	v12 =	vmul.f32 v12, v10;
	v32 =	vadd.f32 v57, v32  }
0x359: {  	v22 =	vmul.f32 v26, v22;
	v26 =	vld [tilespmem:s18+$0x8680];
	v30 =	vmul.f32 v30, v47  }
0x35a: {  	v27 =	vld [tilespmem:$0x1F5A0];
	v36 =	vmul.f32 v34, v55;
	v34 =	vmul.f32 v53, v12;
	v12 =	vadd.f32 v54, v32  }
0x35b: {  	v10 =	vld [tilespmem:$0x1F5B0]  }
0x35c: {  	v14 =	vmul.f32 v16, v14;
	v30 =	vadd.f32 v52, v30;
	v16 =	vadd.f32 v29, v12;
	v12 =	vld [tilespmem:$0x1F600]  }
0x35d: {  	v23 =	vld [tilespmem:s18+$0x700]  }
0x35e: {  	v13 =	vmul.f32 v15, v13;
	v63 =	vld [tilespmem:s18+$0x6D0];
	v30 =	vadd.f32 v51, v30  }
0x35f: {  	v15 =	vmul.f32 v18, v31;
	v27 =	vmul.f32 v5, v27;
	v5 =	vld [tilespmem:s18+$0x620]  }
0x360: {  	v30 =	vadd.f32 v49, v30;
	v49 =	vmul.f32 v10, v7;
	v10 =	vld [tilespmem:$0x1F5C0];
	v18 =	vadd.f32 v33, v60  }
0x361: {  	v55 =	vmul.f32 v12, v13;
	v12 =	vld [tilespmem:$0x1F610]  }
0x362: {  	v13 =	vadd.f32 v62, v18;
	v62 =	vmov v6;
	v6 =	vld [tilespmem:$0x1F620]  }
0x363: {  	v46 =	vld [tilespmem:s18+$0x6E0]  }
0x364: {  	v48 =	vld [tilespmem:s18+$0x86E0]  }
0x365: {  	v47 =	vld [tilespmem:s18+$0x8700]  }
0x366: {  	v10 =	vmul.f32 v10, v1;
	v1 =	vld [tilespmem:$0x1F5D0]  }
0x367: {  	v15 =	vmul.f32 v12, v15;
	v12 =	vmul.f32 v6, v22;
	v6 =	vld [tilespmem:$0x1F630]  }
0x368: {  	v52 =	vld [tilespmem:s18+$0x86C0]  }
0x369: {  	v51 =	vld [tilespmem:s18+$0x86D0]  }
0x36a: {  	v7 =	vld [tilespmem:s18+$0x8620]  }
0x36b: {  	v27 =	vmul.f32 v1, v27;
	v1 =	vld [tilespmem:s18+$0x10640]  }
0x36c: {  	v50 =	vadd.f32 v50, v38;
	v18 =	vmul.f32 v6, v14;
	v6 =	vld [tilespmem:$0x1F640]  }
0x36d: {  	(xrf2) =	vadd.scan.msk.f32 $0xffff, v30;
	v35 =	vld [tilespmem:s18+$0x10660]  }
0x36e: {  	v37 =	vld [tilespmem:s18+$0x10620];
	(xrf2) =	vadd.scan.msk.f32 $0xffff, v50  }
0x36f: {  	v40 =	vld [tilespmem:s18+$0x8630];
	(xrf2) =	vadd.scan.msk.f32 $0xffff, v16;
	v16 =	vmul.f32 v20, v17  }
0x370: {  	v41 =	vld [tilespmem:s18+$0x10680]  }
0x371: {  	v17 =	vmul.f32 v21, v19;
	v21 =	vmul.f32 v6, v16;
	v6 =	vld [tilespmem:$0x1F650]  }
0x372: {  	[tilespmem:$0x1FE10] =	vst v28;
	v28 =	vld [tilespmem:s18+$0x6C0]  }
0x373: {  	v42 =	vld [tilespmem:s18+$0x10690]  }
0x374: {  	v44 =	vld [tilespmem:s18+$0x6A0]  }
0x375: {  	v43 =	vld [tilespmem:s18+$0x86A0]  }
0x376: {  	v17 =	vmul.f32 v6, v17;
	v6 =	vld [tilespmem:$0x1F660]  }
0x377: {  	v57 =	vld [tilespmem:s18+$0x690]  }
0x378: {  	v0 =	vld [tilespmem:s18+$0x10600]  }
0x379: {  	v60 =	vld [tilespmem:$0x1F5F0];
	v20 =	vmul.f32 v45, v24  }
0x37a: {  	v38 =	vmul.f32 v4, v25;
	v4 =	vld [tilespmem:s18+$0x660]  }
0x37b: {  	v19 =	vadd.f32 v3, v13;
	v3 =	vmul.f32 v11, v9;
	v11 =	vmul.f32 v6, v20;
	v6 =	vld [tilespmem:$0x1F670]  }
0x37c: {  	v25 =	vld [tilespmem:s18+$0x680]  }
0x37d: {  	v13 =	vld [tilespmem:s18+$0x8600];
	v14 =	vadd.f32 v27, v49  }
0x37e: {  	(xrf2) =	vadd.scan.msk.f32 $0xffff, v19;
	v19 =	vmul.f32 v48, v46;
	v27 =	vld [tilespmem:s18+$0x8690]  }
0x37f: {  	v9 =	vadd.f32 v59, v14;
	v14 =	vld [tilespmem:s18+$0x600]  }
0x380: {  	p0 =	sne.s32 s20, $0x1F000;
	v15 =	vadd.f32 v18, v15;
	v19 =	vmul.f32 v6, v19;
	v6 =	vld [tilespmem:$0x1F680]  }
.Ltmp0:
0x381: {  	v24 =	vmul.f32 v51, v63;
	v18 =	vld [tilespmem:s18+$0x8610];
	(pc) =	sbr.rel @p0 .LBB2_2-.Ltmp0, $4  }
0x382: {  	v59 =	vadd.f32 v34, v15;
	v15 =	vld [tilespmem:s18+$0x640];
	v63 =	vadd.f32 v17, v21  }
0x383: {  	v22 =	vmul.f32 v52, v28;
	v16 =	vld [tilespmem:s18+$0x610];
	v21 =	vmul.f32 v8, v24;
	v20 =	vadd.f32 v56, v9  }
0x384: {  	v45, _, _ =	vpop (xrf2);
	v17 =	vld [tilespmem:s18+$0x8640];
	v24 =	vadd.f32 v55, v63;
	v9 =	vmul.f32 v47, v23;
	v23 =	vmul.f32 v27, v57  }
0x385: {  	s20 =	sadd.s32 $0x1000, s20;
	v34, _, _ =	vpop (xrf2);
	v8 =	vld [tilespmem:s18+$0x650];
	(xrf2) =	vadd.scan.msk.f32 $0xffff, v20;
	v20 =	vmul.f32 v6, v22;
	v6 =	vadd.f32 v61, v59;
	v22 =	vmul.f32 v26, v25  }
0x386: {  	v51 =	vld [tilespmem:s18+$0x8650]  }
0x387: {  	v52 =	vld [tilespmem:s18+$0x8660]  }
0x388: {  	v55 =	vld [tilespmem:s18+$0x10650]  }
0x389: {  	v59 =	vld [tilespmem:s18+$0x670]  }
0x38a: {  	v61 =	vld [tilespmem:s18+$0x8670]  }
0x38b: {  	v63 =	vld [tilespmem:s18+$0x10710]  }
0x38c: {  	v10 =	vadd.f32 v10, v24;
	v24 =	vld [tilespmem:$0x1FDA0]  }
0x38d: {  	v28 =	vld [tilespmem:s18+$0x10730]  }
0x38e: {  	v29 =	vld [tilespmem:$0x1FC90]  }
0x38f: {  	v31 =	vld [tilespmem:s18+$0x87F0]  }
0x390: {  	v33 =	vld [tilespmem:$0x1FC50]  }
0x391: {  	v25 =	vmul.f32 v40, v39;
	v39 =	vld [tilespmem:$0x1FC70]  }
0x392: {  	v40 =	vld [tilespmem:$0x1FC80]  }
0x393: {  	v23 =	vmul.f32 v42, v23;
	v42 =	vld [tilespmem:$0x1FC40]  }
0x394: {  	v26 =	vmul.f32 v43, v44;
	v43 =	vld [tilespmem:s18+$0x88B0]  }
0x395: {  	v47 =	vld [tilespmem:$0x1FC00]  }
0x396: {  	v48 =	vld [tilespmem:$0x1FC10]  }
0x397: {  	v49 =	vld [tilespmem:s18+$0x10950]  }
0x398: {  	v50 =	vld [tilespmem:$0x1FC20]  }
0x399: {  	v20 =	vadd.f32 v21, v20;
	v21 =	vld [tilespmem:s18+$0x10670]  }
0x39a: {  	v22 =	vmul.f32 v41, v22;
	v41 =	vld [tilespmem:s18+$0x107F0]  }
0x39b: {  	v57 =	vmul.f32 v62, v26;
	v26 =	vld [tilespmem:s18+$0x107D0]  }
0x39c: {  	v5 =	vmul.f32 v7, v5;
	v56 =	vadd.f32 v23, v22;
	v22 =	vld [tilespmem:s18+$0x8730]  }
0x39d: {  	v23 =	vld [tilespmem:$0x1FCA0]  }
0x39e: {  	v53 =	vmul.f32 v18, v16;
	v54 =	vadd.f32 v19, v20;
	v19 =	vmul.f32 v37, v5;
	v37 =	vld [tilespmem:s18+$0x10890]  }
0x39f: {  	v20 =	vld [tilespmem:s18+$0x10970]  }
0x3a0: {  	v2 =	vmul.f32 v2, v53;
	v53 =	vld [tilespmem:$0x1FBF0]  }
0x3a1: {  	v8 =	vmul.f32 v51, v8;
	v51 =	vld [tilespmem:$0x1FC30]  }
0x3a2: {  	v4 =	vmul.f32 v52, v4;
	v52 =	vld [tilespmem:s18+$0x108B0]  }
0x3a3: {  	v13 =	vmul.f32 v13, v14;
	v12 =	vadd.f32 v12, v54;
	v54 =	vld [tilespmem:s18+$0x8970]  }
0x3a4: {  	v7 =	vadd.f32 v57, v56;
	v56 =	vld [tilespmem:$0x1FBB0]  }
0x3a5: {  	v0 =	vmul.f32 v0, v13;
	v57 =	vld [tilespmem:$0x1FBC0]  }
0x3a6: {  	v27 =	vmul.f32 v61, v59;
	v59 =	vld [tilespmem:$0x1FBD0]  }
0x3a7: {  	v62 =	vmul.f32 v17, v15;
	v0 =	vadd.f32 v2, v0;
	v2 =	vmul.f32 v23, v25;
	v25 =	vld [tilespmem:$0x1FDB0]  }
0x3a8: {  	v61 =	vld [tilespmem:$0x1FE10]  }
0x3a9: {  	v1 =	vmul.f32 v1, v62;
	v62 =	vld [tilespmem:$0x1FBE0]  }
0x3aa: {  	v4 =	vmul.f32 v35, v4;
	v35 =	vld [tilespmem:$0x1FC60]  }
0x3ab: {  	v3 =	vmul.f32 v39, v3;
	v39 =	vld [tilespmem:$0x1FB40];
	v8 =	vmul.f32 v55, v8  }
0x3ac: {  	v32 =	vmul.f32 v21, v27;
	v21 =	vld [tilespmem:$0x1FBA0];
	v0 =	vadd.f32 v19, v0;
	v14 =	vmul.f32 v25, v24  }
0x3ad: {  	(xrf2) =	vadd.scan.msk.f32 $0xffff, v6;
	v7 =	vadd.f32 v11, v7;
	v27 =	vld [tilespmem:$0x1FB70];
	v6 =	vmul.f32 v22, v40;
	v1 =	vadd.f32 v8, v1  }
0x3ae: {  	v22 =	vld [tilespmem:$0x1FD90];
	v0 =	vadd.f32 v2, v0;
	v2 =	vmul.f32 v29, v9;
	v30 =	vmul.f32 v63, v14  }
0x3af: {  	(xrf2) =	vadd.scan.msk.f32 $0xffff, v10;
	v46 =	vmul.f32 v28, v6;
	v29 =	vld [tilespmem:$0x1FB80];
	v1 =	vadd.f32 v4, v1;
	v5 =	vmul.f32 v35, v33  }
0x3b0: {  	(xrf2) =	vadd.scan.msk.f32 $0xffff, v12;
	v9 =	vmul.f32 v31, v51;
	v10 =	vmul.f32 v57, v56;
	v31 =	vld [tilespmem:$0x1FB90];
	v2 =	vadd.f32 v30, v2  }
0x3b1: {  	(xrf2) =	vadd.scan.msk.f32 $0xffff, v7;
	v4 =	vmul.f32 v42, v38;
	v33 =	vld [tilespmem:$0x1FB30];
	v1 =	vadd.f32 v32, v1;
	v5 =	vmul.f32 v26, v5  }
0x3b2: {  	v7 =	vmul.f32 v43, v62;
	(xrf2) =	vadd.scan.msk.f32 $0xffff, v0;
	v26 =	vld [tilespmem:$0x1FB60];
	v44 =	vadd.f32 v3, v2;
	v3 =	vmul.f32 v48, v47  }
0x3b3: {  	v55 =	vmul.f32 v41, v9;
	(xrf2) =	vadd.scan.msk.f32 $0xffff, v1;
	v4 =	vadd.f32 v5, v4;
	v5 =	vmul.f32 v50, v36;
	v30 =	vld [tilespmem:$0x1FD00]  }
0x3b4: {  	v35 =	vld [tilespmem:$0x1FCC0];
	v2 =	vmul.f32 v53, v58;
	v0 =	vadd.f32 v46, v44;
	v3 =	vmul.f32 v37, v3  }
0x3b5: {  	v6 =	vmul.f32 v49, v10;
	v9, _, _ =	vpop (xrf2);
	v1 =	vmul.f32 v52, v7;
	v4 =	vadd.f32 v5, v4;
	v58 =	vld [tilespmem:s18+$0x89E0]  }
0x3b6: {  	v63, _, _ =	vpop (xrf2);
	v5 =	vmul.f32 v21, v22;
	v37 =	vld [tilespmem:$0x1FB50];
	v2 =	vadd.f32 v3, v2;
	v3 =	vmul.f32 v59, v61;
	(xrf2) =	vadd.scan.msk.f32 $0xffff, v0  }
0x3b7: {  	v24 =	vld [tilespmem:s18+$0x89F0];
	v8 =	vmul.f32 v54, v31;
	v23, _, _ =	vpop (xrf2);
	v7 =	vmul.f32 v27, v26;
	v4 =	vadd.f32 v55, v4  }
0x3b8: {  	v28 =	vld [tilespmem:s18+$0x109E0];
	v25, _, _ =	vpop (xrf2);
	v5 =	vadd.f32 v6, v5;
	v6 =	vmul.f32 v29, v30;
	v2 =	vadd.f32 v3, v2  }
0x3b9: {  	v32, _, _ =	vpop (xrf2);
	v0 =	vmul.f32 v20, v8;
	(xrf2) =	vadd.scan.msk.f32 $0xffff, v4  }
0x3ba: {  	v38 =	vld [tilespmem:s18+$0x109F0];
	v36, _, _ =	vpop (xrf2);
	v5 =	vadd.f32 v6, v5;
	v6 =	vmul.f32 v39, v7;
	v1 =	vadd.f32 v1, v2  }
0x3bb: {  	v40, _, _ =	vpop (xrf2);
	v11 =	vmul.f32 v58, v37;
	v2 =	vmul.f32 v33, v35  }
0x3bc: {  	v41 =	vmul.f32 v24, v60;
	v42, _, _ =	vpop (xrf2);
	(xrf2) =	vadd.scan.msk.f32 $0xffff, v1  }
0x3bd: {  	v44, _, _ =	vpop (xrf2);
	v0 =	vadd.f32 v0, v5;
	v43 =	vmul.f32 v28, v11;
	v2 =	vadd.f32 v6, v2  }
0x3be: {  	v1 =	vbroadcast v42, $0xF;
	v6 =	vbroadcast v44, $0xF  }
0x3bf: {  	v46 =	vmul.f32 v38, v41;
	v47 =	vbroadcast v40, $0xF;
	(xrf2) =	vadd.scan.msk.f32 $0xffff, v0;
	v2 =	vadd.f32 v43, v2  }
0x3c0: {  	v48 =	vbroadcast v36, $0xF;
	v1 =	vsel vm0, v1, v6;
	v49, _, _ =	vpop (xrf2)  }
0x3c1: {  	v0 =	vsel vm1, v1, v47;
	v50 =	vadd.f32 v46, v2;
	v51 =	vbroadcast v49, $0xF  }
0x3c2: {  	v4 =	vbroadcast v32, $0xF;
	v0 =	vsel vm2, v0, v48  }
0x3c3: {  	v52 =	vbroadcast v25, $0xF;
	v53, _, _ =	vpop (xrf2);
	(xrf2) =	vadd.scan.msk.f32 $0xffff, v50;
	v0 =	vsel vm3, v0, v51  }
0x3c4: {  	v1 =	vbroadcast v53, $0xF;
	v0 =	vsel vm4, v0, v4  }
0x3c5: {  	v54 =	vbroadcast v23, $0xF;
	v0 =	vsel vm5, v0, v52  }
0x3c6: {  	v55 =	vbroadcast v63, $0xF;
	v0 =	vsel vm6, v0, v1;
	v56, _, _ =	vpop (xrf2)  }
0x3c7: {  	v0 =	vsel vm7, v0, v54;
	v57 =	vbroadcast v56, $0xF  }
0x3c8: {  	v58 =	vbroadcast v9, $0xF;
	v0 =	vsel vm8, v0, v55  }
0x3c9: {  	v59 =	vbroadcast v34, $0xF;
	v60, _, _ =	vpop (xrf2);
	v0 =	vsel vm9, v0, v57  }
0x3ca: {  	v61 =	vbroadcast v60, $0xF;
	v0 =	vsel vm10, v0, v58  }
0x3cb: {  	v62 =	vbroadcast v45, $0xF;
	v0 =	vsel vm11, v0, v59  }
0x3cc: {  	v0 =	vsel vm12, v0, v61  }
0x3cd: {  	s17 =	sadd.s32 $0x1, s17;
	v63, _, _ =	vpop (xrf2);
	v0 =	vsel vm13, v0, v62  }
0x3ce: {  	s20 =	sadd.s32 $0x10, s19;
	p0 =	sne.s32 s17, s9;
	v0 =	vsel vm14, v0, v63  }
.Ltmp1:
0x3cf: {  	[tilespmem:s20+$0x0] =	vst v0;
	(pc) =	sbr.rel @p0 .LBB2_1-.Ltmp1, $4  }
0x3d0: {  	[hbm4b:s8+s1] =	stream.linear.scatter [tilespmem:s16], [sflag:$0x2], $0x200, $0x38;
	[tilespmem:$0x18800] =	vst v63  }
0x3d1: {  	_ =	swait.ge [sflag:s10], $0x200  }
0x3d2: {  	[sflag:s10] =	ssyncset.done $0x0  }
0x3d3: {  	[sflag:s10] =	ssyncadd.s32 $0xFFFFFE00  }
0x3d4: {  	_ =	sfence.sel $0x180000  }
0x3d5: {  	[bflag:$0x0] =	sbarrier.arrive $0xFFFF  }
0x3d6: {  	_ =	strace $0x90000047  }
0x3d7: {  	s0 =	stileid.u32;
	[bflag:$0x2] =	sbarrier.arrive $0xFFFF  }
0x3d8: {  	p0 =	sne.s32 s0, $0x0;
	s0 =	rddreg [dreg:$0x5]  }
0x3d9: {  	s0 =	sadd.s32 @!p0 $0x100000, s0  }
0x3da: {  	[sflag:s0] =	ssyncadd.tile.s32 @!p0 $0x1;
	_ =	shalt  }
.Lfunc_end2:
_tile_overlayer_lowered:
.L_overlay_start_2:
0x3db: {  	(tag) =	ssettag $0x2  }
0x3dc: {  	s0 =	rddreg [dreg:$0x0];
	s2 =	stileid.u32  }
0x3dd: {  	s1 =	rddreg [dreg:$0x1];
	p0 =	sne.s32 s2, $0x0  }
0x3de: {  	s3 =	rddreg [dreg:$0x2];
	[bflag:$0x3] =	sbarrier.arrive $0xFFFF;
	s2 =	simm.s32 @!p0 $0x1C02  }
0x3df: {  	[timem:s3], [sflag:s2] =	dma.local @!p0 [hbm:s0], s1  }
0x3e0: {  	s0 =	simm.s32 @!p0 $0x2  }
0x3e1: {  	_ =	swait.ge @!p0 [sflag:s0], s1  }
0x3e2: {  	s1 =	ssub.s32 @!p0 $0x0, s1;
	[sflag:s0] =	ssyncset.done @!p0 $0x0  }
0x3e3: {  	[sflag:s0] =	ssyncadd.s32 @!p0 s1  }
0x3e4: {  	[bflag:$0x3] =	sbarrier.arrive $0xFFFF  }
0x3e5: {  	_ =	shalt  }

</sc_bundles>
